<compile_context>
chip_gen: v7x
topology: tpu7x:2x2x1
jax: 0.10.2.dev20260603
libtpu: 0.0.44.dev20260713+nightly
codegen_flags: <defaults>
</compile_context>

<pallas_src>
import functools

import jax
import jax.numpy as jnp
from jax import lax
from jax.experimental import pallas as pl
from jax.experimental.pallas import tpu as pltpu
from jax.experimental.pallas import tpu_sc as plsc

NC = 2
NS = 16
NW = NC * NS

F32 = jnp.float32
HID = 128
BLK = 2048


def _leaky(x):
    return jnp.where(x >= 0, x, 0.2 * x)


def _dot(a, b):
    return jax.lax.dot_general(
        a, b, (((1,), (0,)), ((), ())), preferred_element_type=F32)


def _bf(v):
    return v.astype(jnp.bfloat16).astype(F32)


def _ln(h, g, be):
    mu = jnp.mean(h, axis=-1, keepdims=True)
    d = h - mu
    var = jnp.mean(d * d, axis=-1, keepdims=True)
    return d * jax.lax.rsqrt(var + 1e-5) * g + be


def _full(shape):
    return pl.BlockSpec(shape, lambda i: tuple(0 for _ in shape))


def _rows(last=HID):
    return pl.BlockSpec((BLK, last), lambda i: (i, 0))


def _k2_body(deg_ref, berow_ref, eW1, eb1, eW2, eb2, eW3, eg, ebe,
             edW1, edb1, edW2, edb2, edW3, edg, edbe,
             nW1, nb1, nW2, nb2, nW3, ng, nbe,
             e2W1, e2b1,
             h1_ref, a_ref, b_ref):
    h = _leaky(_dot(berow_ref[...], eW1[...]) + eb1[...])
    h = _leaky(_dot(h, eW2[...]) + eb2[...])
    h0 = _ln(_dot(h, eW3[...]), eg[...], ebe[...])
    t = _leaky(_dot(h0, edW1[0]) + _dot(h0, edW1[1]) + edb1[...])
    t = _leaky(_dot(t, edW2[...]) + edb2[...])
    m = _ln(_dot(t, edW3[...]), edg[...], edbe[...])
    c0 = _dot(h0, nW1[0]) + nb1[...]
    z2 = deg_ref[...] * m
    z = _leaky(_dot(z2, nW1[1]) + c0)
    z = _leaky(_dot(z, nW2[...]) + nb2[...])
    h1 = _ln(_dot(z, nW3[...]), ng[...], nbe[...])
    h1_ref[...] = h1
    a_ref[...] = _dot(h1, e2W1[0]) + e2b1[...]
    b_ref[...] = _dot(h1, e2W1[1])


def _run_k2(deg_col, berow, p, np_, grid):
    enc = p['enc_exp']
    ed0 = p['proc'][0]['edge']
    nd0 = p['proc'][0]['node']
    ed1 = p['proc'][1]['edge']
    r2 = lambda v: v.reshape(1, -1)
    args = [
        deg_col, berow,
        enc['W1'], r2(enc['b1']), enc['W2'], r2(enc['b2']), enc['W3'],
        r2(enc['g']), r2(enc['be']),
        ed0['W1'].reshape(2, HID, HID), r2(ed0['b1']), ed0['W2'],
        r2(ed0['b2']), ed0['W3'], r2(ed0['g']), r2(ed0['be']),
        nd0['W1'].reshape(2, HID, HID), r2(nd0['b1']), nd0['W2'],
        r2(nd0['b2']), nd0['W3'], r2(nd0['g']), r2(nd0['be']),
        ed1['W1'].reshape(2, HID, HID), r2(ed1['b1']),
    ]
    specs = [_rows(1)] + [_full(a.shape) for a in args[1:]]
    out = pl.pallas_call(
        _k2_body,
        grid=(grid,),
        in_specs=specs,
        out_specs=[_rows(), _rows(), _rows()],
        out_shape=[jax.ShapeDtypeStruct((np_, HID), F32)] * 3,
    )(*args)
    return out


def _sc_gather(A, B, desti, srci, ne_pad):
    per_w = ne_pad // NW
    C = 256
    n_chunks = per_w // C
    mesh = plsc.VectorSubcoreMesh(
        core_axis_name="c", subcore_axis_name="s",
        num_cores=NC, num_subcores=NS)

    @functools.partial(
        pl.kernel,
        out_type=jax.ShapeDtypeStruct((ne_pad, HID), F32),
        mesh=mesh,
        scratch_types=[
            pltpu.VMEM((C,), jnp.int32),
            pltpu.VMEM((C,), jnp.int32),
            pltpu.VMEM((C, HID), F32),
            pltpu.SemaphoreType.DMA,
        ],
    )
    def k(dest_hbm, src_hbm, a_hbm, b_hbm, e_hbm, idxd, idxs, rows, sem):
        wid = lax.axis_index("s") * NC + lax.axis_index("c")
        base = wid * per_w

        def body(g, carry):
            off = base + g * C
            pltpu.sync_copy(dest_hbm.at[pl.ds(off, C)], idxd)
            pltpu.sync_copy(src_hbm.at[pl.ds(off, C)], idxs)
            pltpu.async_copy(a_hbm.at[idxd], rows, sem).wait()
            pltpu.async_copy(b_hbm.at[idxs], rows, sem, add=True).wait()
            pltpu.sync_copy(rows, e_hbm.at[pl.ds(off, C)])
            return carry

        lax.fori_loop(0, n_chunks, body, 0)

    return k(desti, srci, A, B)


def _k4_body(e_ref, W2, b2, W3, g, be, msg_ref):
    h = _leaky(e_ref[...])
    h = _leaky(_dot(h, W2[...]) + b2[...])
    msg_ref[...] = _ln(_dot(h, W3[...]), g[...], be[...])


def _run_k4(E, p, ne, grid):
    ed = p['proc'][1]['edge']
    r2 = lambda v: v.reshape(1, -1)
    args = [E, ed['W2'], r2(ed['b2']), ed['W3'], r2(ed['g']), r2(ed['be'])]
    specs = [_rows()] + [_full(a.shape) for a in args[1:]]
    return pl.pallas_call(
        _k4_body,
        grid=(grid,),
        in_specs=specs,
        out_specs=_rows(),
        out_shape=jax.ShapeDtypeStruct((ne, HID), F32),
    )(*args)


def _k6_body(h1_ref, ag_ref, nW1, nb1, nW2, nb2, nW3, ng, nbe,
             uW1, ub1, uW2, ub2, uW3, ug, ube, up_ref):
    z = _leaky(_dot(h1_ref[...], nW1[0]) + _dot(ag_ref[...], nW1[1]) + nb1[...])
    z = _leaky(_dot(z, nW2[...]) + nb2[...])
    h2 = _ln(_dot(z, nW3[...]), ng[...], nbe[...])
    t = [_bf(_leaky(h2 * uW1[j, :] + ub1[j, :])) for j in range(4)]
    u = []
    for j in range(4):
        s = t[0] * uW2[j, :]
        for k in range(1, 4):
            s = s + t[k] * uW2[k * 4 + j, :]
        u.append(_bf(_leaky(s + ub2[j, :])))
    v = []
    for j in range(4):
        s = u[0] * uW3[j, :]
        for k in range(1, 4):
            s = s + u[k] * uW3[k * 4 + j, :]
        v.append(s)
    mu = (v[0] + v[1] + v[2] + v[3]) * 0.25
    var = jnp.zeros_like(mu)
    d = []
    for j in range(4):
        dj = v[j] - mu
        d.append(dj)
        var = var + dj * dj
    inv = jax.lax.rsqrt(var * 0.25 + 1e-5)
    for j in range(4):
        up_ref[:, j, :] = d[j] * inv * ug[j, :] + ube[j, :]


def _run_k6(h1, aggr, p, np_, grid):
    nd = p['proc'][1]['node']
    du = p['dec_up']
    r2 = lambda v: v.reshape(1, -1)
    uW1 = du['W1'][:, 0, :].T
    uW2 = _bf(du['W2'].transpose(1, 2, 0).reshape(16, HID))
    uW3 = _bf(du['W3'].transpose(1, 2, 0).reshape(16, HID))
    args = [h1, aggr,
            nd['W1'].reshape(2, HID, HID), r2(nd['b1']), nd['W2'],
            r2(nd['b2']), nd['W3'], r2(nd['g']), r2(nd['be']),
            uW1, du['b1'].T, uW2, du['b2'].T, uW3, du['g'].T, du['be'].T]
    specs = [_rows(), _rows()] + [_full(a.shape) for a in args[2:]]
    return pl.pallas_call(
        _k6_body,
        grid=(grid,),
        in_specs=specs,
        out_specs=pl.BlockSpec((BLK, 4, HID), lambda i: (i, 0, 0)),
        out_shape=jax.ShapeDtypeStruct((np_, 4, HID), F32),
    )(*args)


def _k8_body(x_ref, W1, b1, W2, b2, W3, out_ref):
    h = _leaky(_dot(x_ref[...], W1[...]) + b1[...])
    h = _leaky(_dot(h, W2[...]) + b2[...])
    out_ref[...] = _dot(h, W3[...])


def _run_k8(acc, p, nn, grid):
    dc = p['dec_con']
    W1 = jnp.zeros((HID, HID), F32).at[:, :3].set(dc['W1'])
    b1 = jnp.zeros((1, HID), F32).at[0, :3].set(dc['b1'])
    W2 = jnp.zeros((HID, HID), F32).at[:3, :3].set(dc['W2'])
    b2 = jnp.zeros((1, HID), F32).at[0, :3].set(dc['b2'])
    W3 = jnp.zeros((HID, HID), F32).at[:3, :3].set(dc['W3'])
    args = [acc, W1, b1, W2, b2, W3]
    specs = [_rows()] + [_full(a.shape) for a in args[1:]]
    return pl.pallas_call(
        _k8_body,
        grid=(grid,),
        in_specs=specs,
        out_specs=_rows(),
        out_shape=jax.ShapeDtypeStruct((nn, HID), F32),
    )(*args)


def kernel(x, elem_conn, elem_index, params):
    del x
    n_elem = elem_conn.shape[0]
    src = elem_index[0]
    dest = elem_index[1]
    n_edge = dest.shape[0]
    n_nodes = 50000

    NP = ((n_elem + 1 + 25599) // 25600) * 25600
    NN = ((n_nodes + 1 + 25599) // 25600) * 25600
    EC = NW * 256
    NE = ((n_edge + EC - 1) // EC) * EC

    pad_i = jnp.full((NE - n_edge,), n_elem, jnp.int32)
    dest_p = jnp.concatenate([dest.astype(jnp.int32), pad_i])
    src_p = jnp.concatenate([src.astype(jnp.int32), pad_i])

    deg = jnp.zeros((n_elem,), F32).at[dest].add(1.0)
    deg_col = jnp.zeros((NP, 1), F32).at[:n_elem, 0].set(deg)

    berow = params['enc_conv']['be'].reshape(1, 3)
    h1, A, B = _run_k2(deg_col, berow, params, NP, NP // BLK)

    E = _sc_gather(A, B, dest_p, src_p, NE)
    msg = _run_k4(E, params, NE, NE // BLK)

    aggr = jnp.zeros((NP, HID), F32).at[dest].add(msg[:n_edge])

    up = _run_k6(h1, aggr, params, NP, NP // BLK)

    MN = 4 * NP
    conn_p = jnp.concatenate(
        [elem_conn.reshape(-1).astype(jnp.int32),
         jnp.full((MN - 4 * n_elem,), n_nodes, jnp.int32)])
    acc = jnp.zeros((NN, HID), F32).at[conn_p].add(up.reshape(MN, HID))

    out = _run_k8(acc, params, NN, NN // BLK)
    return out[:n_nodes, :3]

# --- scband reference (transcript-rebuilt; emitter-appended) ---
"""Pipeline reference for scband-mesh-net-29137058136342 (READ-ONLY COPY).

The authoritative reference and input builder live on the scoring server;
editing this copy changes nothing except your own understanding.
"""

import jax, jax.numpy as jnp
import numpy as np

N_NODES = 50000
N_ELEM = 100000
N_EDGE = 600000
C_IN = 3
HID = 128
MSG = 128
C_OUT = 3


def leaky(x):
    return jnp.where(x >= 0, x, 0.2 * x)


def parallel_mlp(x, p):
    # Parallel(Create_Parallel(C, L, O)): module i is applied to x[..., i] (shape (..., L)),
    # results stacked on the last dim -> (..., O, C). Each module:
    # Linear(L,O) -> LeakyReLU(0.2) -> Linear(O,O) -> LeakyReLU(0.2) -> Linear(O,O,no bias) -> LayerNorm(O)
    h = jnp.einsum('...lc,clh->...hc', x, p['W1']) + p['b1'].T
    h = leaky(h)
    h = jnp.einsum('...hc,chk->...kc', h, p['W2']) + p['b2'].T
    h = leaky(h)
    h = jnp.einsum('...hc,chk->...kc', h, p['W3'])
    mu = jnp.mean(h, axis=-2, keepdims=True)
    var = jnp.var(h, axis=-2, keepdims=True)
    return (h - mu) / jnp.sqrt(var + 1e-5) * p['g'].T + p['be'].T


def mlp_ln(x, p):
    h = leaky(x @ p['W1'] + p['b1'])
    h = leaky(h @ p['W2'] + p['b2'])
    h = h @ p['W3']
    mu = jnp.mean(h, axis=-1, keepdims=True)
    var = jnp.var(h, axis=-1, keepdims=True)
    return (h - mu) / jnp.sqrt(var + 1e-5) * p['g'] + p['be']


def mlp_plain(x, p):
    h = leaky(x @ p['W1'] + p['b1'])
    h = leaky(h @ p['W2'] + p['b2'])
    return h @ p['W3']


def _init_params(key):
    ks = list(jax.random.split(key, 64))
    it = iter(ks)

    def nk():
        return next(it)

    def lin(i, o):
        return jax.random.normal(nk(), (i, o), jnp.float32) / np.sqrt(i)

    def plin(c, i, o):
        return jax.random.normal(nk(), (c, i, o), jnp.float32) / np.sqrt(i)

    def rb(*s):
        return jax.random.normal(nk(), s, jnp.float32) * 0.01

    def pmlp(c, i, o):
        return {'W1': plin(c, i, o), 'b1': rb(c, o), 'W2': plin(c, o, o), 'b2': rb(c, o),
                'W3': plin(c, o, o), 'g': jnp.ones((c, o), jnp.float32), 'be': jnp.zeros((c, o), jnp.float32)}

    def smlp(i, o):
        return {'W1': lin(i, o), 'b1': rb(o), 'W2': lin(o, o), 'b2': rb(o),
                'W3': lin(o, o), 'g': jnp.ones((o,), jnp.float32), 'be': jnp.zeros((o,), jnp.float32)}

    return {
        'enc_conv': pmlp(C_IN, 4, 1),
        'enc_exp': smlp(C_IN, HID),
        'proc': [{'edge': smlp(2 * HID, MSG), 'node': smlp(HID + MSG, HID)} for _ in range(2)],
        'dec_up': pmlp(HID, 1, 4),
        'dec_con': {'W1': lin(HID, C_OUT), 'b1': rb(C_OUT), 'W2': lin(C_OUT, C_OUT), 'b2': rb(C_OUT), 'W3': lin(C_OUT, C_OUT)},
    }


def _forward(x, elem_conn, elem_index, params):
    # Encoder: MeshCNN (gather elem corners, per-channel MLP) + expander
    xb = x.reshape(-1, N_NODES, C_IN)                # (1, N, 3)
    g = xb[:, elem_conn]                             # (1, n_e, 4, 3)
    h = parallel_mlp(g, params['enc_conv'])          # (1, n_e, 1, 3)
    h = jnp.squeeze(h, axis=2).reshape(-1, C_IN)     # (n_e, 3)
    h = mlp_ln(h, params['enc_exp'])                 # (n_e, HID)
    # Processor: MetaLayers (EdgeModel gather + NodeModel scatter-add)
    src = elem_index[0]
    dest = elem_index[1]
    for lp in params['proc']:
        msg = mlp_ln(jnp.concatenate([h[dest], h[src]], axis=-1), lp['edge'])   # (E, MSG)
        aggr = jax.ops.segment_sum(msg, dest, num_segments=h.shape[0])          # (n_e, MSG)
        h = mlp_ln(jnp.concatenate([h, aggr], axis=-1), lp['node'])             # (n_e, HID)
    # Decoder: MeshUpSample (per-channel Linear(1->4) then index_add per corner) + contracter
    xu = h.reshape(-1, N_ELEM, HID)[:, :, None, :]   # (1, n_e, 1, HID)
    up = parallel_mlp(xu, params['dec_up'])          # (1, n_e, 4, HID)
    out = jnp.zeros((xu.shape[0], N_NODES, HID), h.dtype)
    for i in range(4):
        out = out.at[:, elem_conn[:, i]].add(up[:, :, i, :])
    out = out.reshape(-1, HID)                       # (N, HID)
    return mlp_plain(out, params['dec_con'])         # (N, C_OUT)


def setup_inputs(seed: int = 0) -> dict:
    key = jax.random.key(seed)
    k1, k2, k3, k4 = jax.random.split(key, 4)
    x = jax.random.normal(k1, (N_NODES, C_IN), jnp.float32)
    elem_conn = jax.random.randint(k2, (N_ELEM, 4), 0, N_NODES)
    elem_index = jax.random.randint(k3, (2, N_EDGE), 0, N_ELEM)
    params = _init_params(k4)
    return {'x': x, 'elem_conn': elem_conn, 'elem_index': elem_index, 'params': params}


def reference(x, elem_conn, elem_index, params):
    return _forward(x, elem_conn, elem_index, params)

if __name__ == "__main__":
    import jax
    _d = setup_inputs()
    print(jax.jit(kernel)(*tuple(_d.values())))

</pallas_src>

<mosaic_0001>
#map = affine_map<(d0, d1) -> (0)>
#map1 = affine_map<(d0, d1) -> (0, 0)>
module attributes {stable_mosaic.version = 14 : i64} {
  func.func @k(%arg0: i32, %arg1: i32, %arg2: memref<606208xi32, #tpu.memory_space<hbm>>, %arg3: memref<606208xi32, #tpu.memory_space<hbm>>, %arg4: memref<102400x128xf32, #tpu.memory_space<hbm>>, %arg5: memref<102400x128xf32, #tpu.memory_space<hbm>>, %arg6: memref<606208x128xf32, #tpu.memory_space<hbm>>, %arg7: memref<256xi32, #tpu.memory_space<vmem>>, %arg8: memref<256xi32, #tpu.memory_space<vmem>>, %arg9: memref<256x128xf32, #tpu.memory_space<vmem>>, %arg10: memref<!tpu.dma_semaphore, #tpu.memory_space<semaphore_mem>>) attributes {dimension_semantics = [#tpu.dimension_semantics<core_parallel>, #tpu.dimension_semantics<subcore_parallel>], iteration_bounds = array<i64: 2, 16>, scalar_prefetch = 0 : i64, scratch_operands = 4 : i64, tpu.core_type = #tpu.core_type<sc_vector_subcore>, window_params = [{transform_indices = #map}, {transform_indices = #map}, {transform_indices = #map1}, {transform_indices = #map1}, {transform_indices = #map1}]} {
    %mul3A = arith.constant 2 : i32
    %mul3A_0 = arith.muli %arg1, %mul3A : i32
    %add3A = arith.addi %mul3A_0, %arg0 : i32
    %mul3A_1 = arith.constant 18944 : i32
    %mul3A_2 = arith.muli %add3A, %mul3A_1 : i32
    %scan3A = arith.constant 0 : i32
    %scan3A_3 = arith.constant 0 : i32
    %scan3A_4 = arith.constant 74 : i32
    %scan3A_5 = arith.addi %scan3A_3, %scan3A_4 : i32
    %scan3A_6 = arith.constant 1 : i32
    scf.for %scan3A_8 = %scan3A_3 to %scan3A_5 step %scan3A_6  : i32 {
      %mul3A_9 = arith.constant 256 : i32
      %mul3A_10 = arith.muli %scan3A_8, %mul3A_9 : i32
      %add3A_11 = arith.addi %mul3A_2, %mul3A_10 : i32
      "tpu.region"() ({
        %run_scoped3A = tpu.sem_alloc : memref<!tpu.dma_semaphore, #tpu.memory_space<semaphore_mem>>
        %dma_start3A_22 = tpu.memref_slice %arg2[%add3A_11] : memref<606208xi32, #tpu.memory_space<hbm>> -> memref<256xi32, #tpu.memory_space<hbm>>
        %dma_start3A_23 = tpu.memref_slice %arg2[%add3A_11] : memref<606208xi32, #tpu.memory_space<hbm>> -> memref<256xi32, #tpu.memory_space<hbm>>
        tpu.enqueue_dma source(%dma_start3A_23 : memref<256xi32, #tpu.memory_space<hbm>>) target(%arg7 : memref<256xi32, #tpu.memory_space<vmem>>) target_semaphore(%run_scoped3A : memref<!tpu.dma_semaphore, #tpu.memory_space<semaphore_mem>>)
        %dma_wait3A_24 = tpu.memref_slice %arg2[%add3A_11] : memref<606208xi32, #tpu.memory_space<hbm>> -> memref<256xi32, #tpu.memory_space<hbm>>
        %dma_wait3A_25 = tpu.memref_slice %arg2[%add3A_11] : memref<606208xi32, #tpu.memory_space<hbm>> -> memref<256xi32, #tpu.memory_space<hbm>>
        tpu.wait_dma2 semaphore(%run_scoped3A : memref<!tpu.dma_semaphore, #tpu.memory_space<semaphore_mem>>) src(%dma_wait3A_25 : memref<256xi32, #tpu.memory_space<hbm>>) dst(%arg7 : memref<256xi32, #tpu.memory_space<vmem>>)
        tpu.yield
      }) : () -> ()
      "tpu.region"() ({
        %run_scoped3A = tpu.sem_alloc : memref<!tpu.dma_semaphore, #tpu.memory_space<semaphore_mem>>
        %dma_start3A_22 = tpu.memref_slice %arg3[%add3A_11] : memref<606208xi32, #tpu.memory_space<hbm>> -> memref<256xi32, #tpu.memory_space<hbm>>
        %dma_start3A_23 = tpu.memref_slice %arg3[%add3A_11] : memref<606208xi32, #tpu.memory_space<hbm>> -> memref<256xi32, #tpu.memory_space<hbm>>
        tpu.enqueue_dma source(%dma_start3A_23 : memref<256xi32, #tpu.memory_space<hbm>>) target(%arg8 : memref<256xi32, #tpu.memory_space<vmem>>) target_semaphore(%run_scoped3A : memref<!tpu.dma_semaphore, #tpu.memory_space<semaphore_mem>>)
        %dma_wait3A_24 = tpu.memref_slice %arg3[%add3A_11] : memref<606208xi32, #tpu.memory_space<hbm>> -> memref<256xi32, #tpu.memory_space<hbm>>
        %dma_wait3A_25 = tpu.memref_slice %arg3[%add3A_11] : memref<606208xi32, #tpu.memory_space<hbm>> -> memref<256xi32, #tpu.memory_space<hbm>>
        tpu.wait_dma2 semaphore(%run_scoped3A : memref<!tpu.dma_semaphore, #tpu.memory_space<semaphore_mem>>) src(%dma_wait3A_25 : memref<256xi32, #tpu.memory_space<hbm>>) dst(%arg8 : memref<256xi32, #tpu.memory_space<vmem>>)
        tpu.yield
      }) : () -> ()
      %dma_start3A = arith.constant 0 : i32
      %dma_start3A_12 = arith.constant 0 : i32
      %dma_start3A_13 = tpu.memref_slice %arg4[%dma_start3A, %dma_start3A_12] : memref<102400x128xf32, #tpu.memory_space<hbm>> -> memref<102400x128xf32, #tpu.memory_space<hbm>>
      tpu.enqueue_indirect_dma source(%dma_start3A_13 : memref<102400x128xf32, #tpu.memory_space<hbm>>) target(%arg9 : memref<256x128xf32, #tpu.memory_space<vmem>>) offsets(%arg7 : memref<256xi32, #tpu.memory_space<vmem>>) semaphore(%arg10 : memref<!tpu.dma_semaphore, #tpu.memory_space<semaphore_mem>>)
      %dma_wait3A = arith.constant 0 : i32
      %dma_wait3A_14 = arith.constant 0 : i32
      %dma_wait3A_15 = tpu.memref_slice %arg4[%dma_wait3A, %dma_wait3A_14] : memref<102400x128xf32, #tpu.memory_space<hbm>> -> memref<102400x128xf32, #tpu.memory_space<hbm>>
      tpu.wait_indirect_dma semaphore(%arg10 : memref<!tpu.dma_semaphore, #tpu.memory_space<semaphore_mem>>) src(%dma_wait3A_15 : memref<102400x128xf32, #tpu.memory_space<hbm>>) dst(%arg9 : memref<256x128xf32, #tpu.memory_space<vmem>>)
      %dma_start3A_16 = arith.constant 0 : i32
      %dma_start3A_17 = arith.constant 0 : i32
      %dma_start3A_18 = tpu.memref_slice %arg5[%dma_start3A_16, %dma_start3A_17] : memref<102400x128xf32, #tpu.memory_space<hbm>> -> memref<102400x128xf32, #tpu.memory_space<hbm>>
      tpu.enqueue_indirect_dma source(%dma_start3A_18 : memref<102400x128xf32, #tpu.memory_space<hbm>>) target(%arg9 : memref<256x128xf32, #tpu.memory_space<vmem>>) offsets(%arg8 : memref<256xi32, #tpu.memory_space<vmem>>) semaphore(%arg10 : memref<!tpu.dma_semaphore, #tpu.memory_space<semaphore_mem>>) {add = true}
      %dma_wait3A_19 = arith.constant 0 : i32
      %dma_wait3A_20 = arith.constant 0 : i32
      %dma_wait3A_21 = tpu.memref_slice %arg5[%dma_wait3A_19, %dma_wait3A_20] : memref<102400x128xf32, #tpu.memory_space<hbm>> -> memref<102400x128xf32, #tpu.memory_space<hbm>>
      tpu.wait_indirect_dma semaphore(%arg10 : memref<!tpu.dma_semaphore, #tpu.memory_space<semaphore_mem>>) src(%dma_wait3A_21 : memref<102400x128xf32, #tpu.memory_space<hbm>>) dst(%arg9 : memref<256x128xf32, #tpu.memory_space<vmem>>)
      "tpu.region"() ({
        %run_scoped3A = tpu.sem_alloc : memref<!tpu.dma_semaphore, #tpu.memory_space<semaphore_mem>>
        %dma_start3A_22 = arith.constant 0 : i32
        %dma_start3A_23 = tpu.memref_slice %arg6[%add3A_11, %dma_start3A_22] : memref<606208x128xf32, #tpu.memory_space<hbm>> -> memref<256x128xf32, #tpu.memory_space<hbm>>
        %dma_start3A_24 = arith.constant 0 : i32
        %dma_start3A_25 = tpu.memref_slice %arg6[%add3A_11, %dma_start3A_24] : memref<606208x128xf32, #tpu.memory_space<hbm>> -> memref<256x128xf32, #tpu.memory_space<hbm>>
        tpu.enqueue_dma source(%arg9 : memref<256x128xf32, #tpu.memory_space<vmem>>) target(%dma_start3A_25 : memref<256x128xf32, #tpu.memory_space<hbm>>) target_semaphore(%run_scoped3A : memref<!tpu.dma_semaphore, #tpu.memory_space<semaphore_mem>>)
        %dma_wait3A_26 = arith.constant 0 : i32
        %dma_wait3A_27 = tpu.memref_slice %arg6[%add3A_11, %dma_wait3A_26] : memref<606208x128xf32, #tpu.memory_space<hbm>> -> memref<256x128xf32, #tpu.memory_space<hbm>>
        %dma_wait3A_28 = arith.constant 0 : i32
        %dma_wait3A_29 = tpu.memref_slice %arg6[%add3A_11, %dma_wait3A_28] : memref<606208x128xf32, #tpu.memory_space<hbm>> -> memref<256x128xf32, #tpu.memory_space<hbm>>
        tpu.wait_dma2 semaphore(%run_scoped3A : memref<!tpu.dma_semaphore, #tpu.memory_space<semaphore_mem>>) src(%arg9 : memref<256x128xf32, #tpu.memory_space<vmem>>) dst(%dma_wait3A_29 : memref<256x128xf32, #tpu.memory_space<hbm>>)
        tpu.yield
      }) : () -> ()
    }
    %scan3A_7 = arith.constant 74 : i32
    return
  }
}

module attributes {stable_mosaic.version = 14 : i64} {
  func.func @_k2_body(%arg0: i32, %arg1: memref<2048x1xf32, #tpu.memory_space<vmem>>, %arg2: memref<1x3xf32, #tpu.memory_space<vmem>>, %arg3: memref<3x128xf32, #tpu.memory_space<vmem>>, %arg4: memref<1x128xf32, #tpu.memory_space<vmem>>, %arg5: memref<128x128xf32, #tpu.memory_space<vmem>>, %arg6: memref<1x128xf32, #tpu.memory_space<vmem>>, %arg7: memref<128x128xf32, #tpu.memory_space<vmem>>, %arg8: memref<1x128xf32, #tpu.memory_space<vmem>>, %arg9: memref<1x128xf32, #tpu.memory_space<vmem>>, %arg10: memref<2x128x128xf32, #tpu.memory_space<vmem>>, %arg11: memref<1x128xf32, #tpu.memory_space<vmem>>, %arg12: memref<128x128xf32, #tpu.memory_space<vmem>>, %arg13: memref<1x128xf32, #tpu.memory_space<vmem>>, %arg14: memref<128x128xf32, #tpu.memory_space<vmem>>, %arg15: memref<1x128xf32, #tpu.memory_space<vmem>>, %arg16: memref<1x128xf32, #tpu.memory_space<vmem>>, %arg17: memref<2x128x128xf32, #tpu.memory_space<vmem>>, %arg18: memref<1x128xf32, #tpu.memory_space<vmem>>, %arg19: memref<128x128xf32, #tpu.memory_space<vmem>>, %arg20: memref<1x128xf32, #tpu.memory_space<vmem>>, %arg21: memref<128x128xf32, #tpu.memory_space<vmem>>, %arg22: memref<1x128xf32, #tpu.memory_space<vmem>>, %arg23: memref<1x128xf32, #tpu.memory_space<vmem>>, %arg24: memref<2x128x128xf32, #tpu.memory_space<vmem>>, %arg25: memref<1x128xf32, #tpu.memory_space<vmem>>, %arg26: memref<2048x128xf32, #tpu.memory_space<vmem>>, %arg27: memref<2048x128xf32, #tpu.memory_space<vmem>>, %arg28: memref<2048x128xf32, #tpu.memory_space<vmem>>) attributes {dimension_semantics = [#tpu.dimension_semantics<arbitrary>], iteration_bounds = array<i64: 50>, scalar_prefetch = 0 : i64, scratch_operands = 0 : i64, tpu.core_type = #tpu.core_type<tc>, window_params = [{transform_indices = @transform_0, window_bounds = array<i64: 2048, 1>}, {pipeline_mode = #tpu.pipeline_mode<synchronous>, transform_indices = @transform_1, window_bounds = array<i64: 1, 3>}, {pipeline_mode = #tpu.pipeline_mode<synchronous>, transform_indices = @transform_2, window_bounds = array<i64: 3, 128>}, {pipeline_mode = #tpu.pipeline_mode<synchronous>, transform_indices = @transform_3, window_bounds = array<i64: 1, 128>}, {pipeline_mode = #tpu.pipeline_mode<synchronous>, transform_indices = @transform_4, window_bounds = array<i64: 128, 128>}, {pipeline_mode = #tpu.pipeline_mode<synchronous>, transform_indices = @transform_5, window_bounds = array<i64: 1, 128>}, {pipeline_mode = #tpu.pipeline_mode<synchronous>, transform_indices = @transform_6, window_bounds = array<i64: 128, 128>}, {pipeline_mode = #tpu.pipeline_mode<synchronous>, transform_indices = @transform_7, window_bounds = array<i64: 1, 128>}, {pipeline_mode = #tpu.pipeline_mode<synchronous>, transform_indices = @transform_8, window_bounds = array<i64: 1, 128>}, {pipeline_mode = #tpu.pipeline_mode<synchronous>, transform_indices = @transform_9, window_bounds = array<i64: 2, 128, 128>}, {pipeline_mode = #tpu.pipeline_mode<synchronous>, transform_indices = @transform_10, window_bounds = array<i64: 1, 128>}, {pipeline_mode = #tpu.pipeline_mode<synchronous>, transform_indices = @transform_11, window_bounds = array<i64: 128, 128>}, {pipeline_mode = #tpu.pipeline_mode<synchronous>, transform_indices = @transform_12, window_bounds = array<i64: 1, 128>}, {pipeline_mode = #tpu.pipeline_mode<synchronous>, transform_indices = @transform_13, window_bounds = array<i64: 128, 128>}, {pipeline_mode = #tpu.pipeline_mode<synchronous>, transform_indices = @transform_14, window_bounds = array<i64: 1, 128>}, {pipeline_mode = #tpu.pipeline_mode<synchronous>, transform_indices = @transform_15, window_bounds = array<i64: 1, 128>}, {pipeline_mode = #tpu.pipeline_mode<synchronous>, transform_indices = @transform_16, window_bounds = array<i64: 2, 128, 128>}, {pipeline_mode = #tpu.pipeline_mode<synchronous>, transform_indices = @transform_17, window_bounds = array<i64: 1, 128>}, {pipeline_mode = #tpu.pipeline_mode<synchronous>, transform_indices = @transform_18, window_bounds = array<i64: 128, 128>}, {pipeline_mode = #tpu.pipeline_mode<synchronous>, transform_indices = @transform_19, window_bounds = array<i64: 1, 128>}, {pipeline_mode = #tpu.pipeline_mode<synchronous>, transform_indices = @transform_20, window_bounds = array<i64: 128, 128>}, {pipeline_mode = #tpu.pipeline_mode<synchronous>, transform_indices = @transform_21, window_bounds = array<i64: 1, 128>}, {pipeline_mode = #tpu.pipeline_mode<synchronous>, transform_indices = @transform_22, window_bounds = array<i64: 1, 128>}, {pipeline_mode = #tpu.pipeline_mode<synchronous>, transform_indices = @transform_23, window_bounds = array<i64: 2, 128, 128>}, {pipeline_mode = #tpu.pipeline_mode<synchronous>, transform_indices = @transform_24, window_bounds = array<i64: 1, 128>}, {transform_indices = @transform_25, window_bounds = array<i64: 2048, 128>}, {transform_indices = @transform_26, window_bounds = array<i64: 2048, 128>}, {transform_indices = @transform_27, window_bounds = array<i64: 2048, 128>}]} {
    %get3A = arith.constant 0 : index
    %get3A_0 = arith.constant 0 : index
    %get3A_1 = vector.load %arg2[%get3A, %get3A_0] : memref<1x3xf32, #tpu.memory_space<vmem>>, vector<1x3xf32>
    %get3A_2 = arith.constant 0 : index
    %get3A_3 = arith.constant 0 : index
    %get3A_4 = vector.load %arg3[%get3A_2, %get3A_3] : memref<3x128xf32, #tpu.memory_space<vmem>>, vector<3x128xf32>
    %dot_general3A = arith.constant dense<0.000000e+00> : vector<1x128xf32>
    %dot_general3A_5 = tpu.matmul %get3A_1, %get3A_4, %dot_general3A {dimension_numbers = #tpu.dot_dimension_numbers<[1], [0], [0], [1], [0, 0, 1, 1], [], []>, transpose_lhs_hint = false} : vector<1x3xf32>, vector<3x128xf32>, vector<1x128xf32> -> vector<1x128xf32>
    %get3A_6 = arith.constant 0 : index
    %get3A_7 = arith.constant 0 : index
    %get3A_8 = vector.load %arg4[%get3A_6, %get3A_7] : memref<1x128xf32, #tpu.memory_space<vmem>>, vector<1x128xf32>
    %add3A = arith.addf %dot_general3A_5, %get3A_8 : vector<1x128xf32>
    %ge3A = arith.constant 0.000000e+00 : f32
    %ge3A_9 = vector.broadcast %ge3A : f32 to vector<1x128xf32>
    %ge3A_10 = arith.cmpf oge, %add3A, %ge3A_9 : vector<1x128xf32>
    %mul3A = arith.constant 2.000000e-01 : f32
    %mul3A_11 = vector.broadcast %mul3A : f32 to vector<1x128xf32>
    %mul3A_12 = arith.mulf %mul3A_11, %add3A : vector<1x128xf32>
    %select_n3A = arith.select %ge3A_10, %add3A, %mul3A_12 : vector<1x128xi1>, vector<1x128xf32>
    %get3A_13 = arith.constant 0 : index
    %get3A_14 = arith.constant 0 : index
    %get3A_15 = vector.load %arg5[%get3A_13, %get3A_14] : memref<128x128xf32, #tpu.memory_space<vmem>>, vector<128x128xf32>
    %dot_general3A_16 = arith.constant dense<0.000000e+00> : vector<1x128xf32>
    %dot_general3A_17 = tpu.matmul %select_n3A, %get3A_15, %dot_general3A_16 {dimension_numbers = #tpu.dot_dimension_numbers<[1], [0], [0], [1], [0, 0, 1, 1], [], []>, transpose_lhs_hint = false} : vector<1x128xf32>, vector<128x128xf32>, vector<1x128xf32> -> vector<1x128xf32>
    %get3A_18 = arith.constant 0 : index
    %get3A_19 = arith.constant 0 : index
    %get3A_20 = vector.load %arg6[%get3A_18, %get3A_19] : memref<1x128xf32, #tpu.memory_space<vmem>>, vector<1x128xf32>
    %add3A_21 = arith.addf %dot_general3A_17, %get3A_20 : vector<1x128xf32>
    %ge3A_22 = arith.constant 0.000000e+00 : f32
    %ge3A_23 = vector.broadcast %ge3A_22 : f32 to vector<1x128xf32>
    %ge3A_24 = arith.cmpf oge, %add3A_21, %ge3A_23 : vector<1x128xf32>
    %mul3A_25 = arith.constant 2.000000e-01 : f32
    %mul3A_26 = vector.broadcast %mul3A_25 : f32 to vector<1x128xf32>
    %mul3A_27 = arith.mulf %mul3A_26, %add3A_21 : vector<1x128xf32>
    %select_n3A_28 = arith.select %ge3A_24, %add3A_21, %mul3A_27 : vector<1x128xi1>, vector<1x128xf32>
    %get3A_29 = arith.constant 0 : index
    %get3A_30 = arith.constant 0 : index
    %get3A_31 = vector.load %arg7[%get3A_29, %get3A_30] : memref<128x128xf32, #tpu.memory_space<vmem>>, vector<128x128xf32>
    %dot_general3A_32 = arith.constant dense<0.000000e+00> : vector<1x128xf32>
    %dot_general3A_33 = tpu.matmul %select_n3A_28, %get3A_31, %dot_general3A_32 {dimension_numbers = #tpu.dot_dimension_numbers<[1], [0], [0], [1], [0, 0, 1, 1], [], []>, transpose_lhs_hint = false} : vector<1x128xf32>, vector<128x128xf32>, vector<1x128xf32> -> vector<1x128xf32>
    %get3A_34 = arith.constant 0 : index
    %get3A_35 = arith.constant 0 : index
    %get3A_36 = vector.load %arg8[%get3A_34, %get3A_35] : memref<1x128xf32, #tpu.memory_space<vmem>>, vector<1x128xf32>
    %get3A_37 = arith.constant 0 : index
    %get3A_38 = arith.constant 0 : index
    %get3A_39 = vector.load %arg9[%get3A_37, %get3A_38] : memref<1x128xf32, #tpu.memory_space<vmem>>, vector<1x128xf32>
    %reduce_sum3A = arith.constant dense<0.000000e+00> : vector<1xf32>
    %reduce_sum3A_40 = vector.multi_reduction <add>, %dot_general3A_33, %reduce_sum3A [1] : vector<1x128xf32> to vector<1xf32>
    %broadcast_in_dim3A = vector.shape_cast %reduce_sum3A_40 : vector<1xf32> to vector<1x1xf32>
    %div3A = arith.constant 1.280000e+02 : f32
    %div3A_41 = vector.broadcast %div3A : f32 to vector<1x1xf32>
    %div3A_42 = arith.divf %broadcast_in_dim3A, %div3A_41 : vector<1x1xf32>
    %sub3A = vector.broadcast %div3A_42 : vector<1x1xf32> to vector<1x128xf32>
    %sub3A_43 = arith.subf %dot_general3A_33, %sub3A : vector<1x128xf32>
    %mul3A_44 = arith.mulf %sub3A_43, %sub3A_43 : vector<1x128xf32>
    %reduce_sum3A_45 = arith.constant dense<0.000000e+00> : vector<1xf32>
    %reduce_sum3A_46 = vector.multi_reduction <add>, %mul3A_44, %reduce_sum3A_45 [1] : vector<1x128xf32> to vector<1xf32>
    %broadcast_in_dim3A_47 = vector.shape_cast %reduce_sum3A_46 : vector<1xf32> to vector<1x1xf32>
    %div3A_48 = arith.constant 1.280000e+02 : f32
    %div3A_49 = vector.broadcast %div3A_48 : f32 to vector<1x1xf32>
    %div3A_50 = arith.divf %broadcast_in_dim3A_47, %div3A_49 : vector<1x1xf32>
    %add3A_51 = arith.constant 9.99999974E-6 : f32
    %add3A_52 = vector.broadcast %add3A_51 : f32 to vector<1x1xf32>
    %add3A_53 = arith.addf %div3A_50, %add3A_52 : vector<1x1xf32>
    %rsqrt3A = math.rsqrt %add3A_53 : vector<1x1xf32>
    %mul3A_54 = vector.broadcast %rsqrt3A : vector<1x1xf32> to vector<1x128xf32>
    %mul3A_55 = arith.mulf %sub3A_43, %mul3A_54 : vector<1x128xf32>
    %mul3A_56 = arith.mulf %mul3A_55, %get3A_36 : vector<1x128xf32>
    %add3A_57 = arith.addf %mul3A_56, %get3A_39 : vector<1x128xf32>
    %get3A_58 = arith.constant 0 : index
    %get3A_59 = arith.constant 0 : index
    %get3A_60 = arith.constant 0 : index
    %get3A_61 = vector.load %arg10[%get3A_58, %get3A_59, %get3A_60] : memref<2x128x128xf32, #tpu.memory_space<vmem>>, vector<1x128x128xf32>
    %get3A_62 = vector.shape_cast %get3A_61 : vector<1x128x128xf32> to vector<128x128xf32>
    %dot_general3A_63 = arith.constant dense<0.000000e+00> : vector<1x128xf32>
    %dot_general3A_64 = tpu.matmul %add3A_57, %get3A_62, %dot_general3A_63 {dimension_numbers = #tpu.dot_dimension_numbers<[1], [0], [0], [1], [0, 0, 1, 1], [], []>, transpose_lhs_hint = false} : vector<1x128xf32>, vector<128x128xf32>, vector<1x128xf32> -> vector<1x128xf32>
    %get3A_65 = arith.constant 1 : index
    %get3A_66 = arith.constant 0 : index
    %get3A_67 = arith.constant 0 : index
    %get3A_68 = vector.load %arg10[%get3A_65, %get3A_66, %get3A_67] : memref<2x128x128xf32, #tpu.memory_space<vmem>>, vector<1x128x128xf32>
    %get3A_69 = vector.shape_cast %get3A_68 : vector<1x128x128xf32> to vector<128x128xf32>
    %dot_general3A_70 = arith.constant dense<0.000000e+00> : vector<1x128xf32>
    %dot_general3A_71 = tpu.matmul %add3A_57, %get3A_69, %dot_general3A_70 {dimension_numbers = #tpu.dot_dimension_numbers<[1], [0], [0], [1], [0, 0, 1, 1], [], []>, transpose_lhs_hint = false} : vector<1x128xf32>, vector<128x128xf32>, vector<1x128xf32> -> vector<1x128xf32>
    %add3A_72 = arith.addf %dot_general3A_64, %dot_general3A_71 : vector<1x128xf32>
    %get3A_73 = arith.constant 0 : index
    %get3A_74 = arith.constant 0 : index
    %get3A_75 = vector.load %arg11[%get3A_73, %get3A_74] : memref<1x128xf32, #tpu.memory_space<vmem>>, vector<1x128xf32>
    %add3A_76 = arith.addf %add3A_72, %get3A_75 : vector<1x128xf32>
    %ge3A_77 = arith.constant 0.000000e+00 : f32
    %ge3A_78 = vector.broadcast %ge3A_77 : f32 to vector<1x128xf32>
    %ge3A_79 = arith.cmpf oge, %add3A_76, %ge3A_78 : vector<1x128xf32>
    %mul3A_80 = arith.constant 2.000000e-01 : f32
    %mul3A_81 = vector.broadcast %mul3A_80 : f32 to vector<1x128xf32>
    %mul3A_82 = arith.mulf %mul3A_81, %add3A_76 : vector<1x128xf32>
    %select_n3A_83 = arith.select %ge3A_79, %add3A_76, %mul3A_82 : vector<1x128xi1>, vector<1x128xf32>
    %get3A_84 = arith.constant 0 : index
    %get3A_85 = arith.constant 0 : index
    %get3A_86 = vector.load %arg12[%get3A_84, %get3A_85] : memref<128x128xf32, #tpu.memory_space<vmem>>, vector<128x128xf32>
    %dot_general3A_87 = arith.constant dense<0.000000e+00> : vector<1x128xf32>
    %dot_general3A_88 = tpu.matmul %select_n3A_83, %get3A_86, %dot_general3A_87 {dimension_numbers = #tpu.dot_dimension_numbers<[1], [0], [0], [1], [0, 0, 1, 1], [], []>, transpose_lhs_hint = false} : vector<1x128xf32>, vector<128x128xf32>, vector<1x128xf32> -> vector<1x128xf32>
    %get3A_89 = arith.constant 0 : index
    %get3A_90 = arith.constant 0 : index
    %get3A_91 = vector.load %arg13[%get3A_89, %get3A_90] : memref<1x128xf32, #tpu.memory_space<vmem>>, vector<1x128xf32>
    %add3A_92 = arith.addf %dot_general3A_88, %get3A_91 : vector<1x128xf32>
    %ge3A_93 = arith.constant 0.000000e+00 : f32
    %ge3A_94 = vector.broadcast %ge3A_93 : f32 to vector<1x128xf32>
    %ge3A_95 = arith.cmpf oge, %add3A_92, %ge3A_94 : vector<1x128xf32>
    %mul3A_96 = arith.constant 2.000000e-01 : f32
    %mul3A_97 = vector.broadcast %mul3A_96 : f32 to vector<1x128xf32>
    %mul3A_98 = arith.mulf %mul3A_97, %add3A_92 : vector<1x128xf32>
    %select_n3A_99 = arith.select %ge3A_95, %add3A_92, %mul3A_98 : vector<1x128xi1>, vector<1x128xf32>
    %get3A_100 = arith.constant 0 : index
    %get3A_101 = arith.constant 0 : index
    %get3A_102 = vector.load %arg14[%get3A_100, %get3A_101] : memref<128x128xf32, #tpu.memory_space<vmem>>, vector<128x128xf32>
    %dot_general3A_103 = arith.constant dense<0.000000e+00> : vector<1x128xf32>
    %dot_general3A_104 = tpu.matmul %select_n3A_99, %get3A_102, %dot_general3A_103 {dimension_numbers = #tpu.dot_dimension_numbers<[1], [0], [0], [1], [0, 0, 1, 1], [], []>, transpose_lhs_hint = false} : vector<1x128xf32>, vector<128x128xf32>, vector<1x128xf32> -> vector<1x128xf32>
    %get3A_105 = arith.constant 0 : index
    %get3A_106 = arith.constant 0 : index
    %get3A_107 = vector.load %arg15[%get3A_105, %get3A_106] : memref<1x128xf32, #tpu.memory_space<vmem>>, vector<1x128xf32>
    %get3A_108 = arith.constant 0 : index
    %get3A_109 = arith.constant 0 : index
    %get3A_110 = vector.load %arg16[%get3A_108, %get3A_109] : memref<1x128xf32, #tpu.memory_space<vmem>>, vector<1x128xf32>
    %reduce_sum3A_111 = arith.constant dense<0.000000e+00> : vector<1xf32>
    %reduce_sum3A_112 = vector.multi_reduction <add>, %dot_general3A_104, %reduce_sum3A_111 [1] : vector<1x128xf32> to vector<1xf32>
    %broadcast_in_dim3A_113 = vector.shape_cast %reduce_sum3A_112 : vector<1xf32> to vector<1x1xf32>
    %div3A_114 = arith.constant 1.280000e+02 : f32
    %div3A_115 = vector.broadcast %div3A_114 : f32 to vector<1x1xf32>
    %div3A_116 = arith.divf %broadcast_in_dim3A_113, %div3A_115 : vector<1x1xf32>
    %sub3A_117 = vector.broadcast %div3A_116 : vector<1x1xf32> to vector<1x128xf32>
    %sub3A_118 = arith.subf %dot_general3A_104, %sub3A_117 : vector<1x128xf32>
    %mul3A_119 = arith.mulf %sub3A_118, %sub3A_118 : vector<1x128xf32>
    %reduce_sum3A_120 = arith.constant dense<0.000000e+00> : vector<1xf32>
    %reduce_sum3A_121 = vector.multi_reduction <add>, %mul3A_119, %reduce_sum3A_120 [1] : vector<1x128xf32> to vector<1xf32>
    %broadcast_in_dim3A_122 = vector.shape_cast %reduce_sum3A_121 : vector<1xf32> to vector<1x1xf32>
    %div3A_123 = arith.constant 1.280000e+02 : f32
    %div3A_124 = vector.broadcast %div3A_123 : f32 to vector<1x1xf32>
    %div3A_125 = arith.divf %broadcast_in_dim3A_122, %div3A_124 : vector<1x1xf32>
    %add3A_126 = arith.constant 9.99999974E-6 : f32
    %add3A_127 = vector.broadcast %add3A_126 : f32 to vector<1x1xf32>
    %add3A_128 = arith.addf %div3A_125, %add3A_127 : vector<1x1xf32>
    %rsqrt3A_129 = math.rsqrt %add3A_128 : vector<1x1xf32>
    %mul3A_130 = vector.broadcast %rsqrt3A_129 : vector<1x1xf32> to vector<1x128xf32>
    %mul3A_131 = arith.mulf %sub3A_118, %mul3A_130 : vector<1x128xf32>
    %mul3A_132 = arith.mulf %mul3A_131, %get3A_107 : vector<1x128xf32>
    %add3A_133 = arith.addf %mul3A_132, %get3A_110 : vector<1x128xf32>
    %get3A_134 = arith.constant 0 : index
    %get3A_135 = arith.constant 0 : index
    %get3A_136 = arith.constant 0 : index
    %get3A_137 = vector.load %arg17[%get3A_134, %get3A_135, %get3A_136] : memref<2x128x128xf32, #tpu.memory_space<vmem>>, vector<1x128x128xf32>
    %get3A_138 = vector.shape_cast %get3A_137 : vector<1x128x128xf32> to vector<128x128xf32>
    %dot_general3A_139 = arith.constant dense<0.000000e+00> : vector<1x128xf32>
    %dot_general3A_140 = tpu.matmul %add3A_57, %get3A_138, %dot_general3A_139 {dimension_numbers = #tpu.dot_dimension_numbers<[1], [0], [0], [1], [0, 0, 1, 1], [], []>, transpose_lhs_hint = false} : vector<1x128xf32>, vector<128x128xf32>, vector<1x128xf32> -> vector<1x128xf32>
    %get3A_141 = arith.constant 0 : index
    %get3A_142 = arith.constant 0 : index
    %get3A_143 = vector.load %arg18[%get3A_141, %get3A_142] : memref<1x128xf32, #tpu.memory_space<vmem>>, vector<1x128xf32>
    %add3A_144 = arith.addf %dot_general3A_140, %get3A_143 : vector<1x128xf32>
    %get3A_145 = arith.constant 0 : index
    %get3A_146 = arith.constant 0 : index
    %get3A_147 = vector.load %arg1[%get3A_145, %get3A_146] : memref<2048x1xf32, #tpu.memory_space<vmem>>, vector<2048x1xf32>
    %mul3A_148 = vector.broadcast %get3A_147 : vector<2048x1xf32> to vector<2048x128xf32>
    %mul3A_149 = vector.broadcast %add3A_133 : vector<1x128xf32> to vector<2048x128xf32>
    %mul3A_150 = arith.mulf %mul3A_148, %mul3A_149 : vector<2048x128xf32>
    %get3A_151 = arith.constant 1 : index
    %get3A_152 = arith.constant 0 : index
    %get3A_153 = arith.constant 0 : index
    %get3A_154 = vector.load %arg17[%get3A_151, %get3A_152, %get3A_153] : memref<2x128x128xf32, #tpu.memory_space<vmem>>, vector<1x128x128xf32>
    %get3A_155 = vector.shape_cast %get3A_154 : vector<1x128x128xf32> to vector<128x128xf32>
    %dot_general3A_156 = arith.constant dense<0.000000e+00> : vector<2048x128xf32>
    %dot_general3A_157 = tpu.matmul %mul3A_150, %get3A_155, %dot_general3A_156 {dimension_numbers = #tpu.dot_dimension_numbers<[1], [0], [0], [1], [0, 0, 1, 1], [], []>, transpose_lhs_hint = false} : vector<2048x128xf32>, vector<128x128xf32>, vector<2048x128xf32> -> vector<2048x128xf32>
    %add3A_158 = vector.broadcast %add3A_144 : vector<1x128xf32> to vector<2048x128xf32>
    %add3A_159 = arith.addf %dot_general3A_157, %add3A_158 : vector<2048x128xf32>
    %ge3A_160 = arith.constant 0.000000e+00 : f32
    %ge3A_161 = vector.broadcast %ge3A_160 : f32 to vector<2048x128xf32>
    %ge3A_162 = arith.cmpf oge, %add3A_159, %ge3A_161 : vector<2048x128xf32>
    %mul3A_163 = arith.constant 2.000000e-01 : f32
    %mul3A_164 = vector.broadcast %mul3A_163 : f32 to vector<2048x128xf32>
    %mul3A_165 = arith.mulf %mul3A_164, %add3A_159 : vector<2048x128xf32>
    %select_n3A_166 = arith.select %ge3A_162, %add3A_159, %mul3A_165 : vector<2048x128xi1>, vector<2048x128xf32>
    %get3A_167 = arith.constant 0 : index
    %get3A_168 = arith.constant 0 : index
    %get3A_169 = vector.load %arg19[%get3A_167, %get3A_168] : memref<128x128xf32, #tpu.memory_space<vmem>>, vector<128x128xf32>
    %dot_general3A_170 = arith.constant dense<0.000000e+00> : vector<2048x128xf32>
    %dot_general3A_171 = tpu.matmul %select_n3A_166, %get3A_169, %dot_general3A_170 {dimension_numbers = #tpu.dot_dimension_numbers<[1], [0], [0], [1], [0, 0, 1, 1], [], []>, transpose_lhs_hint = false} : vector<2048x128xf32>, vector<128x128xf32>, vector<2048x128xf32> -> vector<2048x128xf32>
    %get3A_172 = arith.constant 0 : index
    %get3A_173 = arith.constant 0 : index
    %get3A_174 = vector.load %arg20[%get3A_172, %get3A_173] : memref<1x128xf32, #tpu.memory_space<vmem>>, vector<1x128xf32>
    %add3A_175 = vector.broadcast %get3A_174 : vector<1x128xf32> to vector<2048x128xf32>
    %add3A_176 = arith.addf %dot_general3A_171, %add3A_175 : vector<2048x128xf32>
    %ge3A_177 = arith.constant 0.000000e+00 : f32
    %ge3A_178 = vector.broadcast %ge3A_177 : f32 to vector<2048x128xf32>
    %ge3A_179 = arith.cmpf oge, %add3A_176, %ge3A_178 : vector<2048x128xf32>
    %mul3A_180 = arith.constant 2.000000e-01 : f32
    %mul3A_181 = vector.broadcast %mul3A_180 : f32 to vector<2048x128xf32>
    %mul3A_182 = arith.mulf %mul3A_181, %add3A_176 : vector<2048x128xf32>
    %select_n3A_183 = arith.select %ge3A_179, %add3A_176, %mul3A_182 : vector<2048x128xi1>, vector<2048x128xf32>
    %get3A_184 = arith.constant 0 : index
    %get3A_185 = arith.constant 0 : index
    %get3A_186 = vector.load %arg21[%get3A_184, %get3A_185] : memref<128x128xf32, #tpu.memory_space<vmem>>, vector<128x128xf32>
    %dot_general3A_187 = arith.constant dense<0.000000e+00> : vector<2048x128xf32>
    %dot_general3A_188 = tpu.matmul %select_n3A_183, %get3A_186, %dot_general3A_187 {dimension_numbers = #tpu.dot_dimension_numbers<[1], [0], [0], [1], [0, 0, 1, 1], [], []>, transpose_lhs_hint = false} : vector<2048x128xf32>, vector<128x128xf32>, vector<2048x128xf32> -> vector<2048x128xf32>
    %get3A_189 = arith.constant 0 : index
    %get3A_190 = arith.constant 0 : index
    %get3A_191 = vector.load %arg22[%get3A_189, %get3A_190] : memref<1x128xf32, #tpu.memory_space<vmem>>, vector<1x128xf32>
    %get3A_192 = arith.constant 0 : index
    %get3A_193 = arith.constant 0 : index
    %get3A_194 = vector.load %arg23[%get3A_192, %get3A_193] : memref<1x128xf32, #tpu.memory_space<vmem>>, vector<1x128xf32>
    %reduce_sum3A_195 = arith.constant dense<0.000000e+00> : vector<2048xf32>
    %reduce_sum3A_196 = vector.multi_reduction <add>, %dot_general3A_188, %reduce_sum3A_195 [1] : vector<2048x128xf32> to vector<2048xf32>
    %broadcast_in_dim3A_197 = vector.shape_cast %reduce_sum3A_196 : vector<2048xf32> to vector<2048x1xf32>
    %div3A_198 = arith.constant 1.280000e+02 : f32
    %div3A_199 = vector.broadcast %div3A_198 : f32 to vector<2048x1xf32>
    %div3A_200 = arith.divf %broadcast_in_dim3A_197, %div3A_199 : vector<2048x1xf32>
    %sub3A_201 = vector.broadcast %div3A_200 : vector<2048x1xf32> to vector<2048x128xf32>
    %sub3A_202 = arith.subf %dot_general3A_188, %sub3A_201 : vector<2048x128xf32>
    %mul3A_203 = arith.mulf %sub3A_202, %sub3A_202 : vector<2048x128xf32>
    %reduce_sum3A_204 = arith.constant dense<0.000000e+00> : vector<2048xf32>
    %reduce_sum3A_205 = vector.multi_reduction <add>, %mul3A_203, %reduce_sum3A_204 [1] : vector<2048x128xf32> to vector<2048xf32>
    %broadcast_in_dim3A_206 = vector.shape_cast %reduce_sum3A_205 : vector<2048xf32> to vector<2048x1xf32>
    %div3A_207 = arith.constant 1.280000e+02 : f32
    %div3A_208 = vector.broadcast %div3A_207 : f32 to vector<2048x1xf32>
    %div3A_209 = arith.divf %broadcast_in_dim3A_206, %div3A_208 : vector<2048x1xf32>
    %add3A_210 = arith.constant 9.99999974E-6 : f32
    %add3A_211 = vector.broadcast %add3A_210 : f32 to vector<2048x1xf32>
    %add3A_212 = arith.addf %div3A_209, %add3A_211 : vector<2048x1xf32>
    %rsqrt3A_213 = math.rsqrt %add3A_212 : vector<2048x1xf32>
    %mul3A_214 = vector.broadcast %rsqrt3A_213 : vector<2048x1xf32> to vector<2048x128xf32>
    %mul3A_215 = arith.mulf %sub3A_202, %mul3A_214 : vector<2048x128xf32>
    %mul3A_216 = vector.broadcast %get3A_191 : vector<1x128xf32> to vector<2048x128xf32>
    %mul3A_217 = arith.mulf %mul3A_215, %mul3A_216 : vector<2048x128xf32>
    %add3A_218 = vector.broadcast %get3A_194 : vector<1x128xf32> to vector<2048x128xf32>
    %add3A_219 = arith.addf %mul3A_217, %add3A_218 : vector<2048x128xf32>
    %swap3A = arith.constant 0 : index
    %swap3A_220 = arith.constant 0 : index
    %swap3A_221 = vector.load %arg26[%swap3A, %swap3A_220] : memref<2048x128xf32, #tpu.memory_space<vmem>>, vector<2048x128xf32>
    tpu.vector_store %arg26[%swap3A, %swap3A_220], %add3A_219 {strides = array<i32>} : memref<2048x128xf32, #tpu.memory_space<vmem>>, vector<2048x128xf32>,
    %get3A_222 = arith.constant 0 : index
    %get3A_223 = arith.constant 0 : index
    %get3A_224 = arith.constant 0 : index
    %get3A_225 = vector.load %arg24[%get3A_222, %get3A_223, %get3A_224] : memref<2x128x128xf32, #tpu.memory_space<vmem>>, vector<1x128x128xf32>
    %get3A_226 = vector.shape_cast %get3A_225 : vector<1x128x128xf32> to vector<128x128xf32>
    %dot_general3A_227 = arith.constant dense<0.000000e+00> : vector<2048x128xf32>
    %dot_general3A_228 = tpu.matmul %add3A_219, %get3A_226, %dot_general3A_227 {dimension_numbers = #tpu.dot_dimension_numbers<[1], [0], [0], [1], [0, 0, 1, 1], [], []>, transpose_lhs_hint = false} : vector<2048x128xf32>, vector<128x128xf32>, vector<2048x128xf32> -> vector<2048x128xf32>
    %get3A_229 = arith.constant 0 : index
    %get3A_230 = arith.constant 0 : index
    %get3A_231 = vector.load %arg25[%get3A_229, %get3A_230] : memref<1x128xf32, #tpu.memory_space<vmem>>, vector<1x128xf32>
    %add3A_232 = vector.broadcast %get3A_231 : vector<1x128xf32> to vector<2048x128xf32>
    %add3A_233 = arith.addf %dot_general3A_228, %add3A_232 : vector<2048x128xf32>
    %swap3A_234 = arith.constant 0 : index
    %swap3A_235 = arith.constant 0 : index
    %swap3A_236 = vector.load %arg27[%swap3A_234, %swap3A_235] : memref<2048x128xf32, #tpu.memory_space<vmem>>, vector<2048x128xf32>
    tpu.vector_store %arg27[%swap3A_234, %swap3A_235], %add3A_233 {strides = array<i32>} : memref<2048x128xf32, #tpu.memory_space<vmem>>, vector<2048x128xf32>,
    %get3A_237 = arith.constant 1 : index
    %get3A_238 = arith.constant 0 : index
    %get3A_239 = arith.constant 0 : index
    %get3A_240 = vector.load %arg24[%get3A_237, %get3A_238, %get3A_239] : memref<2x128x128xf32, #tpu.memory_space<vmem>>, vector<1x128x128xf32>
    %get3A_241 = vector.shape_cast %get3A_240 : vector<1x128x128xf32> to vector<128x128xf32>
    %dot_general3A_242 = arith.constant dense<0.000000e+00> : vector<2048x128xf32>
    %dot_general3A_243 = tpu.matmul %add3A_219, %get3A_241, %dot_general3A_242 {dimension_numbers = #tpu.dot_dimension_numbers<[1], [0], [0], [1], [0, 0, 1, 1], [], []>, transpose_lhs_hint = false} : vector<2048x128xf32>, vector<128x128xf32>, vector<2048x128xf32> -> vector<2048x128xf32>
    %swap3A_244 = arith.constant 0 : index
    %swap3A_245 = arith.constant 0 : index
    %swap3A_246 = vector.load %arg28[%swap3A_244, %swap3A_245] : memref<2048x128xf32, #tpu.memory_space<vmem>>, vector<2048x128xf32>
    tpu.vector_store %arg28[%swap3A_244, %swap3A_245], %dot_general3A_243 {strides = array<i32>} : memref<2048x128xf32, #tpu.memory_space<vmem>>, vector<2048x128xf32>,
    return
  }
  func.func @transform_0(%arg0: i32) -> (i32, i32) {
    %c0_i32 = arith.constant 0 : i32
    %c0_i32_0 = arith.constant 0 : i32
    return %arg0, %c0_i32 : i32, i32
  }
  func.func @transform_1(%arg0: i32) -> (i32, i32) {
    %c0_i32 = arith.constant 0 : i32
    %c0_i32_0 = arith.constant 0 : i32
    %c0_i32_1 = arith.constant 0 : i32
    return %c0_i32, %c0_i32_0 : i32, i32
  }
  func.func @transform_2(%arg0: i32) -> (i32, i32) {
    %c0_i32 = arith.constant 0 : i32
    %c0_i32_0 = arith.constant 0 : i32
    %c0_i32_1 = arith.constant 0 : i32
    return %c0_i32, %c0_i32_0 : i32, i32
  }
  func.func @transform_3(%arg0: i32) -> (i32, i32) {
    %c0_i32 = arith.constant 0 : i32
    %c0_i32_0 = arith.constant 0 : i32
    %c0_i32_1 = arith.constant 0 : i32
    return %c0_i32, %c0_i32_0 : i32, i32
  }
  func.func @transform_4(%arg0: i32) -> (i32, i32) {
    %c0_i32 = arith.constant 0 : i32
    %c0_i32_0 = arith.constant 0 : i32
    %c0_i32_1 = arith.constant 0 : i32
    return %c0_i32, %c0_i32_0 : i32, i32
  }
  func.func @transform_5(%arg0: i32) -> (i32, i32) {
    %c0_i32 = arith.constant 0 : i32
    %c0_i32_0 = arith.constant 0 : i32
    %c0_i32_1 = arith.constant 0 : i32
    return %c0_i32, %c0_i32_0 : i32, i32
  }
  func.func @transform_6(%arg0: i32) -> (i32, i32) {
    %c0_i32 = arith.constant 0 : i32
    %c0_i32_0 = arith.constant 0 : i32
    %c0_i32_1 = arith.constant 0 : i32
    return %c0_i32, %c0_i32_0 : i32, i32
  }
  func.func @transform_7(%arg0: i32) -> (i32, i32) {
    %c0_i32 = arith.constant 0 : i32
    %c0_i32_0 = arith.constant 0 : i32
    %c0_i32_1 = arith.constant 0 : i32
    return %c0_i32, %c0_i32_0 : i32, i32
  }
  func.func @transform_8(%arg0: i32) -> (i32, i32) {
    %c0_i32 = arith.constant 0 : i32
    %c0_i32_0 = arith.constant 0 : i32
    %c0_i32_1 = arith.constant 0 : i32
    return %c0_i32, %c0_i32_0 : i32, i32
  }
  func.func @transform_9(%arg0: i32) -> (i32, i32, i32) {
    %c0_i32 = arith.constant 0 : i32
    %c0_i32_0 = arith.constant 0 : i32
    %c0_i32_1 = arith.constant 0 : i32
    %c0_i32_2 = arith.constant 0 : i32
    return %c0_i32, %c0_i32_0, %c0_i32_1 : i32, i32, i32
  }
  func.func @transform_10(%arg0: i32) -> (i32, i32) {
    %c0_i32 = arith.constant 0 : i32
    %c0_i32_0 = arith.constant 0 : i32
    %c0_i32_1 = arith.constant 0 : i32
    return %c0_i32, %c0_i32_0 : i32, i32
  }
  func.func @transform_11(%arg0: i32) -> (i32, i32) {
    %c0_i32 = arith.constant 0 : i32
    %c0_i32_0 = arith.constant 0 : i32
    %c0_i32_1 = arith.constant 0 : i32
    return %c0_i32, %c0_i32_0 : i32, i32
  }
  func.func @transform_12(%arg0: i32) -> (i32, i32) {
    %c0_i32 = arith.constant 0 : i32
    %c0_i32_0 = arith.constant 0 : i32
    %c0_i32_1 = arith.constant 0 : i32
    return %c0_i32, %c0_i32_0 : i32, i32
  }
  func.func @transform_13(%arg0: i32) -> (i32, i32) {
    %c0_i32 = arith.constant 0 : i32
    %c0_i32_0 = arith.constant 0 : i32
    %c0_i32_1 = arith.constant 0 : i32
    return %c0_i32, %c0_i32_0 : i32, i32
  }
  func.func @transform_14(%arg0: i32) -> (i32, i32) {
    %c0_i32 = arith.constant 0 : i32
    %c0_i32_0 = arith.constant 0 : i32
    %c0_i32_1 = arith.constant 0 : i32
    return %c0_i32, %c0_i32_0 : i32, i32
  }
  func.func @transform_15(%arg0: i32) -> (i32, i32) {
    %c0_i32 = arith.constant 0 : i32
    %c0_i32_0 = arith.constant 0 : i32
    %c0_i32_1 = arith.constant 0 : i32
    return %c0_i32, %c0_i32_0 : i32, i32
  }
  func.func @transform_16(%arg0: i32) -> (i32, i32, i32) {
    %c0_i32 = arith.constant 0 : i32
    %c0_i32_0 = arith.constant 0 : i32
    %c0_i32_1 = arith.constant 0 : i32
    %c0_i32_2 = arith.constant 0 : i32
    return %c0_i32, %c0_i32_0, %c0_i32_1 : i32, i32, i32
  }
  func.func @transform_17(%arg0: i32) -> (i32, i32) {
    %c0_i32 = arith.constant 0 : i32
    %c0_i32_0 = arith.constant 0 : i32
    %c0_i32_1 = arith.constant 0 : i32
    return %c0_i32, %c0_i32_0 : i32, i32
  }
  func.func @transform_18(%arg0: i32) -> (i32, i32) {
    %c0_i32 = arith.constant 0 : i32
    %c0_i32_0 = arith.constant 0 : i32
    %c0_i32_1 = arith.constant 0 : i32
    return %c0_i32, %c0_i32_0 : i32, i32
  }
  func.func @transform_19(%arg0: i32) -> (i32, i32) {
    %c0_i32 = arith.constant 0 : i32
    %c0_i32_0 = arith.constant 0 : i32
    %c0_i32_1 = arith.constant 0 : i32
    return %c0_i32, %c0_i32_0 : i32, i32
  }
  func.func @transform_20(%arg0: i32) -> (i32, i32) {
    %c0_i32 = arith.constant 0 : i32
    %c0_i32_0 = arith.constant 0 : i32
    %c0_i32_1 = arith.constant 0 : i32
    return %c0_i32, %c0_i32_0 : i32, i32
  }
  func.func @transform_21(%arg0: i32) -> (i32, i32) {
    %c0_i32 = arith.constant 0 : i32
    %c0_i32_0 = arith.constant 0 : i32
    %c0_i32_1 = arith.constant 0 : i32
    return %c0_i32, %c0_i32_0 : i32, i32
  }
  func.func @transform_22(%arg0: i32) -> (i32, i32) {
    %c0_i32 = arith.constant 0 : i32
    %c0_i32_0 = arith.constant 0 : i32
    %c0_i32_1 = arith.constant 0 : i32
    return %c0_i32, %c0_i32_0 : i32, i32
  }
  func.func @transform_23(%arg0: i32) -> (i32, i32, i32) {
    %c0_i32 = arith.constant 0 : i32
    %c0_i32_0 = arith.constant 0 : i32
    %c0_i32_1 = arith.constant 0 : i32
    %c0_i32_2 = arith.constant 0 : i32
    return %c0_i32, %c0_i32_0, %c0_i32_1 : i32, i32, i32
  }
  func.func @transform_24(%arg0: i32) -> (i32, i32) {
    %c0_i32 = arith.constant 0 : i32
    %c0_i32_0 = arith.constant 0 : i32
    %c0_i32_1 = arith.constant 0 : i32
    return %c0_i32, %c0_i32_0 : i32, i32
  }
  func.func @transform_25(%arg0: i32) -> (i32, i32) {
    %c0_i32 = arith.constant 0 : i32
    %c0_i32_0 = arith.constant 0 : i32
    return %arg0, %c0_i32 : i32, i32
  }
  func.func @transform_26(%arg0: i32) -> (i32, i32) {
    %c0_i32 = arith.constant 0 : i32
    %c0_i32_0 = arith.constant 0 : i32
    return %arg0, %c0_i32 : i32, i32
  }
  func.func @transform_27(%arg0: i32) -> (i32, i32) {
    %c0_i32 = arith.constant 0 : i32
    %c0_i32_0 = arith.constant 0 : i32
    return %arg0, %c0_i32 : i32, i32
  }
}

module attributes {stable_mosaic.version = 14 : i64} {
  func.func @_k4_body(%arg0: i32, %arg1: memref<2048x128xf32, #tpu.memory_space<vmem>>, %arg2: memref<128x128xf32, #tpu.memory_space<vmem>>, %arg3: memref<1x128xf32, #tpu.memory_space<vmem>>, %arg4: memref<128x128xf32, #tpu.memory_space<vmem>>, %arg5: memref<1x128xf32, #tpu.memory_space<vmem>>, %arg6: memref<1x128xf32, #tpu.memory_space<vmem>>, %arg7: memref<2048x128xf32, #tpu.memory_space<vmem>>) attributes {dimension_semantics = [#tpu.dimension_semantics<arbitrary>], iteration_bounds = array<i64: 296>, scalar_prefetch = 0 : i64, scratch_operands = 0 : i64, tpu.core_type = #tpu.core_type<tc>, window_params = [{transform_indices = @transform_0, window_bounds = array<i64: 2048, 128>}, {pipeline_mode = #tpu.pipeline_mode<synchronous>, transform_indices = @transform_1, window_bounds = array<i64: 128, 128>}, {pipeline_mode = #tpu.pipeline_mode<synchronous>, transform_indices = @transform_2, window_bounds = array<i64: 1, 128>}, {pipeline_mode = #tpu.pipeline_mode<synchronous>, transform_indices = @transform_3, window_bounds = array<i64: 128, 128>}, {pipeline_mode = #tpu.pipeline_mode<synchronous>, transform_indices = @transform_4, window_bounds = array<i64: 1, 128>}, {pipeline_mode = #tpu.pipeline_mode<synchronous>, transform_indices = @transform_5, window_bounds = array<i64: 1, 128>}, {transform_indices = @transform_6, window_bounds = array<i64: 2048, 128>}]} {
    %get3A = arith.constant 0 : index
    %get3A_0 = arith.constant 0 : index
    %get3A_1 = vector.load %arg1[%get3A, %get3A_0] : memref<2048x128xf32, #tpu.memory_space<vmem>>, vector<2048x128xf32>
    %ge3A = arith.constant 0.000000e+00 : f32
    %ge3A_2 = vector.broadcast %ge3A : f32 to vector<2048x128xf32>
    %ge3A_3 = arith.cmpf oge, %get3A_1, %ge3A_2 : vector<2048x128xf32>
    %mul3A = arith.constant 2.000000e-01 : f32
    %mul3A_4 = vector.broadcast %mul3A : f32 to vector<2048x128xf32>
    %mul3A_5 = arith.mulf %mul3A_4, %get3A_1 : vector<2048x128xf32>
    %select_n3A = arith.select %ge3A_3, %get3A_1, %mul3A_5 : vector<2048x128xi1>, vector<2048x128xf32>
    %get3A_6 = arith.constant 0 : index
    %get3A_7 = arith.constant 0 : index
    %get3A_8 = vector.load %arg2[%get3A_6, %get3A_7] : memref<128x128xf32, #tpu.memory_space<vmem>>, vector<128x128xf32>
    %dot_general3A = arith.constant dense<0.000000e+00> : vector<2048x128xf32>
    %dot_general3A_9 = tpu.matmul %select_n3A, %get3A_8, %dot_general3A {dimension_numbers = #tpu.dot_dimension_numbers<[1], [0], [0], [1], [0, 0, 1, 1], [], []>, transpose_lhs_hint = false} : vector<2048x128xf32>, vector<128x128xf32>, vector<2048x128xf32> -> vector<2048x128xf32>
    %get3A_10 = arith.constant 0 : index
    %get3A_11 = arith.constant 0 : index
    %get3A_12 = vector.load %arg3[%get3A_10, %get3A_11] : memref<1x128xf32, #tpu.memory_space<vmem>>, vector<1x128xf32>
    %add3A = vector.broadcast %get3A_12 : vector<1x128xf32> to vector<2048x128xf32>
    %add3A_13 = arith.addf %dot_general3A_9, %add3A : vector<2048x128xf32>
    %ge3A_14 = arith.constant 0.000000e+00 : f32
    %ge3A_15 = vector.broadcast %ge3A_14 : f32 to vector<2048x128xf32>
    %ge3A_16 = arith.cmpf oge, %add3A_13, %ge3A_15 : vector<2048x128xf32>
    %mul3A_17 = arith.constant 2.000000e-01 : f32
    %mul3A_18 = vector.broadcast %mul3A_17 : f32 to vector<2048x128xf32>
    %mul3A_19 = arith.mulf %mul3A_18, %add3A_13 : vector<2048x128xf32>
    %select_n3A_20 = arith.select %ge3A_16, %add3A_13, %mul3A_19 : vector<2048x128xi1>, vector<2048x128xf32>
    %get3A_21 = arith.constant 0 : index
    %get3A_22 = arith.constant 0 : index
    %get3A_23 = vector.load %arg4[%get3A_21, %get3A_22] : memref<128x128xf32, #tpu.memory_space<vmem>>, vector<128x128xf32>
    %dot_general3A_24 = arith.constant dense<0.000000e+00> : vector<2048x128xf32>
    %dot_general3A_25 = tpu.matmul %select_n3A_20, %get3A_23, %dot_general3A_24 {dimension_numbers = #tpu.dot_dimension_numbers<[1], [0], [0], [1], [0, 0, 1, 1], [], []>, transpose_lhs_hint = false} : vector<2048x128xf32>, vector<128x128xf32>, vector<2048x128xf32> -> vector<2048x128xf32>
    %get3A_26 = arith.constant 0 : index
    %get3A_27 = arith.constant 0 : index
    %get3A_28 = vector.load %arg5[%get3A_26, %get3A_27] : memref<1x128xf32, #tpu.memory_space<vmem>>, vector<1x128xf32>
    %get3A_29 = arith.constant 0 : index
    %get3A_30 = arith.constant 0 : index
    %get3A_31 = vector.load %arg6[%get3A_29, %get3A_30] : memref<1x128xf32, #tpu.memory_space<vmem>>, vector<1x128xf32>
    %reduce_sum3A = arith.constant dense<0.000000e+00> : vector<2048xf32>
    %reduce_sum3A_32 = vector.multi_reduction <add>, %dot_general3A_25, %reduce_sum3A [1] : vector<2048x128xf32> to vector<2048xf32>
    %broadcast_in_dim3A = vector.shape_cast %reduce_sum3A_32 : vector<2048xf32> to vector<2048x1xf32>
    %div3A = arith.constant 1.280000e+02 : f32
    %div3A_33 = vector.broadcast %div3A : f32 to vector<2048x1xf32>
    %div3A_34 = arith.divf %broadcast_in_dim3A, %div3A_33 : vector<2048x1xf32>
    %sub3A = vector.broadcast %div3A_34 : vector<2048x1xf32> to vector<2048x128xf32>
    %sub3A_35 = arith.subf %dot_general3A_25, %sub3A : vector<2048x128xf32>
    %mul3A_36 = arith.mulf %sub3A_35, %sub3A_35 : vector<2048x128xf32>
    %reduce_sum3A_37 = arith.constant dense<0.000000e+00> : vector<2048xf32>
    %reduce_sum3A_38 = vector.multi_reduction <add>, %mul3A_36, %reduce_sum3A_37 [1] : vector<2048x128xf32> to vector<2048xf32>
    %broadcast_in_dim3A_39 = vector.shape_cast %reduce_sum3A_38 : vector<2048xf32> to vector<2048x1xf32>
    %div3A_40 = arith.constant 1.280000e+02 : f32
    %div3A_41 = vector.broadcast %div3A_40 : f32 to vector<2048x1xf32>
    %div3A_42 = arith.divf %broadcast_in_dim3A_39, %div3A_41 : vector<2048x1xf32>
    %add3A_43 = arith.constant 9.99999974E-6 : f32
    %add3A_44 = vector.broadcast %add3A_43 : f32 to vector<2048x1xf32>
    %add3A_45 = arith.addf %div3A_42, %add3A_44 : vector<2048x1xf32>
    %rsqrt3A = math.rsqrt %add3A_45 : vector<2048x1xf32>
    %mul3A_46 = vector.broadcast %rsqrt3A : vector<2048x1xf32> to vector<2048x128xf32>
    %mul3A_47 = arith.mulf %sub3A_35, %mul3A_46 : vector<2048x128xf32>
    %mul3A_48 = vector.broadcast %get3A_28 : vector<1x128xf32> to vector<2048x128xf32>
    %mul3A_49 = arith.mulf %mul3A_47, %mul3A_48 : vector<2048x128xf32>
    %add3A_50 = vector.broadcast %get3A_31 : vector<1x128xf32> to vector<2048x128xf32>
    %add3A_51 = arith.addf %mul3A_49, %add3A_50 : vector<2048x128xf32>
    %swap3A = arith.constant 0 : index
    %swap3A_52 = arith.constant 0 : index
    %swap3A_53 = vector.load %arg7[%swap3A, %swap3A_52] : memref<2048x128xf32, #tpu.memory_space<vmem>>, vector<2048x128xf32>
    tpu.vector_store %arg7[%swap3A, %swap3A_52], %add3A_51 {strides = array<i32>} : memref<2048x128xf32, #tpu.memory_space<vmem>>, vector<2048x128xf32>,
    return
  }
  func.func @transform_0(%arg0: i32) -> (i32, i32) {
    %c0_i32 = arith.constant 0 : i32
    %c0_i32_0 = arith.constant 0 : i32
    return %arg0, %c0_i32 : i32, i32
  }
  func.func @transform_1(%arg0: i32) -> (i32, i32) {
    %c0_i32 = arith.constant 0 : i32
    %c0_i32_0 = arith.constant 0 : i32
    %c0_i32_1 = arith.constant 0 : i32
    return %c0_i32, %c0_i32_0 : i32, i32
  }
  func.func @transform_2(%arg0: i32) -> (i32, i32) {
    %c0_i32 = arith.constant 0 : i32
    %c0_i32_0 = arith.constant 0 : i32
    %c0_i32_1 = arith.constant 0 : i32
    return %c0_i32, %c0_i32_0 : i32, i32
  }
  func.func @transform_3(%arg0: i32) -> (i32, i32) {
    %c0_i32 = arith.constant 0 : i32
    %c0_i32_0 = arith.constant 0 : i32
    %c0_i32_1 = arith.constant 0 : i32
    return %c0_i32, %c0_i32_0 : i32, i32
  }
  func.func @transform_4(%arg0: i32) -> (i32, i32) {
    %c0_i32 = arith.constant 0 : i32
    %c0_i32_0 = arith.constant 0 : i32
    %c0_i32_1 = arith.constant 0 : i32
    return %c0_i32, %c0_i32_0 : i32, i32
  }
  func.func @transform_5(%arg0: i32) -> (i32, i32) {
    %c0_i32 = arith.constant 0 : i32
    %c0_i32_0 = arith.constant 0 : i32
    %c0_i32_1 = arith.constant 0 : i32
    return %c0_i32, %c0_i32_0 : i32, i32
  }
  func.func @transform_6(%arg0: i32) -> (i32, i32) {
    %c0_i32 = arith.constant 0 : i32
    %c0_i32_0 = arith.constant 0 : i32
    return %arg0, %c0_i32 : i32, i32
  }
}

module attributes {stable_mosaic.version = 14 : i64} {
  func.func @_k6_body(%arg0: i32, %arg1: memref<2048x128xf32, #tpu.memory_space<vmem>>, %arg2: memref<2048x128xf32, #tpu.memory_space<vmem>>, %arg3: memref<2x128x128xf32, #tpu.memory_space<vmem>>, %arg4: memref<1x128xf32, #tpu.memory_space<vmem>>, %arg5: memref<128x128xf32, #tpu.memory_space<vmem>>, %arg6: memref<1x128xf32, #tpu.memory_space<vmem>>, %arg7: memref<128x128xf32, #tpu.memory_space<vmem>>, %arg8: memref<1x128xf32, #tpu.memory_space<vmem>>, %arg9: memref<1x128xf32, #tpu.memory_space<vmem>>, %arg10: memref<4x128xf32, #tpu.memory_space<vmem>>, %arg11: memref<4x128xf32, #tpu.memory_space<vmem>>, %arg12: memref<16x128xf32, #tpu.memory_space<vmem>>, %arg13: memref<4x128xf32, #tpu.memory_space<vmem>>, %arg14: memref<16x128xf32, #tpu.memory_space<vmem>>, %arg15: memref<4x128xf32, #tpu.memory_space<vmem>>, %arg16: memref<4x128xf32, #tpu.memory_space<vmem>>, %arg17: memref<2048x4x128xf32, #tpu.memory_space<vmem>>) attributes {dimension_semantics = [#tpu.dimension_semantics<arbitrary>], iteration_bounds = array<i64: 50>, scalar_prefetch = 0 : i64, scratch_operands = 0 : i64, tpu.core_type = #tpu.core_type<tc>, window_params = [{transform_indices = @transform_0, window_bounds = array<i64: 2048, 128>}, {transform_indices = @transform_1, window_bounds = array<i64: 2048, 128>}, {pipeline_mode = #tpu.pipeline_mode<synchronous>, transform_indices = @transform_2, window_bounds = array<i64: 2, 128, 128>}, {pipeline_mode = #tpu.pipeline_mode<synchronous>, transform_indices = @transform_3, window_bounds = array<i64: 1, 128>}, {pipeline_mode = #tpu.pipeline_mode<synchronous>, transform_indices = @transform_4, window_bounds = array<i64: 128, 128>}, {pipeline_mode = #tpu.pipeline_mode<synchronous>, transform_indices = @transform_5, window_bounds = array<i64: 1, 128>}, {pipeline_mode = #tpu.pipeline_mode<synchronous>, transform_indices = @transform_6, window_bounds = array<i64: 128, 128>}, {pipeline_mode = #tpu.pipeline_mode<synchronous>, transform_indices = @transform_7, window_bounds = array<i64: 1, 128>}, {pipeline_mode = #tpu.pipeline_mode<synchronous>, transform_indices = @transform_8, window_bounds = array<i64: 1, 128>}, {pipeline_mode = #tpu.pipeline_mode<synchronous>, transform_indices = @transform_9, window_bounds = array<i64: 4, 128>}, {pipeline_mode = #tpu.pipeline_mode<synchronous>, transform_indices = @transform_10, window_bounds = array<i64: 4, 128>}, {pipeline_mode = #tpu.pipeline_mode<synchronous>, transform_indices = @transform_11, window_bounds = array<i64: 16, 128>}, {pipeline_mode = #tpu.pipeline_mode<synchronous>, transform_indices = @transform_12, window_bounds = array<i64: 4, 128>}, {pipeline_mode = #tpu.pipeline_mode<synchronous>, transform_indices = @transform_13, window_bounds = array<i64: 16, 128>}, {pipeline_mode = #tpu.pipeline_mode<synchronous>, transform_indices = @transform_14, window_bounds = array<i64: 4, 128>}, {pipeline_mode = #tpu.pipeline_mode<synchronous>, transform_indices = @transform_15, window_bounds = array<i64: 4, 128>}, {transform_indices = @transform_16, window_bounds = array<i64: 2048, 4, 128>}]} {
    %get3A = arith.constant 0 : index
    %get3A_0 = arith.constant 0 : index
    %get3A_1 = vector.load %arg1[%get3A, %get3A_0] : memref<2048x128xf32, #tpu.memory_space<vmem>>, vector<2048x128xf32>
    %get3A_2 = arith.constant 0 : index
    %get3A_3 = arith.constant 0 : index
    %get3A_4 = arith.constant 0 : index
    %get3A_5 = vector.load %arg3[%get3A_2, %get3A_3, %get3A_4] : memref<2x128x128xf32, #tpu.memory_space<vmem>>, vector<1x128x128xf32>
    %get3A_6 = vector.shape_cast %get3A_5 : vector<1x128x128xf32> to vector<128x128xf32>
    %dot_general3A = arith.constant dense<0.000000e+00> : vector<2048x128xf32>
    %dot_general3A_7 = tpu.matmul %get3A_1, %get3A_6, %dot_general3A {dimension_numbers = #tpu.dot_dimension_numbers<[1], [0], [0], [1], [0, 0, 1, 1], [], []>, transpose_lhs_hint = false} : vector<2048x128xf32>, vector<128x128xf32>, vector<2048x128xf32> -> vector<2048x128xf32>
    %get3A_8 = arith.constant 0 : index
    %get3A_9 = arith.constant 0 : index
    %get3A_10 = vector.load %arg2[%get3A_8, %get3A_9] : memref<2048x128xf32, #tpu.memory_space<vmem>>, vector<2048x128xf32>
    %get3A_11 = arith.constant 1 : index
    %get3A_12 = arith.constant 0 : index
    %get3A_13 = arith.constant 0 : index
    %get3A_14 = vector.load %arg3[%get3A_11, %get3A_12, %get3A_13] : memref<2x128x128xf32, #tpu.memory_space<vmem>>, vector<1x128x128xf32>
    %get3A_15 = vector.shape_cast %get3A_14 : vector<1x128x128xf32> to vector<128x128xf32>
    %dot_general3A_16 = arith.constant dense<0.000000e+00> : vector<2048x128xf32>
    %dot_general3A_17 = tpu.matmul %get3A_10, %get3A_15, %dot_general3A_16 {dimension_numbers = #tpu.dot_dimension_numbers<[1], [0], [0], [1], [0, 0, 1, 1], [], []>, transpose_lhs_hint = false} : vector<2048x128xf32>, vector<128x128xf32>, vector<2048x128xf32> -> vector<2048x128xf32>
    %add3A = arith.addf %dot_general3A_7, %dot_general3A_17 : vector<2048x128xf32>
    %get3A_18 = arith.constant 0 : index
    %get3A_19 = arith.constant 0 : index
    %get3A_20 = vector.load %arg4[%get3A_18, %get3A_19] : memref<1x128xf32, #tpu.memory_space<vmem>>, vector<1x128xf32>
    %add3A_21 = vector.broadcast %get3A_20 : vector<1x128xf32> to vector<2048x128xf32>
    %add3A_22 = arith.addf %add3A, %add3A_21 : vector<2048x128xf32>
    %ge3A = arith.constant 0.000000e+00 : f32
    %ge3A_23 = vector.broadcast %ge3A : f32 to vector<2048x128xf32>
    %ge3A_24 = arith.cmpf oge, %add3A_22, %ge3A_23 : vector<2048x128xf32>
    %mul3A = arith.constant 2.000000e-01 : f32
    %mul3A_25 = vector.broadcast %mul3A : f32 to vector<2048x128xf32>
    %mul3A_26 = arith.mulf %mul3A_25, %add3A_22 : vector<2048x128xf32>
    %select_n3A = arith.select %ge3A_24, %add3A_22, %mul3A_26 : vector<2048x128xi1>, vector<2048x128xf32>
    %get3A_27 = arith.constant 0 : index
    %get3A_28 = arith.constant 0 : index
    %get3A_29 = vector.load %arg5[%get3A_27, %get3A_28] : memref<128x128xf32, #tpu.memory_space<vmem>>, vector<128x128xf32>
    %dot_general3A_30 = arith.constant dense<0.000000e+00> : vector<2048x128xf32>
    %dot_general3A_31 = tpu.matmul %select_n3A, %get3A_29, %dot_general3A_30 {dimension_numbers = #tpu.dot_dimension_numbers<[1], [0], [0], [1], [0, 0, 1, 1], [], []>, transpose_lhs_hint = false} : vector<2048x128xf32>, vector<128x128xf32>, vector<2048x128xf32> -> vector<2048x128xf32>
    %get3A_32 = arith.constant 0 : index
    %get3A_33 = arith.constant 0 : index
    %get3A_34 = vector.load %arg6[%get3A_32, %get3A_33] : memref<1x128xf32, #tpu.memory_space<vmem>>, vector<1x128xf32>
    %add3A_35 = vector.broadcast %get3A_34 : vector<1x128xf32> to vector<2048x128xf32>
    %add3A_36 = arith.addf %dot_general3A_31, %add3A_35 : vector<2048x128xf32>
    %ge3A_37 = arith.constant 0.000000e+00 : f32
    %ge3A_38 = vector.broadcast %ge3A_37 : f32 to vector<2048x128xf32>
    %ge3A_39 = arith.cmpf oge, %add3A_36, %ge3A_38 : vector<2048x128xf32>
    %mul3A_40 = arith.constant 2.000000e-01 : f32
    %mul3A_41 = vector.broadcast %mul3A_40 : f32 to vector<2048x128xf32>
    %mul3A_42 = arith.mulf %mul3A_41, %add3A_36 : vector<2048x128xf32>
    %select_n3A_43 = arith.select %ge3A_39, %add3A_36, %mul3A_42 : vector<2048x128xi1>, vector<2048x128xf32>
    %get3A_44 = arith.constant 0 : index
    %get3A_45 = arith.constant 0 : index
    %get3A_46 = vector.load %arg7[%get3A_44, %get3A_45] : memref<128x128xf32, #tpu.memory_space<vmem>>, vector<128x128xf32>
    %dot_general3A_47 = arith.constant dense<0.000000e+00> : vector<2048x128xf32>
    %dot_general3A_48 = tpu.matmul %select_n3A_43, %get3A_46, %dot_general3A_47 {dimension_numbers = #tpu.dot_dimension_numbers<[1], [0], [0], [1], [0, 0, 1, 1], [], []>, transpose_lhs_hint = false} : vector<2048x128xf32>, vector<128x128xf32>, vector<2048x128xf32> -> vector<2048x128xf32>
    %get3A_49 = arith.constant 0 : index
    %get3A_50 = arith.constant 0 : index
    %get3A_51 = vector.load %arg8[%get3A_49, %get3A_50] : memref<1x128xf32, #tpu.memory_space<vmem>>, vector<1x128xf32>
    %get3A_52 = arith.constant 0 : index
    %get3A_53 = arith.constant 0 : index
    %get3A_54 = vector.load %arg9[%get3A_52, %get3A_53] : memref<1x128xf32, #tpu.memory_space<vmem>>, vector<1x128xf32>
    %reduce_sum3A = arith.constant dense<0.000000e+00> : vector<2048xf32>
    %reduce_sum3A_55 = vector.multi_reduction <add>, %dot_general3A_48, %reduce_sum3A [1] : vector<2048x128xf32> to vector<2048xf32>
    %broadcast_in_dim3A = vector.shape_cast %reduce_sum3A_55 : vector<2048xf32> to vector<2048x1xf32>
    %div3A = arith.constant 1.280000e+02 : f32
    %div3A_56 = vector.broadcast %div3A : f32 to vector<2048x1xf32>
    %div3A_57 = arith.divf %broadcast_in_dim3A, %div3A_56 : vector<2048x1xf32>
    %sub3A = vector.broadcast %div3A_57 : vector<2048x1xf32> to vector<2048x128xf32>
    %sub3A_58 = arith.subf %dot_general3A_48, %sub3A : vector<2048x128xf32>
    %mul3A_59 = arith.mulf %sub3A_58, %sub3A_58 : vector<2048x128xf32>
    %reduce_sum3A_60 = arith.constant dense<0.000000e+00> : vector<2048xf32>
    %reduce_sum3A_61 = vector.multi_reduction <add>, %mul3A_59, %reduce_sum3A_60 [1] : vector<2048x128xf32> to vector<2048xf32>
    %broadcast_in_dim3A_62 = vector.shape_cast %reduce_sum3A_61 : vector<2048xf32> to vector<2048x1xf32>
    %div3A_63 = arith.constant 1.280000e+02 : f32
    %div3A_64 = vector.broadcast %div3A_63 : f32 to vector<2048x1xf32>
    %div3A_65 = arith.divf %broadcast_in_dim3A_62, %div3A_64 : vector<2048x1xf32>
    %add3A_66 = arith.constant 9.99999974E-6 : f32
    %add3A_67 = vector.broadcast %add3A_66 : f32 to vector<2048x1xf32>
    %add3A_68 = arith.addf %div3A_65, %add3A_67 : vector<2048x1xf32>
    %rsqrt3A = math.rsqrt %add3A_68 : vector<2048x1xf32>
    %mul3A_69 = vector.broadcast %rsqrt3A : vector<2048x1xf32> to vector<2048x128xf32>
    %mul3A_70 = arith.mulf %sub3A_58, %mul3A_69 : vector<2048x128xf32>
    %mul3A_71 = vector.broadcast %get3A_51 : vector<1x128xf32> to vector<2048x128xf32>
    %mul3A_72 = arith.mulf %mul3A_70, %mul3A_71 : vector<2048x128xf32>
    %add3A_73 = vector.broadcast %get3A_54 : vector<1x128xf32> to vector<2048x128xf32>
    %add3A_74 = arith.addf %mul3A_72, %add3A_73 : vector<2048x128xf32>
    %get3A_75 = arith.constant 0 : index
    %get3A_76 = arith.constant 0 : index
    %get3A_77 = vector.load %arg10[%get3A_75, %get3A_76] : memref<4x128xf32, #tpu.memory_space<vmem>>, vector<1x128xf32>
    %get3A_78 = vector.shape_cast %get3A_77 : vector<1x128xf32> to vector<128xf32>
    %broadcast_in_dim3A_79 = vector.shape_cast %get3A_78 : vector<128xf32> to vector<1x128xf32>
    %mul3A_80 = vector.broadcast %broadcast_in_dim3A_79 : vector<1x128xf32> to vector<2048x128xf32>
    %mul3A_81 = arith.mulf %add3A_74, %mul3A_80 : vector<2048x128xf32>
    %get3A_82 = arith.constant 0 : index
    %get3A_83 = arith.constant 0 : index
    %get3A_84 = vector.load %arg11[%get3A_82, %get3A_83] : memref<4x128xf32, #tpu.memory_space<vmem>>, vector<1x128xf32>
    %get3A_85 = vector.shape_cast %get3A_84 : vector<1x128xf32> to vector<128xf32>
    %broadcast_in_dim3A_86 = vector.shape_cast %get3A_85 : vector<128xf32> to vector<1x128xf32>
    %add3A_87 = vector.broadcast %broadcast_in_dim3A_86 : vector<1x128xf32> to vector<2048x128xf32>
    %add3A_88 = arith.addf %mul3A_81, %add3A_87 : vector<2048x128xf32>
    %ge3A_89 = arith.constant 0.000000e+00 : f32
    %ge3A_90 = vector.broadcast %ge3A_89 : f32 to vector<2048x128xf32>
    %ge3A_91 = arith.cmpf oge, %add3A_88, %ge3A_90 : vector<2048x128xf32>
    %mul3A_92 = arith.constant 2.000000e-01 : f32
    %mul3A_93 = vector.broadcast %mul3A_92 : f32 to vector<2048x128xf32>
    %mul3A_94 = arith.mulf %mul3A_93, %add3A_88 : vector<2048x128xf32>
    %select_n3A_95 = arith.select %ge3A_91, %add3A_88, %mul3A_94 : vector<2048x128xi1>, vector<2048x128xf32>
    %convert_element_type3A = arith.truncf %select_n3A_95 : vector<2048x128xf32> to vector<2048x128xbf16>
    %convert_element_type3A_96 = arith.extf %convert_element_type3A : vector<2048x128xbf16> to vector<2048x128xf32>
    %get3A_97 = arith.constant 1 : index
    %get3A_98 = arith.constant 0 : index
    %get3A_99 = vector.load %arg10[%get3A_97, %get3A_98] : memref<4x128xf32, #tpu.memory_space<vmem>>, vector<1x128xf32>
    %get3A_100 = vector.shape_cast %get3A_99 : vector<1x128xf32> to vector<128xf32>
    %broadcast_in_dim3A_101 = vector.shape_cast %get3A_100 : vector<128xf32> to vector<1x128xf32>
    %mul3A_102 = vector.broadcast %broadcast_in_dim3A_101 : vector<1x128xf32> to vector<2048x128xf32>
    %mul3A_103 = arith.mulf %add3A_74, %mul3A_102 : vector<2048x128xf32>
    %get3A_104 = arith.constant 1 : index
    %get3A_105 = arith.constant 0 : index
    %get3A_106 = vector.load %arg11[%get3A_104, %get3A_105] : memref<4x128xf32, #tpu.memory_space<vmem>>, vector<1x128xf32>
    %get3A_107 = vector.shape_cast %get3A_106 : vector<1x128xf32> to vector<128xf32>
    %broadcast_in_dim3A_108 = vector.shape_cast %get3A_107 : vector<128xf32> to vector<1x128xf32>
    %add3A_109 = vector.broadcast %broadcast_in_dim3A_108 : vector<1x128xf32> to vector<2048x128xf32>
    %add3A_110 = arith.addf %mul3A_103, %add3A_109 : vector<2048x128xf32>
    %ge3A_111 = arith.constant 0.000000e+00 : f32
    %ge3A_112 = vector.broadcast %ge3A_111 : f32 to vector<2048x128xf32>
    %ge3A_113 = arith.cmpf oge, %add3A_110, %ge3A_112 : vector<2048x128xf32>
    %mul3A_114 = arith.constant 2.000000e-01 : f32
    %mul3A_115 = vector.broadcast %mul3A_114 : f32 to vector<2048x128xf32>
    %mul3A_116 = arith.mulf %mul3A_115, %add3A_110 : vector<2048x128xf32>
    %select_n3A_117 = arith.select %ge3A_113, %add3A_110, %mul3A_116 : vector<2048x128xi1>, vector<2048x128xf32>
    %convert_element_type3A_118 = arith.truncf %select_n3A_117 : vector<2048x128xf32> to vector<2048x128xbf16>
    %convert_element_type3A_119 = arith.extf %convert_element_type3A_118 : vector<2048x128xbf16> to vector<2048x128xf32>
    %get3A_120 = arith.constant 2 : index
    %get3A_121 = arith.constant 0 : index
    %get3A_122 = vector.load %arg10[%get3A_120, %get3A_121] : memref<4x128xf32, #tpu.memory_space<vmem>>, vector<1x128xf32>
    %get3A_123 = vector.shape_cast %get3A_122 : vector<1x128xf32> to vector<128xf32>
    %broadcast_in_dim3A_124 = vector.shape_cast %get3A_123 : vector<128xf32> to vector<1x128xf32>
    %mul3A_125 = vector.broadcast %broadcast_in_dim3A_124 : vector<1x128xf32> to vector<2048x128xf32>
    %mul3A_126 = arith.mulf %add3A_74, %mul3A_125 : vector<2048x128xf32>
    %get3A_127 = arith.constant 2 : index
    %get3A_128 = arith.constant 0 : index
    %get3A_129 = vector.load %arg11[%get3A_127, %get3A_128] : memref<4x128xf32, #tpu.memory_space<vmem>>, vector<1x128xf32>
    %get3A_130 = vector.shape_cast %get3A_129 : vector<1x128xf32> to vector<128xf32>
    %broadcast_in_dim3A_131 = vector.shape_cast %get3A_130 : vector<128xf32> to vector<1x128xf32>
    %add3A_132 = vector.broadcast %broadcast_in_dim3A_131 : vector<1x128xf32> to vector<2048x128xf32>
    %add3A_133 = arith.addf %mul3A_126, %add3A_132 : vector<2048x128xf32>
    %ge3A_134 = arith.constant 0.000000e+00 : f32
    %ge3A_135 = vector.broadcast %ge3A_134 : f32 to vector<2048x128xf32>
    %ge3A_136 = arith.cmpf oge, %add3A_133, %ge3A_135 : vector<2048x128xf32>
    %mul3A_137 = arith.constant 2.000000e-01 : f32
    %mul3A_138 = vector.broadcast %mul3A_137 : f32 to vector<2048x128xf32>
    %mul3A_139 = arith.mulf %mul3A_138, %add3A_133 : vector<2048x128xf32>
    %select_n3A_140 = arith.select %ge3A_136, %add3A_133, %mul3A_139 : vector<2048x128xi1>, vector<2048x128xf32>
    %convert_element_type3A_141 = arith.truncf %select_n3A_140 : vector<2048x128xf32> to vector<2048x128xbf16>
    %convert_element_type3A_142 = arith.extf %convert_element_type3A_141 : vector<2048x128xbf16> to vector<2048x128xf32>
    %get3A_143 = arith.constant 3 : index
    %get3A_144 = arith.constant 0 : index
    %get3A_145 = vector.load %arg10[%get3A_143, %get3A_144] : memref<4x128xf32, #tpu.memory_space<vmem>>, vector<1x128xf32>
    %get3A_146 = vector.shape_cast %get3A_145 : vector<1x128xf32> to vector<128xf32>
    %broadcast_in_dim3A_147 = vector.shape_cast %get3A_146 : vector<128xf32> to vector<1x128xf32>
    %mul3A_148 = vector.broadcast %broadcast_in_dim3A_147 : vector<1x128xf32> to vector<2048x128xf32>
    %mul3A_149 = arith.mulf %add3A_74, %mul3A_148 : vector<2048x128xf32>
    %get3A_150 = arith.constant 3 : index
    %get3A_151 = arith.constant 0 : index
    %get3A_152 = vector.load %arg11[%get3A_150, %get3A_151] : memref<4x128xf32, #tpu.memory_space<vmem>>, vector<1x128xf32>
    %get3A_153 = vector.shape_cast %get3A_152 : vector<1x128xf32> to vector<128xf32>
    %broadcast_in_dim3A_154 = vector.shape_cast %get3A_153 : vector<128xf32> to vector<1x128xf32>
    %add3A_155 = vector.broadcast %broadcast_in_dim3A_154 : vector<1x128xf32> to vector<2048x128xf32>
    %add3A_156 = arith.addf %mul3A_149, %add3A_155 : vector<2048x128xf32>
    %ge3A_157 = arith.constant 0.000000e+00 : f32
    %ge3A_158 = vector.broadcast %ge3A_157 : f32 to vector<2048x128xf32>
    %ge3A_159 = arith.cmpf oge, %add3A_156, %ge3A_158 : vector<2048x128xf32>
    %mul3A_160 = arith.constant 2.000000e-01 : f32
    %mul3A_161 = vector.broadcast %mul3A_160 : f32 to vector<2048x128xf32>
    %mul3A_162 = arith.mulf %mul3A_161, %add3A_156 : vector<2048x128xf32>
    %select_n3A_163 = arith.select %ge3A_159, %add3A_156, %mul3A_162 : vector<2048x128xi1>, vector<2048x128xf32>
    %convert_element_type3A_164 = arith.truncf %select_n3A_163 : vector<2048x128xf32> to vector<2048x128xbf16>
    %convert_element_type3A_165 = arith.extf %convert_element_type3A_164 : vector<2048x128xbf16> to vector<2048x128xf32>
    %get3A_166 = arith.constant 0 : index
    %get3A_167 = arith.constant 0 : index
    %get3A_168 = vector.load %arg12[%get3A_166, %get3A_167] : memref<16x128xf32, #tpu.memory_space<vmem>>, vector<1x128xf32>
    %get3A_169 = vector.shape_cast %get3A_168 : vector<1x128xf32> to vector<128xf32>
    %broadcast_in_dim3A_170 = vector.shape_cast %get3A_169 : vector<128xf32> to vector<1x128xf32>
    %mul3A_171 = vector.broadcast %broadcast_in_dim3A_170 : vector<1x128xf32> to vector<2048x128xf32>
    %mul3A_172 = arith.mulf %convert_element_type3A_96, %mul3A_171 : vector<2048x128xf32>
    %get3A_173 = arith.constant 4 : index
    %get3A_174 = arith.constant 0 : index
    %get3A_175 = vector.load %arg12[%get3A_173, %get3A_174] : memref<16x128xf32, #tpu.memory_space<vmem>>, vector<1x128xf32>
    %get3A_176 = vector.shape_cast %get3A_175 : vector<1x128xf32> to vector<128xf32>
    %broadcast_in_dim3A_177 = vector.shape_cast %get3A_176 : vector<128xf32> to vector<1x128xf32>
    %mul3A_178 = vector.broadcast %broadcast_in_dim3A_177 : vector<1x128xf32> to vector<2048x128xf32>
    %mul3A_179 = arith.mulf %convert_element_type3A_119, %mul3A_178 : vector<2048x128xf32>
    %add3A_180 = arith.addf %mul3A_172, %mul3A_179 : vector<2048x128xf32>
    %get3A_181 = arith.constant 8 : index
    %get3A_182 = arith.constant 0 : index
    %get3A_183 = vector.load %arg12[%get3A_181, %get3A_182] : memref<16x128xf32, #tpu.memory_space<vmem>>, vector<1x128xf32>
    %get3A_184 = vector.shape_cast %get3A_183 : vector<1x128xf32> to vector<128xf32>
    %broadcast_in_dim3A_185 = vector.shape_cast %get3A_184 : vector<128xf32> to vector<1x128xf32>
    %mul3A_186 = vector.broadcast %broadcast_in_dim3A_185 : vector<1x128xf32> to vector<2048x128xf32>
    %mul3A_187 = arith.mulf %convert_element_type3A_142, %mul3A_186 : vector<2048x128xf32>
    %add3A_188 = arith.addf %add3A_180, %mul3A_187 : vector<2048x128xf32>
    %get3A_189 = arith.constant 12 : index
    %get3A_190 = arith.constant 0 : index
    %get3A_191 = vector.load %arg12[%get3A_189, %get3A_190] : memref<16x128xf32, #tpu.memory_space<vmem>>, vector<1x128xf32>
    %get3A_192 = vector.shape_cast %get3A_191 : vector<1x128xf32> to vector<128xf32>
    %broadcast_in_dim3A_193 = vector.shape_cast %get3A_192 : vector<128xf32> to vector<1x128xf32>
    %mul3A_194 = vector.broadcast %broadcast_in_dim3A_193 : vector<1x128xf32> to vector<2048x128xf32>
    %mul3A_195 = arith.mulf %convert_element_type3A_165, %mul3A_194 : vector<2048x128xf32>
    %add3A_196 = arith.addf %add3A_188, %mul3A_195 : vector<2048x128xf32>
    %get3A_197 = arith.constant 0 : index
    %get3A_198 = arith.constant 0 : index
    %get3A_199 = vector.load %arg13[%get3A_197, %get3A_198] : memref<4x128xf32, #tpu.memory_space<vmem>>, vector<1x128xf32>
    %get3A_200 = vector.shape_cast %get3A_199 : vector<1x128xf32> to vector<128xf32>
    %broadcast_in_dim3A_201 = vector.shape_cast %get3A_200 : vector<128xf32> to vector<1x128xf32>
    %add3A_202 = vector.broadcast %broadcast_in_dim3A_201 : vector<1x128xf32> to vector<2048x128xf32>
    %add3A_203 = arith.addf %add3A_196, %add3A_202 : vector<2048x128xf32>
    %ge3A_204 = arith.constant 0.000000e+00 : f32
    %ge3A_205 = vector.broadcast %ge3A_204 : f32 to vector<2048x128xf32>
    %ge3A_206 = arith.cmpf oge, %add3A_203, %ge3A_205 : vector<2048x128xf32>
    %mul3A_207 = arith.constant 2.000000e-01 : f32
    %mul3A_208 = vector.broadcast %mul3A_207 : f32 to vector<2048x128xf32>
    %mul3A_209 = arith.mulf %mul3A_208, %add3A_203 : vector<2048x128xf32>
    %select_n3A_210 = arith.select %ge3A_206, %add3A_203, %mul3A_209 : vector<2048x128xi1>, vector<2048x128xf32>
    %convert_element_type3A_211 = arith.truncf %select_n3A_210 : vector<2048x128xf32> to vector<2048x128xbf16>
    %convert_element_type3A_212 = arith.extf %convert_element_type3A_211 : vector<2048x128xbf16> to vector<2048x128xf32>
    %get3A_213 = arith.constant 1 : index
    %get3A_214 = arith.constant 0 : index
    %get3A_215 = vector.load %arg12[%get3A_213, %get3A_214] : memref<16x128xf32, #tpu.memory_space<vmem>>, vector<1x128xf32>
    %get3A_216 = vector.shape_cast %get3A_215 : vector<1x128xf32> to vector<128xf32>
    %broadcast_in_dim3A_217 = vector.shape_cast %get3A_216 : vector<128xf32> to vector<1x128xf32>
    %mul3A_218 = vector.broadcast %broadcast_in_dim3A_217 : vector<1x128xf32> to vector<2048x128xf32>
    %mul3A_219 = arith.mulf %convert_element_type3A_96, %mul3A_218 : vector<2048x128xf32>
    %get3A_220 = arith.constant 5 : index
    %get3A_221 = arith.constant 0 : index
    %get3A_222 = vector.load %arg12[%get3A_220, %get3A_221] : memref<16x128xf32, #tpu.memory_space<vmem>>, vector<1x128xf32>
    %get3A_223 = vector.shape_cast %get3A_222 : vector<1x128xf32> to vector<128xf32>
    %broadcast_in_dim3A_224 = vector.shape_cast %get3A_223 : vector<128xf32> to vector<1x128xf32>
    %mul3A_225 = vector.broadcast %broadcast_in_dim3A_224 : vector<1x128xf32> to vector<2048x128xf32>
    %mul3A_226 = arith.mulf %convert_element_type3A_119, %mul3A_225 : vector<2048x128xf32>
    %add3A_227 = arith.addf %mul3A_219, %mul3A_226 : vector<2048x128xf32>
    %get3A_228 = arith.constant 9 : index
    %get3A_229 = arith.constant 0 : index
    %get3A_230 = vector.load %arg12[%get3A_228, %get3A_229] : memref<16x128xf32, #tpu.memory_space<vmem>>, vector<1x128xf32>
    %get3A_231 = vector.shape_cast %get3A_230 : vector<1x128xf32> to vector<128xf32>
    %broadcast_in_dim3A_232 = vector.shape_cast %get3A_231 : vector<128xf32> to vector<1x128xf32>
    %mul3A_233 = vector.broadcast %broadcast_in_dim3A_232 : vector<1x128xf32> to vector<2048x128xf32>
    %mul3A_234 = arith.mulf %convert_element_type3A_142, %mul3A_233 : vector<2048x128xf32>
    %add3A_235 = arith.addf %add3A_227, %mul3A_234 : vector<2048x128xf32>
    %get3A_236 = arith.constant 13 : index
    %get3A_237 = arith.constant 0 : index
    %get3A_238 = vector.load %arg12[%get3A_236, %get3A_237] : memref<16x128xf32, #tpu.memory_space<vmem>>, vector<1x128xf32>
    %get3A_239 = vector.shape_cast %get3A_238 : vector<1x128xf32> to vector<128xf32>
    %broadcast_in_dim3A_240 = vector.shape_cast %get3A_239 : vector<128xf32> to vector<1x128xf32>
    %mul3A_241 = vector.broadcast %broadcast_in_dim3A_240 : vector<1x128xf32> to vector<2048x128xf32>
    %mul3A_242 = arith.mulf %convert_element_type3A_165, %mul3A_241 : vector<2048x128xf32>
    %add3A_243 = arith.addf %add3A_235, %mul3A_242 : vector<2048x128xf32>
    %get3A_244 = arith.constant 1 : index
    %get3A_245 = arith.constant 0 : index
    %get3A_246 = vector.load %arg13[%get3A_244, %get3A_245] : memref<4x128xf32, #tpu.memory_space<vmem>>, vector<1x128xf32>
    %get3A_247 = vector.shape_cast %get3A_246 : vector<1x128xf32> to vector<128xf32>
    %broadcast_in_dim3A_248 = vector.shape_cast %get3A_247 : vector<128xf32> to vector<1x128xf32>
    %add3A_249 = vector.broadcast %broadcast_in_dim3A_248 : vector<1x128xf32> to vector<2048x128xf32>
    %add3A_250 = arith.addf %add3A_243, %add3A_249 : vector<2048x128xf32>
    %ge3A_251 = arith.constant 0.000000e+00 : f32
    %ge3A_252 = vector.broadcast %ge3A_251 : f32 to vector<2048x128xf32>
    %ge3A_253 = arith.cmpf oge, %add3A_250, %ge3A_252 : vector<2048x128xf32>
    %mul3A_254 = arith.constant 2.000000e-01 : f32
    %mul3A_255 = vector.broadcast %mul3A_254 : f32 to vector<2048x128xf32>
    %mul3A_256 = arith.mulf %mul3A_255, %add3A_250 : vector<2048x128xf32>
    %select_n3A_257 = arith.select %ge3A_253, %add3A_250, %mul3A_256 : vector<2048x128xi1>, vector<2048x128xf32>
    %convert_element_type3A_258 = arith.truncf %select_n3A_257 : vector<2048x128xf32> to vector<2048x128xbf16>
    %convert_element_type3A_259 = arith.extf %convert_element_type3A_258 : vector<2048x128xbf16> to vector<2048x128xf32>
    %get3A_260 = arith.constant 2 : index
    %get3A_261 = arith.constant 0 : index
    %get3A_262 = vector.load %arg12[%get3A_260, %get3A_261] : memref<16x128xf32, #tpu.memory_space<vmem>>, vector<1x128xf32>
    %get3A_263 = vector.shape_cast %get3A_262 : vector<1x128xf32> to vector<128xf32>
    %broadcast_in_dim3A_264 = vector.shape_cast %get3A_263 : vector<128xf32> to vector<1x128xf32>
    %mul3A_265 = vector.broadcast %broadcast_in_dim3A_264 : vector<1x128xf32> to vector<2048x128xf32>
    %mul3A_266 = arith.mulf %convert_element_type3A_96, %mul3A_265 : vector<2048x128xf32>
    %get3A_267 = arith.constant 6 : index
    %get3A_268 = arith.constant 0 : index
    %get3A_269 = vector.load %arg12[%get3A_267, %get3A_268] : memref<16x128xf32, #tpu.memory_space<vmem>>, vector<1x128xf32>
    %get3A_270 = vector.shape_cast %get3A_269 : vector<1x128xf32> to vector<128xf32>
    %broadcast_in_dim3A_271 = vector.shape_cast %get3A_270 : vector<128xf32> to vector<1x128xf32>
    %mul3A_272 = vector.broadcast %broadcast_in_dim3A_271 : vector<1x128xf32> to vector<2048x128xf32>
    %mul3A_273 = arith.mulf %convert_element_type3A_119, %mul3A_272 : vector<2048x128xf32>
    %add3A_274 = arith.addf %mul3A_266, %mul3A_273 : vector<2048x128xf32>
    %get3A_275 = arith.constant 10 : index
    %get3A_276 = arith.constant 0 : index
    %get3A_277 = vector.load %arg12[%get3A_275, %get3A_276] : memref<16x128xf32, #tpu.memory_space<vmem>>, vector<1x128xf32>
    %get3A_278 = vector.shape_cast %get3A_277 : vector<1x128xf32> to vector<128xf32>
    %broadcast_in_dim3A_279 = vector.shape_cast %get3A_278 : vector<128xf32> to vector<1x128xf32>
    %mul3A_280 = vector.broadcast %broadcast_in_dim3A_279 : vector<1x128xf32> to vector<2048x128xf32>
    %mul3A_281 = arith.mulf %convert_element_type3A_142, %mul3A_280 : vector<2048x128xf32>
    %add3A_282 = arith.addf %add3A_274, %mul3A_281 : vector<2048x128xf32>
    %get3A_283 = arith.constant 14 : index
    %get3A_284 = arith.constant 0 : index
    %get3A_285 = vector.load %arg12[%get3A_283, %get3A_284] : memref<16x128xf32, #tpu.memory_space<vmem>>, vector<1x128xf32>
    %get3A_286 = vector.shape_cast %get3A_285 : vector<1x128xf32> to vector<128xf32>
    %broadcast_in_dim3A_287 = vector.shape_cast %get3A_286 : vector<128xf32> to vector<1x128xf32>
    %mul3A_288 = vector.broadcast %broadcast_in_dim3A_287 : vector<1x128xf32> to vector<2048x128xf32>
    %mul3A_289 = arith.mulf %convert_element_type3A_165, %mul3A_288 : vector<2048x128xf32>
    %add3A_290 = arith.addf %add3A_282, %mul3A_289 : vector<2048x128xf32>
    %get3A_291 = arith.constant 2 : index
    %get3A_292 = arith.constant 0 : index
    %get3A_293 = vector.load %arg13[%get3A_291, %get3A_292] : memref<4x128xf32, #tpu.memory_space<vmem>>, vector<1x128xf32>
    %get3A_294 = vector.shape_cast %get3A_293 : vector<1x128xf32> to vector<128xf32>
    %broadcast_in_dim3A_295 = vector.shape_cast %get3A_294 : vector<128xf32> to vector<1x128xf32>
    %add3A_296 = vector.broadcast %broadcast_in_dim3A_295 : vector<1x128xf32> to vector<2048x128xf32>
    %add3A_297 = arith.addf %add3A_290, %add3A_296 : vector<2048x128xf32>
    %ge3A_298 = arith.constant 0.000000e+00 : f32
    %ge3A_299 = vector.broadcast %ge3A_298 : f32 to vector<2048x128xf32>
    %ge3A_300 = arith.cmpf oge, %add3A_297, %ge3A_299 : vector<2048x128xf32>
    %mul3A_301 = arith.constant 2.000000e-01 : f32
    %mul3A_302 = vector.broadcast %mul3A_301 : f32 to vector<2048x128xf32>
    %mul3A_303 = arith.mulf %mul3A_302, %add3A_297 : vector<2048x128xf32>
    %select_n3A_304 = arith.select %ge3A_300, %add3A_297, %mul3A_303 : vector<2048x128xi1>, vector<2048x128xf32>
    %convert_element_type3A_305 = arith.truncf %select_n3A_304 : vector<2048x128xf32> to vector<2048x128xbf16>
    %convert_element_type3A_306 = arith.extf %convert_element_type3A_305 : vector<2048x128xbf16> to vector<2048x128xf32>
    %get3A_307 = arith.constant 3 : index
    %get3A_308 = arith.constant 0 : index
    %get3A_309 = vector.load %arg12[%get3A_307, %get3A_308] : memref<16x128xf32, #tpu.memory_space<vmem>>, vector<1x128xf32>
    %get3A_310 = vector.shape_cast %get3A_309 : vector<1x128xf32> to vector<128xf32>
    %broadcast_in_dim3A_311 = vector.shape_cast %get3A_310 : vector<128xf32> to vector<1x128xf32>
    %mul3A_312 = vector.broadcast %broadcast_in_dim3A_311 : vector<1x128xf32> to vector<2048x128xf32>
    %mul3A_313 = arith.mulf %convert_element_type3A_96, %mul3A_312 : vector<2048x128xf32>
    %get3A_314 = arith.constant 7 : index
    %get3A_315 = arith.constant 0 : index
    %get3A_316 = vector.load %arg12[%get3A_314, %get3A_315] : memref<16x128xf32, #tpu.memory_space<vmem>>, vector<1x128xf32>
    %get3A_317 = vector.shape_cast %get3A_316 : vector<1x128xf32> to vector<128xf32>
    %broadcast_in_dim3A_318 = vector.shape_cast %get3A_317 : vector<128xf32> to vector<1x128xf32>
    %mul3A_319 = vector.broadcast %broadcast_in_dim3A_318 : vector<1x128xf32> to vector<2048x128xf32>
    %mul3A_320 = arith.mulf %convert_element_type3A_119, %mul3A_319 : vector<2048x128xf32>
    %add3A_321 = arith.addf %mul3A_313, %mul3A_320 : vector<2048x128xf32>
    %get3A_322 = arith.constant 11 : index
    %get3A_323 = arith.constant 0 : index
    %get3A_324 = vector.load %arg12[%get3A_322, %get3A_323] : memref<16x128xf32, #tpu.memory_space<vmem>>, vector<1x128xf32>
    %get3A_325 = vector.shape_cast %get3A_324 : vector<1x128xf32> to vector<128xf32>
    %broadcast_in_dim3A_326 = vector.shape_cast %get3A_325 : vector<128xf32> to vector<1x128xf32>
    %mul3A_327 = vector.broadcast %broadcast_in_dim3A_326 : vector<1x128xf32> to vector<2048x128xf32>
    %mul3A_328 = arith.mulf %convert_element_type3A_142, %mul3A_327 : vector<2048x128xf32>
    %add3A_329 = arith.addf %add3A_321, %mul3A_328 : vector<2048x128xf32>
    %get3A_330 = arith.constant 15 : index
    %get3A_331 = arith.constant 0 : index
    %get3A_332 = vector.load %arg12[%get3A_330, %get3A_331] : memref<16x128xf32, #tpu.memory_space<vmem>>, vector<1x128xf32>
    %get3A_333 = vector.shape_cast %get3A_332 : vector<1x128xf32> to vector<128xf32>
    %broadcast_in_dim3A_334 = vector.shape_cast %get3A_333 : vector<128xf32> to vector<1x128xf32>
    %mul3A_335 = vector.broadcast %broadcast_in_dim3A_334 : vector<1x128xf32> to vector<2048x128xf32>
    %mul3A_336 = arith.mulf %convert_element_type3A_165, %mul3A_335 : vector<2048x128xf32>
    %add3A_337 = arith.addf %add3A_329, %mul3A_336 : vector<2048x128xf32>
    %get3A_338 = arith.constant 3 : index
    %get3A_339 = arith.constant 0 : index
    %get3A_340 = vector.load %arg13[%get3A_338, %get3A_339] : memref<4x128xf32, #tpu.memory_space<vmem>>, vector<1x128xf32>
    %get3A_341 = vector.shape_cast %get3A_340 : vector<1x128xf32> to vector<128xf32>
    %broadcast_in_dim3A_342 = vector.shape_cast %get3A_341 : vector<128xf32> to vector<1x128xf32>
    %add3A_343 = vector.broadcast %broadcast_in_dim3A_342 : vector<1x128xf32> to vector<2048x128xf32>
    %add3A_344 = arith.addf %add3A_337, %add3A_343 : vector<2048x128xf32>
    %ge3A_345 = arith.constant 0.000000e+00 : f32
    %ge3A_346 = vector.broadcast %ge3A_345 : f32 to vector<2048x128xf32>
    %ge3A_347 = arith.cmpf oge, %add3A_344, %ge3A_346 : vector<2048x128xf32>
    %mul3A_348 = arith.constant 2.000000e-01 : f32
    %mul3A_349 = vector.broadcast %mul3A_348 : f32 to vector<2048x128xf32>
    %mul3A_350 = arith.mulf %mul3A_349, %add3A_344 : vector<2048x128xf32>
    %select_n3A_351 = arith.select %ge3A_347, %add3A_344, %mul3A_350 : vector<2048x128xi1>, vector<2048x128xf32>
    %convert_element_type3A_352 = arith.truncf %select_n3A_351 : vector<2048x128xf32> to vector<2048x128xbf16>
    %convert_element_type3A_353 = arith.extf %convert_element_type3A_352 : vector<2048x128xbf16> to vector<2048x128xf32>
    %get3A_354 = arith.constant 0 : index
    %get3A_355 = arith.constant 0 : index
    %get3A_356 = vector.load %arg14[%get3A_354, %get3A_355] : memref<16x128xf32, #tpu.memory_space<vmem>>, vector<1x128xf32>
    %get3A_357 = vector.shape_cast %get3A_356 : vector<1x128xf32> to vector<128xf32>
    %broadcast_in_dim3A_358 = vector.shape_cast %get3A_357 : vector<128xf32> to vector<1x128xf32>
    %mul3A_359 = vector.broadcast %broadcast_in_dim3A_358 : vector<1x128xf32> to vector<2048x128xf32>
    %mul3A_360 = arith.mulf %convert_element_type3A_212, %mul3A_359 : vector<2048x128xf32>
    %get3A_361 = arith.constant 4 : index
    %get3A_362 = arith.constant 0 : index
    %get3A_363 = vector.load %arg14[%get3A_361, %get3A_362] : memref<16x128xf32, #tpu.memory_space<vmem>>, vector<1x128xf32>
    %get3A_364 = vector.shape_cast %get3A_363 : vector<1x128xf32> to vector<128xf32>
    %broadcast_in_dim3A_365 = vector.shape_cast %get3A_364 : vector<128xf32> to vector<1x128xf32>
    %mul3A_366 = vector.broadcast %broadcast_in_dim3A_365 : vector<1x128xf32> to vector<2048x128xf32>
    %mul3A_367 = arith.mulf %convert_element_type3A_259, %mul3A_366 : vector<2048x128xf32>
    %add3A_368 = arith.addf %mul3A_360, %mul3A_367 : vector<2048x128xf32>
    %get3A_369 = arith.constant 8 : index
    %get3A_370 = arith.constant 0 : index
    %get3A_371 = vector.load %arg14[%get3A_369, %get3A_370] : memref<16x128xf32, #tpu.memory_space<vmem>>, vector<1x128xf32>
    %get3A_372 = vector.shape_cast %get3A_371 : vector<1x128xf32> to vector<128xf32>
    %broadcast_in_dim3A_373 = vector.shape_cast %get3A_372 : vector<128xf32> to vector<1x128xf32>
    %mul3A_374 = vector.broadcast %broadcast_in_dim3A_373 : vector<1x128xf32> to vector<2048x128xf32>
    %mul3A_375 = arith.mulf %convert_element_type3A_306, %mul3A_374 : vector<2048x128xf32>
    %add3A_376 = arith.addf %add3A_368, %mul3A_375 : vector<2048x128xf32>
    %get3A_377 = arith.constant 12 : index
    %get3A_378 = arith.constant 0 : index
    %get3A_379 = vector.load %arg14[%get3A_377, %get3A_378] : memref<16x128xf32, #tpu.memory_space<vmem>>, vector<1x128xf32>
    %get3A_380 = vector.shape_cast %get3A_379 : vector<1x128xf32> to vector<128xf32>
    %broadcast_in_dim3A_381 = vector.shape_cast %get3A_380 : vector<128xf32> to vector<1x128xf32>
    %mul3A_382 = vector.broadcast %broadcast_in_dim3A_381 : vector<1x128xf32> to vector<2048x128xf32>
    %mul3A_383 = arith.mulf %convert_element_type3A_353, %mul3A_382 : vector<2048x128xf32>
    %add3A_384 = arith.addf %add3A_376, %mul3A_383 : vector<2048x128xf32>
    %get3A_385 = arith.constant 1 : index
    %get3A_386 = arith.constant 0 : index
    %get3A_387 = vector.load %arg14[%get3A_385, %get3A_386] : memref<16x128xf32, #tpu.memory_space<vmem>>, vector<1x128xf32>
    %get3A_388 = vector.shape_cast %get3A_387 : vector<1x128xf32> to vector<128xf32>
    %broadcast_in_dim3A_389 = vector.shape_cast %get3A_388 : vector<128xf32> to vector<1x128xf32>
    %mul3A_390 = vector.broadcast %broadcast_in_dim3A_389 : vector<1x128xf32> to vector<2048x128xf32>
    %mul3A_391 = arith.mulf %convert_element_type3A_212, %mul3A_390 : vector<2048x128xf32>
    %get3A_392 = arith.constant 5 : index
    %get3A_393 = arith.constant 0 : index
    %get3A_394 = vector.load %arg14[%get3A_392, %get3A_393] : memref<16x128xf32, #tpu.memory_space<vmem>>, vector<1x128xf32>
    %get3A_395 = vector.shape_cast %get3A_394 : vector<1x128xf32> to vector<128xf32>
    %broadcast_in_dim3A_396 = vector.shape_cast %get3A_395 : vector<128xf32> to vector<1x128xf32>
    %mul3A_397 = vector.broadcast %broadcast_in_dim3A_396 : vector<1x128xf32> to vector<2048x128xf32>
    %mul3A_398 = arith.mulf %convert_element_type3A_259, %mul3A_397 : vector<2048x128xf32>
    %add3A_399 = arith.addf %mul3A_391, %mul3A_398 : vector<2048x128xf32>
    %get3A_400 = arith.constant 9 : index
    %get3A_401 = arith.constant 0 : index
    %get3A_402 = vector.load %arg14[%get3A_400, %get3A_401] : memref<16x128xf32, #tpu.memory_space<vmem>>, vector<1x128xf32>
    %get3A_403 = vector.shape_cast %get3A_402 : vector<1x128xf32> to vector<128xf32>
    %broadcast_in_dim3A_404 = vector.shape_cast %get3A_403 : vector<128xf32> to vector<1x128xf32>
    %mul3A_405 = vector.broadcast %broadcast_in_dim3A_404 : vector<1x128xf32> to vector<2048x128xf32>
    %mul3A_406 = arith.mulf %convert_element_type3A_306, %mul3A_405 : vector<2048x128xf32>
    %add3A_407 = arith.addf %add3A_399, %mul3A_406 : vector<2048x128xf32>
    %get3A_408 = arith.constant 13 : index
    %get3A_409 = arith.constant 0 : index
    %get3A_410 = vector.load %arg14[%get3A_408, %get3A_409] : memref<16x128xf32, #tpu.memory_space<vmem>>, vector<1x128xf32>
    %get3A_411 = vector.shape_cast %get3A_410 : vector<1x128xf32> to vector<128xf32>
    %broadcast_in_dim3A_412 = vector.shape_cast %get3A_411 : vector<128xf32> to vector<1x128xf32>
    %mul3A_413 = vector.broadcast %broadcast_in_dim3A_412 : vector<1x128xf32> to vector<2048x128xf32>
    %mul3A_414 = arith.mulf %convert_element_type3A_353, %mul3A_413 : vector<2048x128xf32>
    %add3A_415 = arith.addf %add3A_407, %mul3A_414 : vector<2048x128xf32>
    %get3A_416 = arith.constant 2 : index
    %get3A_417 = arith.constant 0 : index
    %get3A_418 = vector.load %arg14[%get3A_416, %get3A_417] : memref<16x128xf32, #tpu.memory_space<vmem>>, vector<1x128xf32>
    %get3A_419 = vector.shape_cast %get3A_418 : vector<1x128xf32> to vector<128xf32>
    %broadcast_in_dim3A_420 = vector.shape_cast %get3A_419 : vector<128xf32> to vector<1x128xf32>
    %mul3A_421 = vector.broadcast %broadcast_in_dim3A_420 : vector<1x128xf32> to vector<2048x128xf32>
    %mul3A_422 = arith.mulf %convert_element_type3A_212, %mul3A_421 : vector<2048x128xf32>
    %get3A_423 = arith.constant 6 : index
    %get3A_424 = arith.constant 0 : index
    %get3A_425 = vector.load %arg14[%get3A_423, %get3A_424] : memref<16x128xf32, #tpu.memory_space<vmem>>, vector<1x128xf32>
    %get3A_426 = vector.shape_cast %get3A_425 : vector<1x128xf32> to vector<128xf32>
    %broadcast_in_dim3A_427 = vector.shape_cast %get3A_426 : vector<128xf32> to vector<1x128xf32>
    %mul3A_428 = vector.broadcast %broadcast_in_dim3A_427 : vector<1x128xf32> to vector<2048x128xf32>
    %mul3A_429 = arith.mulf %convert_element_type3A_259, %mul3A_428 : vector<2048x128xf32>
    %add3A_430 = arith.addf %mul3A_422, %mul3A_429 : vector<2048x128xf32>
    %get3A_431 = arith.constant 10 : index
    %get3A_432 = arith.constant 0 : index
    %get3A_433 = vector.load %arg14[%get3A_431, %get3A_432] : memref<16x128xf32, #tpu.memory_space<vmem>>, vector<1x128xf32>
    %get3A_434 = vector.shape_cast %get3A_433 : vector<1x128xf32> to vector<128xf32>
    %broadcast_in_dim3A_435 = vector.shape_cast %get3A_434 : vector<128xf32> to vector<1x128xf32>
    %mul3A_436 = vector.broadcast %broadcast_in_dim3A_435 : vector<1x128xf32> to vector<2048x128xf32>
    %mul3A_437 = arith.mulf %convert_element_type3A_306, %mul3A_436 : vector<2048x128xf32>
    %add3A_438 = arith.addf %add3A_430, %mul3A_437 : vector<2048x128xf32>
    %get3A_439 = arith.constant 14 : index
    %get3A_440 = arith.constant 0 : index
    %get3A_441 = vector.load %arg14[%get3A_439, %get3A_440] : memref<16x128xf32, #tpu.memory_space<vmem>>, vector<1x128xf32>
    %get3A_442 = vector.shape_cast %get3A_441 : vector<1x128xf32> to vector<128xf32>
    %broadcast_in_dim3A_443 = vector.shape_cast %get3A_442 : vector<128xf32> to vector<1x128xf32>
    %mul3A_444 = vector.broadcast %broadcast_in_dim3A_443 : vector<1x128xf32> to vector<2048x128xf32>
    %mul3A_445 = arith.mulf %convert_element_type3A_353, %mul3A_444 : vector<2048x128xf32>
    %add3A_446 = arith.addf %add3A_438, %mul3A_445 : vector<2048x128xf32>
    %get3A_447 = arith.constant 3 : index
    %get3A_448 = arith.constant 0 : index
    %get3A_449 = vector.load %arg14[%get3A_447, %get3A_448] : memref<16x128xf32, #tpu.memory_space<vmem>>, vector<1x128xf32>
    %get3A_450 = vector.shape_cast %get3A_449 : vector<1x128xf32> to vector<128xf32>
    %broadcast_in_dim3A_451 = vector.shape_cast %get3A_450 : vector<128xf32> to vector<1x128xf32>
    %mul3A_452 = vector.broadcast %broadcast_in_dim3A_451 : vector<1x128xf32> to vector<2048x128xf32>
    %mul3A_453 = arith.mulf %convert_element_type3A_212, %mul3A_452 : vector<2048x128xf32>
    %get3A_454 = arith.constant 7 : index
    %get3A_455 = arith.constant 0 : index
    %get3A_456 = vector.load %arg14[%get3A_454, %get3A_455] : memref<16x128xf32, #tpu.memory_space<vmem>>, vector<1x128xf32>
    %get3A_457 = vector.shape_cast %get3A_456 : vector<1x128xf32> to vector<128xf32>
    %broadcast_in_dim3A_458 = vector.shape_cast %get3A_457 : vector<128xf32> to vector<1x128xf32>
    %mul3A_459 = vector.broadcast %broadcast_in_dim3A_458 : vector<1x128xf32> to vector<2048x128xf32>
    %mul3A_460 = arith.mulf %convert_element_type3A_259, %mul3A_459 : vector<2048x128xf32>
    %add3A_461 = arith.addf %mul3A_453, %mul3A_460 : vector<2048x128xf32>
    %get3A_462 = arith.constant 11 : index
    %get3A_463 = arith.constant 0 : index
    %get3A_464 = vector.load %arg14[%get3A_462, %get3A_463] : memref<16x128xf32, #tpu.memory_space<vmem>>, vector<1x128xf32>
    %get3A_465 = vector.shape_cast %get3A_464 : vector<1x128xf32> to vector<128xf32>
    %broadcast_in_dim3A_466 = vector.shape_cast %get3A_465 : vector<128xf32> to vector<1x128xf32>
    %mul3A_467 = vector.broadcast %broadcast_in_dim3A_466 : vector<1x128xf32> to vector<2048x128xf32>
    %mul3A_468 = arith.mulf %convert_element_type3A_306, %mul3A_467 : vector<2048x128xf32>
    %add3A_469 = arith.addf %add3A_461, %mul3A_468 : vector<2048x128xf32>
    %get3A_470 = arith.constant 15 : index
    %get3A_471 = arith.constant 0 : index
    %get3A_472 = vector.load %arg14[%get3A_470, %get3A_471] : memref<16x128xf32, #tpu.memory_space<vmem>>, vector<1x128xf32>
    %get3A_473 = vector.shape_cast %get3A_472 : vector<1x128xf32> to vector<128xf32>
    %broadcast_in_dim3A_474 = vector.shape_cast %get3A_473 : vector<128xf32> to vector<1x128xf32>
    %mul3A_475 = vector.broadcast %broadcast_in_dim3A_474 : vector<1x128xf32> to vector<2048x128xf32>
    %mul3A_476 = arith.mulf %convert_element_type3A_353, %mul3A_475 : vector<2048x128xf32>
    %add3A_477 = arith.addf %add3A_469, %mul3A_476 : vector<2048x128xf32>
    %add3A_478 = arith.addf %add3A_384, %add3A_415 : vector<2048x128xf32>
    %add3A_479 = arith.addf %add3A_478, %add3A_446 : vector<2048x128xf32>
    %add3A_480 = arith.addf %add3A_479, %add3A_477 : vector<2048x128xf32>
    %mul3A_481 = arith.constant 2.500000e-01 : f32
    %mul3A_482 = vector.broadcast %mul3A_481 : f32 to vector<2048x128xf32>
    %mul3A_483 = arith.mulf %add3A_480, %mul3A_482 : vector<2048x128xf32>
    %broadcast_in_dim3A_484 = arith.constant 0.000000e+00 : f32
    %broadcast_in_dim3A_485 = vector.broadcast %broadcast_in_dim3A_484 : f32 to vector<2048x128xf32>
    %sub3A_486 = arith.subf %add3A_384, %mul3A_483 : vector<2048x128xf32>
    %mul3A_487 = arith.mulf %sub3A_486, %sub3A_486 : vector<2048x128xf32>
    %add3A_488 = arith.addf %broadcast_in_dim3A_485, %mul3A_487 : vector<2048x128xf32>
    %sub3A_489 = arith.subf %add3A_415, %mul3A_483 : vector<2048x128xf32>
    %mul3A_490 = arith.mulf %sub3A_489, %sub3A_489 : vector<2048x128xf32>
    %add3A_491 = arith.addf %add3A_488, %mul3A_490 : vector<2048x128xf32>
    %sub3A_492 = arith.subf %add3A_446, %mul3A_483 : vector<2048x128xf32>
    %mul3A_493 = arith.mulf %sub3A_492, %sub3A_492 : vector<2048x128xf32>
    %add3A_494 = arith.addf %add3A_491, %mul3A_493 : vector<2048x128xf32>
    %sub3A_495 = arith.subf %add3A_477, %mul3A_483 : vector<2048x128xf32>
    %mul3A_496 = arith.mulf %sub3A_495, %sub3A_495 : vector<2048x128xf32>
    %add3A_497 = arith.addf %add3A_494, %mul3A_496 : vector<2048x128xf32>
    %mul3A_498 = arith.constant 2.500000e-01 : f32
    %mul3A_499 = vector.broadcast %mul3A_498 : f32 to vector<2048x128xf32>
    %mul3A_500 = arith.mulf %add3A_497, %mul3A_499 : vector<2048x128xf32>
    %add3A_501 = arith.constant 9.99999974E-6 : f32
    %add3A_502 = vector.broadcast %add3A_501 : f32 to vector<2048x128xf32>
    %add3A_503 = arith.addf %mul3A_500, %add3A_502 : vector<2048x128xf32>
    %rsqrt3A_504 = math.rsqrt %add3A_503 : vector<2048x128xf32>
    %mul3A_505 = arith.mulf %sub3A_486, %rsqrt3A_504 : vector<2048x128xf32>
    %get3A_506 = arith.constant 0 : index
    %get3A_507 = arith.constant 0 : index
    %get3A_508 = vector.load %arg15[%get3A_506, %get3A_507] : memref<4x128xf32, #tpu.memory_space<vmem>>, vector<1x128xf32>
    %get3A_509 = vector.shape_cast %get3A_508 : vector<1x128xf32> to vector<128xf32>
    %broadcast_in_dim3A_510 = vector.shape_cast %get3A_509 : vector<128xf32> to vector<1x128xf32>
    %mul3A_511 = vector.broadcast %broadcast_in_dim3A_510 : vector<1x128xf32> to vector<2048x128xf32>
    %mul3A_512 = arith.mulf %mul3A_505, %mul3A_511 : vector<2048x128xf32>
    %get3A_513 = arith.constant 0 : index
    %get3A_514 = arith.constant 0 : index
    %get3A_515 = vector.load %arg16[%get3A_513, %get3A_514] : memref<4x128xf32, #tpu.memory_space<vmem>>, vector<1x128xf32>
    %get3A_516 = vector.shape_cast %get3A_515 : vector<1x128xf32> to vector<128xf32>
    %broadcast_in_dim3A_517 = vector.shape_cast %get3A_516 : vector<128xf32> to vector<1x128xf32>
    %add3A_518 = vector.broadcast %broadcast_in_dim3A_517 : vector<1x128xf32> to vector<2048x128xf32>
    %add3A_519 = arith.addf %mul3A_512, %add3A_518 : vector<2048x128xf32>
    %swap3A = arith.constant 0 : index
    %swap3A_520 = arith.constant 0 : index
    %swap3A_521 = arith.constant 0 : index
    %swap3A_522 = vector.load %arg17[%swap3A, %swap3A_520, %swap3A_521] : memref<2048x4x128xf32, #tpu.memory_space<vmem>>, vector<2048x1x128xf32>
    %swap3A_523 = vector.shape_cast %swap3A_522 : vector<2048x1x128xf32> to vector<2048x128xf32>
    %swap3A_524 = vector.shape_cast %add3A_519 : vector<2048x128xf32> to vector<2048x1x128xf32>
    tpu.vector_store %arg17[%swap3A, %swap3A_520, %swap3A_521], %swap3A_524 {strides = array<i32>} : memref<2048x4x128xf32, #tpu.memory_space<vmem>>, vector<2048x1x128xf32>,
    %mul3A_525 = arith.mulf %sub3A_489, %rsqrt3A_504 : vector<2048x128xf32>
    %get3A_526 = arith.constant 1 : index
    %get3A_527 = arith.constant 0 : index
    %get3A_528 = vector.load %arg15[%get3A_526, %get3A_527] : memref<4x128xf32, #tpu.memory_space<vmem>>, vector<1x128xf32>
    %get3A_529 = vector.shape_cast %get3A_528 : vector<1x128xf32> to vector<128xf32>
    %broadcast_in_dim3A_530 = vector.shape_cast %get3A_529 : vector<128xf32> to vector<1x128xf32>
    %mul3A_531 = vector.broadcast %broadcast_in_dim3A_530 : vector<1x128xf32> to vector<2048x128xf32>
    %mul3A_532 = arith.mulf %mul3A_525, %mul3A_531 : vector<2048x128xf32>
    %get3A_533 = arith.constant 1 : index
    %get3A_534 = arith.constant 0 : index
    %get3A_535 = vector.load %arg16[%get3A_533, %get3A_534] : memref<4x128xf32, #tpu.memory_space<vmem>>, vector<1x128xf32>
    %get3A_536 = vector.shape_cast %get3A_535 : vector<1x128xf32> to vector<128xf32>
    %broadcast_in_dim3A_537 = vector.shape_cast %get3A_536 : vector<128xf32> to vector<1x128xf32>
    %add3A_538 = vector.broadcast %broadcast_in_dim3A_537 : vector<1x128xf32> to vector<2048x128xf32>
    %add3A_539 = arith.addf %mul3A_532, %add3A_538 : vector<2048x128xf32>
    %swap3A_540 = arith.constant 0 : index
    %swap3A_541 = arith.constant 1 : index
    %swap3A_542 = arith.constant 0 : index
    %swap3A_543 = vector.load %arg17[%swap3A_540, %swap3A_541, %swap3A_542] : memref<2048x4x128xf32, #tpu.memory_space<vmem>>, vector<2048x1x128xf32>
    %swap3A_544 = vector.shape_cast %swap3A_543 : vector<2048x1x128xf32> to vector<2048x128xf32>
    %swap3A_545 = vector.shape_cast %add3A_539 : vector<2048x128xf32> to vector<2048x1x128xf32>
    tpu.vector_store %arg17[%swap3A_540, %swap3A_541, %swap3A_542], %swap3A_545 {strides = array<i32>} : memref<2048x4x128xf32, #tpu.memory_space<vmem>>, vector<2048x1x128xf32>,
    %mul3A_546 = arith.mulf %sub3A_492, %rsqrt3A_504 : vector<2048x128xf32>
    %get3A_547 = arith.constant 2 : index
    %get3A_548 = arith.constant 0 : index
    %get3A_549 = vector.load %arg15[%get3A_547, %get3A_548] : memref<4x128xf32, #tpu.memory_space<vmem>>, vector<1x128xf32>
    %get3A_550 = vector.shape_cast %get3A_549 : vector<1x128xf32> to vector<128xf32>
    %broadcast_in_dim3A_551 = vector.shape_cast %get3A_550 : vector<128xf32> to vector<1x128xf32>
    %mul3A_552 = vector.broadcast %broadcast_in_dim3A_551 : vector<1x128xf32> to vector<2048x128xf32>
    %mul3A_553 = arith.mulf %mul3A_546, %mul3A_552 : vector<2048x128xf32>
    %get3A_554 = arith.constant 2 : index
    %get3A_555 = arith.constant 0 : index
    %get3A_556 = vector.load %arg16[%get3A_554, %get3A_555] : memref<4x128xf32, #tpu.memory_space<vmem>>, vector<1x128xf32>
    %get3A_557 = vector.shape_cast %get3A_556 : vector<1x128xf32> to vector<128xf32>
    %broadcast_in_dim3A_558 = vector.shape_cast %get3A_557 : vector<128xf32> to vector<1x128xf32>
    %add3A_559 = vector.broadcast %broadcast_in_dim3A_558 : vector<1x128xf32> to vector<2048x128xf32>
    %add3A_560 = arith.addf %mul3A_553, %add3A_559 : vector<2048x128xf32>
    %swap3A_561 = arith.constant 0 : index
    %swap3A_562 = arith.constant 2 : index
    %swap3A_563 = arith.constant 0 : index
    %swap3A_564 = vector.load %arg17[%swap3A_561, %swap3A_562, %swap3A_563] : memref<2048x4x128xf32, #tpu.memory_space<vmem>>, vector<2048x1x128xf32>
    %swap3A_565 = vector.shape_cast %swap3A_564 : vector<2048x1x128xf32> to vector<2048x128xf32>
    %swap3A_566 = vector.shape_cast %add3A_560 : vector<2048x128xf32> to vector<2048x1x128xf32>
    tpu.vector_store %arg17[%swap3A_561, %swap3A_562, %swap3A_563], %swap3A_566 {strides = array<i32>} : memref<2048x4x128xf32, #tpu.memory_space<vmem>>, vector<2048x1x128xf32>,
    %mul3A_567 = arith.mulf %sub3A_495, %rsqrt3A_504 : vector<2048x128xf32>
    %get3A_568 = arith.constant 3 : index
    %get3A_569 = arith.constant 0 : index
    %get3A_570 = vector.load %arg15[%get3A_568, %get3A_569] : memref<4x128xf32, #tpu.memory_space<vmem>>, vector<1x128xf32>
    %get3A_571 = vector.shape_cast %get3A_570 : vector<1x128xf32> to vector<128xf32>
    %broadcast_in_dim3A_572 = vector.shape_cast %get3A_571 : vector<128xf32> to vector<1x128xf32>
    %mul3A_573 = vector.broadcast %broadcast_in_dim3A_572 : vector<1x128xf32> to vector<2048x128xf32>
    %mul3A_574 = arith.mulf %mul3A_567, %mul3A_573 : vector<2048x128xf32>
    %get3A_575 = arith.constant 3 : index
    %get3A_576 = arith.constant 0 : index
    %get3A_577 = vector.load %arg16[%get3A_575, %get3A_576] : memref<4x128xf32, #tpu.memory_space<vmem>>, vector<1x128xf32>
    %get3A_578 = vector.shape_cast %get3A_577 : vector<1x128xf32> to vector<128xf32>
    %broadcast_in_dim3A_579 = vector.shape_cast %get3A_578 : vector<128xf32> to vector<1x128xf32>
    %add3A_580 = vector.broadcast %broadcast_in_dim3A_579 : vector<1x128xf32> to vector<2048x128xf32>
    %add3A_581 = arith.addf %mul3A_574, %add3A_580 : vector<2048x128xf32>
    %swap3A_582 = arith.constant 0 : index
    %swap3A_583 = arith.constant 3 : index
    %swap3A_584 = arith.constant 0 : index
    %swap3A_585 = vector.load %arg17[%swap3A_582, %swap3A_583, %swap3A_584] : memref<2048x4x128xf32, #tpu.memory_space<vmem>>, vector<2048x1x128xf32>
    %swap3A_586 = vector.shape_cast %swap3A_585 : vector<2048x1x128xf32> to vector<2048x128xf32>
    %swap3A_587 = vector.shape_cast %add3A_581 : vector<2048x128xf32> to vector<2048x1x128xf32>
    tpu.vector_store %arg17[%swap3A_582, %swap3A_583, %swap3A_584], %swap3A_587 {strides = array<i32>} : memref<2048x4x128xf32, #tpu.memory_space<vmem>>, vector<2048x1x128xf32>,
    return
  }
  func.func @transform_0(%arg0: i32) -> (i32, i32) {
    %c0_i32 = arith.constant 0 : i32
    %c0_i32_0 = arith.constant 0 : i32
    return %arg0, %c0_i32 : i32, i32
  }
  func.func @transform_1(%arg0: i32) -> (i32, i32) {
    %c0_i32 = arith.constant 0 : i32
    %c0_i32_0 = arith.constant 0 : i32
    return %arg0, %c0_i32 : i32, i32
  }
  func.func @transform_2(%arg0: i32) -> (i32, i32, i32) {
    %c0_i32 = arith.constant 0 : i32
    %c0_i32_0 = arith.constant 0 : i32
    %c0_i32_1 = arith.constant 0 : i32
    %c0_i32_2 = arith.constant 0 : i32
    return %c0_i32, %c0_i32_0, %c0_i32_1 : i32, i32, i32
  }
  func.func @transform_3(%arg0: i32) -> (i32, i32) {
    %c0_i32 = arith.constant 0 : i32
    %c0_i32_0 = arith.constant 0 : i32
    %c0_i32_1 = arith.constant 0 : i32
    return %c0_i32, %c0_i32_0 : i32, i32
  }
  func.func @transform_4(%arg0: i32) -> (i32, i32) {
    %c0_i32 = arith.constant 0 : i32
    %c0_i32_0 = arith.constant 0 : i32
    %c0_i32_1 = arith.constant 0 : i32
    return %c0_i32, %c0_i32_0 : i32, i32
  }
  func.func @transform_5(%arg0: i32) -> (i32, i32) {
    %c0_i32 = arith.constant 0 : i32
    %c0_i32_0 = arith.constant 0 : i32
    %c0_i32_1 = arith.constant 0 : i32
    return %c0_i32, %c0_i32_0 : i32, i32
  }
  func.func @transform_6(%arg0: i32) -> (i32, i32) {
    %c0_i32 = arith.constant 0 : i32
    %c0_i32_0 = arith.constant 0 : i32
    %c0_i32_1 = arith.constant 0 : i32
    return %c0_i32, %c0_i32_0 : i32, i32
  }
  func.func @transform_7(%arg0: i32) -> (i32, i32) {
    %c0_i32 = arith.constant 0 : i32
    %c0_i32_0 = arith.constant 0 : i32
    %c0_i32_1 = arith.constant 0 : i32
    return %c0_i32, %c0_i32_0 : i32, i32
  }
  func.func @transform_8(%arg0: i32) -> (i32, i32) {
    %c0_i32 = arith.constant 0 : i32
    %c0_i32_0 = arith.constant 0 : i32
    %c0_i32_1 = arith.constant 0 : i32
    return %c0_i32, %c0_i32_0 : i32, i32
  }
  func.func @transform_9(%arg0: i32) -> (i32, i32) {
    %c0_i32 = arith.constant 0 : i32
    %c0_i32_0 = arith.constant 0 : i32
    %c0_i32_1 = arith.constant 0 : i32
    return %c0_i32, %c0_i32_0 : i32, i32
  }
  func.func @transform_10(%arg0: i32) -> (i32, i32) {
    %c0_i32 = arith.constant 0 : i32
    %c0_i32_0 = arith.constant 0 : i32
    %c0_i32_1 = arith.constant 0 : i32
    return %c0_i32, %c0_i32_0 : i32, i32
  }
  func.func @transform_11(%arg0: i32) -> (i32, i32) {
    %c0_i32 = arith.constant 0 : i32
    %c0_i32_0 = arith.constant 0 : i32
    %c0_i32_1 = arith.constant 0 : i32
    return %c0_i32, %c0_i32_0 : i32, i32
  }
  func.func @transform_12(%arg0: i32) -> (i32, i32) {
    %c0_i32 = arith.constant 0 : i32
    %c0_i32_0 = arith.constant 0 : i32
    %c0_i32_1 = arith.constant 0 : i32
    return %c0_i32, %c0_i32_0 : i32, i32
  }
  func.func @transform_13(%arg0: i32) -> (i32, i32) {
    %c0_i32 = arith.constant 0 : i32
    %c0_i32_0 = arith.constant 0 : i32
    %c0_i32_1 = arith.constant 0 : i32
    return %c0_i32, %c0_i32_0 : i32, i32
  }
  func.func @transform_14(%arg0: i32) -> (i32, i32) {
    %c0_i32 = arith.constant 0 : i32
    %c0_i32_0 = arith.constant 0 : i32
    %c0_i32_1 = arith.constant 0 : i32
    return %c0_i32, %c0_i32_0 : i32, i32
  }
  func.func @transform_15(%arg0: i32) -> (i32, i32) {
    %c0_i32 = arith.constant 0 : i32
    %c0_i32_0 = arith.constant 0 : i32
    %c0_i32_1 = arith.constant 0 : i32
    return %c0_i32, %c0_i32_0 : i32, i32
  }
  func.func @transform_16(%arg0: i32) -> (i32, i32, i32) {
    %c0_i32 = arith.constant 0 : i32
    %c0_i32_0 = arith.constant 0 : i32
    %c0_i32_1 = arith.constant 0 : i32
    return %arg0, %c0_i32, %c0_i32_0 : i32, i32, i32
  }
}

module attributes {stable_mosaic.version = 14 : i64} {
  func.func @_k8_body(%arg0: i32, %arg1: memref<2048x128xf32, #tpu.memory_space<vmem>>, %arg2: memref<128x128xf32, #tpu.memory_space<vmem>>, %arg3: memref<1x128xf32, #tpu.memory_space<vmem>>, %arg4: memref<128x128xf32, #tpu.memory_space<vmem>>, %arg5: memref<1x128xf32, #tpu.memory_space<vmem>>, %arg6: memref<128x128xf32, #tpu.memory_space<vmem>>, %arg7: memref<2048x128xf32, #tpu.memory_space<vmem>>) attributes {dimension_semantics = [#tpu.dimension_semantics<arbitrary>], iteration_bounds = array<i64: 25>, scalar_prefetch = 0 : i64, scratch_operands = 0 : i64, tpu.core_type = #tpu.core_type<tc>, window_params = [{transform_indices = @transform_0, window_bounds = array<i64: 2048, 128>}, {pipeline_mode = #tpu.pipeline_mode<synchronous>, transform_indices = @transform_1, window_bounds = array<i64: 128, 128>}, {pipeline_mode = #tpu.pipeline_mode<synchronous>, transform_indices = @transform_2, window_bounds = array<i64: 1, 128>}, {pipeline_mode = #tpu.pipeline_mode<synchronous>, transform_indices = @transform_3, window_bounds = array<i64: 128, 128>}, {pipeline_mode = #tpu.pipeline_mode<synchronous>, transform_indices = @transform_4, window_bounds = array<i64: 1, 128>}, {pipeline_mode = #tpu.pipeline_mode<synchronous>, transform_indices = @transform_5, window_bounds = array<i64: 128, 128>}, {transform_indices = @transform_6, window_bounds = array<i64: 2048, 128>}]} {
    %get3A = arith.constant 0 : index
    %get3A_0 = arith.constant 0 : index
    %get3A_1 = vector.load %arg1[%get3A, %get3A_0] : memref<2048x128xf32, #tpu.memory_space<vmem>>, vector<2048x128xf32>
    %get3A_2 = arith.constant 0 : index
    %get3A_3 = arith.constant 0 : index
    %get3A_4 = vector.load %arg2[%get3A_2, %get3A_3] : memref<128x128xf32, #tpu.memory_space<vmem>>, vector<128x128xf32>
    %dot_general3A = arith.constant dense<0.000000e+00> : vector<2048x128xf32>
    %dot_general3A_5 = tpu.matmul %get3A_1, %get3A_4, %dot_general3A {dimension_numbers = #tpu.dot_dimension_numbers<[1], [0], [0], [1], [0, 0, 1, 1], [], []>, transpose_lhs_hint = false} : vector<2048x128xf32>, vector<128x128xf32>, vector<2048x128xf32> -> vector<2048x128xf32>
    %get3A_6 = arith.constant 0 : index
    %get3A_7 = arith.constant 0 : index
    %get3A_8 = vector.load %arg3[%get3A_6, %get3A_7] : memref<1x128xf32, #tpu.memory_space<vmem>>, vector<1x128xf32>
    %add3A = vector.broadcast %get3A_8 : vector<1x128xf32> to vector<2048x128xf32>
    %add3A_9 = arith.addf %dot_general3A_5, %add3A : vector<2048x128xf32>
    %ge3A = arith.constant 0.000000e+00 : f32
    %ge3A_10 = vector.broadcast %ge3A : f32 to vector<2048x128xf32>
    %ge3A_11 = arith.cmpf oge, %add3A_9, %ge3A_10 : vector<2048x128xf32>
    %mul3A = arith.constant 2.000000e-01 : f32
    %mul3A_12 = vector.broadcast %mul3A : f32 to vector<2048x128xf32>
    %mul3A_13 = arith.mulf %mul3A_12, %add3A_9 : vector<2048x128xf32>
    %select_n3A = arith.select %ge3A_11, %add3A_9, %mul3A_13 : vector<2048x128xi1>, vector<2048x128xf32>
    %get3A_14 = arith.constant 0 : index
    %get3A_15 = arith.constant 0 : index
    %get3A_16 = vector.load %arg4[%get3A_14, %get3A_15] : memref<128x128xf32, #tpu.memory_space<vmem>>, vector<128x128xf32>
    %dot_general3A_17 = arith.constant dense<0.000000e+00> : vector<2048x128xf32>
    %dot_general3A_18 = tpu.matmul %select_n3A, %get3A_16, %dot_general3A_17 {dimension_numbers = #tpu.dot_dimension_numbers<[1], [0], [0], [1], [0, 0, 1, 1], [], []>, transpose_lhs_hint = false} : vector<2048x128xf32>, vector<128x128xf32>, vector<2048x128xf32> -> vector<2048x128xf32>
    %get3A_19 = arith.constant 0 : index
    %get3A_20 = arith.constant 0 : index
    %get3A_21 = vector.load %arg5[%get3A_19, %get3A_20] : memref<1x128xf32, #tpu.memory_space<vmem>>, vector<1x128xf32>
    %add3A_22 = vector.broadcast %get3A_21 : vector<1x128xf32> to vector<2048x128xf32>
    %add3A_23 = arith.addf %dot_general3A_18, %add3A_22 : vector<2048x128xf32>
    %ge3A_24 = arith.constant 0.000000e+00 : f32
    %ge3A_25 = vector.broadcast %ge3A_24 : f32 to vector<2048x128xf32>
    %ge3A_26 = arith.cmpf oge, %add3A_23, %ge3A_25 : vector<2048x128xf32>
    %mul3A_27 = arith.constant 2.000000e-01 : f32
    %mul3A_28 = vector.broadcast %mul3A_27 : f32 to vector<2048x128xf32>
    %mul3A_29 = arith.mulf %mul3A_28, %add3A_23 : vector<2048x128xf32>
    %select_n3A_30 = arith.select %ge3A_26, %add3A_23, %mul3A_29 : vector<2048x128xi1>, vector<2048x128xf32>
    %get3A_31 = arith.constant 0 : index
    %get3A_32 = arith.constant 0 : index
    %get3A_33 = vector.load %arg6[%get3A_31, %get3A_32] : memref<128x128xf32, #tpu.memory_space<vmem>>, vector<128x128xf32>
    %dot_general3A_34 = arith.constant dense<0.000000e+00> : vector<2048x128xf32>
    %dot_general3A_35 = tpu.matmul %select_n3A_30, %get3A_33, %dot_general3A_34 {dimension_numbers = #tpu.dot_dimension_numbers<[1], [0], [0], [1], [0, 0, 1, 1], [], []>, transpose_lhs_hint = false} : vector<2048x128xf32>, vector<128x128xf32>, vector<2048x128xf32> -> vector<2048x128xf32>
    %swap3A = arith.constant 0 : index
    %swap3A_36 = arith.constant 0 : index
    %swap3A_37 = vector.load %arg7[%swap3A, %swap3A_36] : memref<2048x128xf32, #tpu.memory_space<vmem>>, vector<2048x128xf32>
    tpu.vector_store %arg7[%swap3A, %swap3A_36], %dot_general3A_35 {strides = array<i32>} : memref<2048x128xf32, #tpu.memory_space<vmem>>, vector<2048x128xf32>,
    return
  }
  func.func @transform_0(%arg0: i32) -> (i32, i32) {
    %c0_i32 = arith.constant 0 : i32
    %c0_i32_0 = arith.constant 0 : i32
    return %arg0, %c0_i32 : i32, i32
  }
  func.func @transform_1(%arg0: i32) -> (i32, i32) {
    %c0_i32 = arith.constant 0 : i32
    %c0_i32_0 = arith.constant 0 : i32
    %c0_i32_1 = arith.constant 0 : i32
    return %c0_i32, %c0_i32_0 : i32, i32
  }
  func.func @transform_2(%arg0: i32) -> (i32, i32) {
    %c0_i32 = arith.constant 0 : i32
    %c0_i32_0 = arith.constant 0 : i32
    %c0_i32_1 = arith.constant 0 : i32
    return %c0_i32, %c0_i32_0 : i32, i32
  }
  func.func @transform_3(%arg0: i32) -> (i32, i32) {
    %c0_i32 = arith.constant 0 : i32
    %c0_i32_0 = arith.constant 0 : i32
    %c0_i32_1 = arith.constant 0 : i32
    return %c0_i32, %c0_i32_0 : i32, i32
  }
  func.func @transform_4(%arg0: i32) -> (i32, i32) {
    %c0_i32 = arith.constant 0 : i32
    %c0_i32_0 = arith.constant 0 : i32
    %c0_i32_1 = arith.constant 0 : i32
    return %c0_i32, %c0_i32_0 : i32, i32
  }
  func.func @transform_5(%arg0: i32) -> (i32, i32) {
    %c0_i32 = arith.constant 0 : i32
    %c0_i32_0 = arith.constant 0 : i32
    %c0_i32_1 = arith.constant 0 : i32
    return %c0_i32, %c0_i32_0 : i32, i32
  }
  func.func @transform_6(%arg0: i32) -> (i32, i32) {
    %c0_i32 = arith.constant 0 : i32
    %c0_i32_0 = arith.constant 0 : i32
    return %arg0, %c0_i32 : i32, i32
  }
}

</mosaic_0001>

<sc_bundles>
// kernel: kernel.7.cloned.1.call-start
scs
__scs_entry_jumppad:
0x0: {  	(pc) =	sbr.rel $0x88, $3  }
0x1: {  	(tag) =	ssettag $0x0;
	lr =	simm.s32 $0x1  }
0x2: {  	[smem:$0x3F6F] =	sst lr;
	_ =	strace $0xD0000000  }
0x3: {  	_ = 	snop  }
0x4: {  	_ = 	snop  }
0x5: {  	_ = 	snop  }
0x6: {  	_ = 	snop  }
0x7: {  	_ = 	snop  }
__scs_overlays_trampoline_lowered:
0x8: {  	[smem:$0x3F7E] =	sst s0  }
0x9: {  	[smem:$0x3F7F] =	sst s1  }
0xa: {  	[smem:$0x3F80] =	sst s2  }
0xb: {  	[smem:$0x3F81] =	sst s3  }
0xc: {  	[smem:$0x3F82] =	sst s4  }
0xd: {  	[smem:$0x3F83] =	sst s5  }
0xe: {  	[smem:$0x3F84] =	sst s6  }
0xf: {  	[smem:$0x3F85] =	sst s7  }
0x10: {  	[smem:$0x3F86] =	sst s8  }
0x11: {  	[smem:$0x3F87] =	sst s9;
	s0 =	simm.s32 @!p0 $0x0  }
0x12: {  	s1 =	sld [smem:$0x3F6D];
	s0 =	simm.s32 @p0 $0x1  }
0x13: {  	[smem:$0x3F88] =	sst s0;
	s0 =	simm.s32 @!p1 $0x0  }
0x14: {  	s2 =	sld [smem:$0x3F6C];
	s0 =	simm.s32 @p1 $0x1  }
0x15: {  	[smem:$0x3F89] =	sst s0;
	s0 =	simm.s32 @!p2 $0x0  }
0x16: {  	s3 =	sld [smem:$0x3FDB];
	s0 =	simm.s32 @p2 $0x1  }
0x17: {  	s4 =	simm.s32 $0x1BF5;
	[smem:$0x3F8B] =	sst s0  }
0x18: {  	s0 =	sld [smem:$0x3F6E];
	_ =	swait.ge [sflag:s4], $0x0  }
0x19: {  	s7 =	sld [smem:$0x3F6F]  }
0x1a: {  	s8 =	sadd.s32 $0xFFFFE003, lr  }
0x1b: {  	s9 =	sadd.s32 $0xFFFFFEF7, lr;
	s5 =	simm.s32 $0xFFFFFFFF;
	p2 =	slt.u32 s8, $0xFFFFF086  }
0x1c: {  	p1 =	slt.u32 s9, $0xF7A;
	s5 =	simm.s32 @!p2 $0x0  }
0x1d: {  	s5 =	simm.s32 @p1 $0x1;
	p0 =	seq.s32 s7, s2  }
0x1e: {  	s7 =	smul.u32 @!p0 $0xF7A, s2;
	p2 =	seq.s32 @!p0 s5, $0x0  }
0x1f: {  	s9 =	smul.u32 $0xF7A, s1;
	s8 =	simm.s32 @!p0 $0x1BF5;
	p2 =	por !p2, p0  }
0x20: {  	[sflag:s8] =	ssyncset.s32 @!p0 $0xFFFFF086;
	s6 =	sadd.s32 @!p0 s3, s7;
	s7 =	simm.s32 @!p0 $0x108  }
0x21: {  	s3 =	sadd.s32 s3, s9;
	s6 =	sadd.s32 @!p0 $0x88, s6;
	s7 =	simm.s32 @p2 $0x1082  }
0x22: {  	[simem:s7], [sflag:s8] =	dma.local @!p0 [hbm:s6], $0xF7A  }
0x23: {  	s9 =	sor.u32 $0xD0000000, s2;
	s6 =	simm.s32 $0x108;
	_ =	swait.ge @!p0 [sflag:s8], $0x0  }
0x24: {  	s3 =	sadd.s32 $0x88, s3;
	s6 =	simm.s32 @!p1 $0x1082;
	[sflag:s4] =	ssyncset.s32 $0xFFFFF086  }
0x25: {  	[simem:s6], [sflag:s4] =	dma.local [hbm:s3], $0xF7A  }
0x26: {  	[smem:$0x3F6F] =	sst s1;
	(tag) =	ssettag s2;
	_ =	strace s9  }
0x27: {  	s1 =	sld [smem:$0x3F7F]  }
0x28: {  	s2 =	sld [smem:$0x3F80]  }
0x29: {  	s4 =	sld [smem:$0x3F82]  }
0x2a: {  	p0 =	seq.s32 s5, $0x0;
	s5 =	sld [smem:$0x3F83]  }
0x2b: {  	s6 =	sld [smem:$0x3F84]  }
0x2c: {  	s7 =	sld [smem:$0x3F85]  }
0x2d: {  	s3 =	simm.s32 $0x108;
	s8 =	sld [smem:$0x3F86]  }
0x2e: {  	s3 =	simm.s32 @!p0 $0x1082;
	s9 =	sld [smem:$0x3F87]  }
0x2f: {  	lr =	sadd.s32 s0, s3;
	s0 =	sld [smem:$0x3F7E]  }
0x30: {  	s3 =	sld [smem:$0x3F81]  }
0x31: {  	[smem:$0x3F8A] =	sst s10  }
0x32: {  	s10 =	sld [smem:$0x3F88];
	_ =	sdelay $0x3  }
0x33: {  	p0 =	seq.s32 s10, $0x1;
	s10 =	sld [smem:$0x3F8A];
	_ =	sdelay $0x3  }
0x34: {  	[smem:$0x3F8A] =	sst s10  }
0x35: {  	s10 =	sld [smem:$0x3F89];
	_ =	sdelay $0x3  }
0x36: {  	p1 =	seq.s32 s10, $0x1;
	s10 =	sld [smem:$0x3F8A];
	_ =	sdelay $0x3  }
0x37: {  	[smem:$0x3F8A] =	sst s10  }
0x38: {  	s10 =	sld [smem:$0x3F8B]  }
0x39: {  	_ = 	snop;
	(pc) =	sbr.ind lr, $3  }
0x3a: {  	_ = 	snop  }
0x3b: {  	_ = 	snop  }
0x3c: {  	p2 =	seq.s32 s10, $0x1;
	s10 =	sld [smem:$0x3F8A]  }
0x3d: {  	_ =	shalt  }
0x3e: {  	_ =	shalt  }
0x3f: {  	_ =	shalt  }
0x40: {  	_ =	shalt  }
0x41: {  	_ =	shalt  }
0x42: {  	_ =	shalt  }
0x43: {  	_ =	shalt  }
0x44: {  	_ =	shalt  }
0x45: {  	_ =	shalt  }
0x46: {  	_ =	shalt  }
0x47: {  	_ =	shalt  }
0x48: {  	_ =	shalt  }
0x49: {  	_ =	shalt  }
0x4a: {  	_ =	shalt  }
0x4b: {  	_ =	shalt  }
0x4c: {  	_ =	shalt  }
0x4d: {  	_ =	shalt  }
0x4e: {  	_ =	shalt  }
0x4f: {  	_ =	shalt  }
0x50: {  	_ =	shalt  }
0x51: {  	_ =	shalt  }
0x52: {  	_ =	shalt  }
0x53: {  	_ =	shalt  }
0x54: {  	_ =	shalt  }
0x55: {  	_ =	shalt  }
0x56: {  	_ =	shalt  }
0x57: {  	_ =	shalt  }
0x58: {  	_ =	shalt  }
0x59: {  	_ =	shalt  }
0x5a: {  	_ =	shalt  }
0x5b: {  	_ =	shalt  }
0x5c: {  	_ =	shalt  }
0x5d: {  	_ =	shalt  }
0x5e: {  	_ =	shalt  }
0x5f: {  	_ =	shalt  }
0x60: {  	_ =	shalt  }
0x61: {  	_ =	shalt  }
0x62: {  	_ =	shalt  }
0x63: {  	_ =	shalt  }
0x64: {  	_ =	shalt  }
0x65: {  	_ =	shalt  }
0x66: {  	_ =	shalt  }
0x67: {  	_ =	shalt  }
0x68: {  	_ =	shalt  }
0x69: {  	_ =	shalt  }
0x6a: {  	_ =	shalt  }
0x6b: {  	_ =	shalt  }
0x6c: {  	_ =	shalt  }
0x6d: {  	_ =	shalt  }
0x6e: {  	_ =	shalt  }
0x6f: {  	_ =	shalt  }
0x70: {  	_ =	shalt  }
0x71: {  	_ =	shalt  }
0x72: {  	_ =	shalt  }
0x73: {  	_ =	shalt  }
0x74: {  	_ =	shalt  }
0x75: {  	_ =	shalt  }
0x76: {  	_ =	shalt  }
0x77: {  	_ =	shalt  }
0x78: {  	_ =	shalt  }
0x79: {  	_ =	shalt  }
0x7a: {  	_ =	shalt  }
0x7b: {  	_ =	shalt  }
0x7c: {  	_ =	shalt  }
0x7d: {  	_ =	shalt  }
0x7e: {  	_ =	shalt  }
0x7f: {  	_ =	shalt  }
0x80: {  	_ =	shalt  }
0x81: {  	_ =	shalt  }
0x82: {  	_ =	shalt  }
0x83: {  	_ =	shalt  }
0x84: {  	_ =	shalt  }
0x85: {  	_ =	shalt  }
0x86: {  	_ =	shalt  }
0x87: {  	_ =	shalt  }
.Lfunc_end0:
.L_simem_size_0:
called_computation.3_lowered:
.L_overlay_start_0:
0x88: {  	s2 =	sld [smem:$0x3FD9]  }
0x89: {  	s3 =	sld [smem:$0x3FFE];
	_ =	sdelay $0x1  }
0x8a: {  	s1 =	srdreg.scid  }
0x8b: {  	s0 =	sand.u32 $0x1, s1  }
0x8c: {  	s16 =	sshll.u32 s0, $0xA;
	s2 =	sadd.s32 s3, s2  }
0x8d: {  	s2 =	sadd.s32 s2, s16  }
0x8e: {  	[smem:$0x3F96] =	sst s2  }
0x8f: {  	_ = 	snop  }
0x90: {  	(tm) =	ssettm $0x1  }
0x91: {  	s17 =	sld [smem:$0x3FFB];
	_ =	sdelay $0x3  }
0x92: {  	_ =	strace s17  }
0x93: {  	s2 =	sld [smem:$0x3FFC];
	_ =	sdelay $0x3  }
0x94: {  	_ =	strace s2  }
0x95: {  	s2 =	sld [smem:$0x3FFD];
	_ =	sdelay $0x3  }
0x96: {  	_ =	strace s2  }
0x97: {  	_ =	strace $0x8FFFFFFF  }
0x98: {  	s18 =	sld [smem:$0x3FDB];
	_ =	sdelay $0x1  }
0x99: {  	s19 =	simm.s32 $_scs_section_size  }
0x9a: {  	s4 =	simm.s32 $_size__tile_overlayer_lowered;
	s5 =	simm.s32 $_tile_overlayer_lowered  }
0x9b: {  	s22 =	simm.s32 $0x1BFF;
	s21 =	sshll.u32 s5, $0x1;
	s2 =	sadd.s32 s19, s18  }
0x9c: {  	s6 =	simm.s32 $0x0;
	s20 =	sshll.u32 s4, $0x1;
	s4 =	sadd.s32 s21, s2  }
0x9d: {  	[timem:s6], [sflag:s22] =	dma.local [hbm:s4], s20  }
0x9e: {  	_ =	swait.ge [sflag:s22], s20  }
0x9f: {  	s3 =	ssub.s32 $0x0, s20;
	[sflag:s22] =	ssyncset.done $0x0  }
0xa0: {  	[sflag:s22] =	ssyncadd.s32 s3;
	_ =	sdelay $0x1  }
0xa1: {  	s23 =	simm.s32 $0x1B8B  }
0xa2: {  	_ =	swait.ge [sflag:s23], $0x1  }
0xa3: {  	[sflag:s23] =	ssyncset.done $0x0  }
0xa4: {  	s25 =	simm.s32 $0x1B8E;
	s24 =	sld [smem:$0x3FFE];
	[sflag:s23] =	ssyncadd.s32 $0xFFFFFFFF  }
0xa5: {  	s26 =	simm.s32 $execute0_lowered;
	[smem:$0x3FD2] =	sst s25  }
0xa6: {  	s4 =	sshll.u32 s26, $0x1;
	_ =	strace $0x80000049;
	[dreg:$0x1] =	wrdreg $0xFFFFFFFF  }
0xa7: {  	s28 =	simm.s32 $_size_execute0_lowered;
	s2 =	sadd.s32 s2, s4;
	[dreg:$0x0] =	wrdreg $0x0  }
0xa8: {  	s4 =	sshll.u32 s28, $0x1;
	[dreg:$0x2] =	wrdreg s2  }
0xa9: {  	[dreg:$0x3] =	wrdreg s4  }
0xaa: {  	[dreg:$0x4] =	wrdreg $0xC0  }
0xab: {  	_ =	task [dreg:s6], $0x5FFFF  }
0xac: {  	[dreg:$0x1] =	wrdreg $0xFFFFFFFF  }
0xad: {  	[dreg:$0x0] =	wrdreg $0x60  }
0xae: {  	[dreg:$0x2] =	wrdreg s24  }
0xaf: {  	[dreg:$0x3] =	wrdreg $0x9  }
0xb0: {  	_ =	task.clear_ibuf [dreg:s6], $0x4FFFF;
	_ =	strace $0x90000049  }
0xb1: {  	s29 =	simm.s32 $0x9;
	_ =	strace $0x8000004B  }
0xb2: {  	_ =	swait.ge [sflag:s29], $0x1  }
0xb3: {  	[sflag:s29] =	ssyncadd.s32 $0xFFFFFFFF  }
0xb4: {  	_ =	strace $0x9000004B  }
0xb5: {  	_ =	sfence  }
0xb6: {  	s30 =	sld [smem:$0x0];
	_ =	sdelay $0x2  }
0xb7: {  	s31 =	sshll.u32 s1, $0xD;
	s1 =	sshrl.u32 s1, $0x2  }
0xb8: {  	s3 =	sand.u32 $0x4000, s31;
	s1 =	sadd.s32 s1, s30  }
0xb9: {  	s0 =	sor.u32 s3, s0;
	s1 =	sshll.u32 s1, $0x11  }
0xba: {  	s0 =	sor.u32 s1, s0  }
0xbb: {  	s0 =	sadd.s32 $0x8F2B, s0  }
0xbc: {  	[sflag:s0] =	ssyncadd.remote.s32 $0x1  }
0xbd: {  	_ =	sfence.sel $0xFFFF  }
0xbe: {  	[dreg:$0x0] =	wrdreg $0xFFFFFFFF;
	(pc) =	sbr.abs _section_cstart, $3  }
0xbf: {  	[dreg:$0x1] =	wrdreg $0xFFFFFFFF  }
0xc0: {  	_ =	task.clear_ibuf [dreg:s6], $0x2FFFF;
	_ =	strace $0x9FFFFFFF  }
0xc1: {  	(tm) =	ssettm $0x7FFFFFFF  }
tec
execute0_lowered:
.L_overlay_start_1:
0x0: {  	(tag) =	ssettag $0x1  }
0x1: {  	s1 =	srdreg.scid  }
0x2: {  	s0 =	stileid.u32;
	s5 =	rddreg [dreg:$0x0];
	s2 =	simm.s32 $0x0  }
0x3: {  	s11 =	simm.s32 $0x200;
	s12 =	simm.s32 $0x1;
	s4 =	smul.u32 $0x9400, s0  }
0x4: {  	s3 =	sand.u32 $0x1, s1;
	s1 =	rddreg [dreg:$0x1];
	s30 =	smul.u32 $0x94000, s0  }
0x5: {  	s13 =	simm.s32 $0x0;
	[smem:$0x7FF] =	sst s2;
	s6 =	smul.u32 $0x4A00, s3  }
0x6: {  	_ =	strace $0x8000004A;
	s7 =	ssub.s32 $0x2, s3;
	s9 =	smul.u32 $0x4A000, s3  }
0x7: {  	s3 =	sadd.s32 $0x389800, s5;
	s10 =	sshrl.u32 s7, $0x1;
	s4 =	sadd.s32 s6, s4  }
0x8: {  	s6 =	sadd.s32 s30, s5;
	s31 =	ssub.s32 s7, s10;
	s10 =	simm.s32 $0x100  }
0x9: {  	s4 =	sshrl.u32 s4, $0x3;
	s6 =	sadd.s32 s9, s6;
	s9 =	simm.s32 $0x2  }
0xa: {  	s8 =	sadd.s32 s4, s5;
	s4 =	sadd.s32 $0x519800, s5;
	s5 =	smax.u32 s31, $0x1  }
0xb: {  	s6 =	sadd.s32 $0x839800, s6;
	s7 =	sadd.s32 $0x60600, s8;
	s8 =	sadd.s32 $0x4DE00, s8  }
.LBB2_1:
0xc: {  	s14 =	sadd.s32 $0x0, s8  }
0xd: {  	[tilespmem:s2], [sflag:$0x2] =	stream.linear.gather [hbm4b:s14+s2], $0x100, $0x38;
	[tilespmem:$0x8200] =	vst v63  }
0xe: {  	_ =	swait.ge [sflag:s9], $0x100  }
0xf: {  	[sflag:s9] =	ssyncset.done $0x0  }
0x10: {  	s31 =	sadd.s32 $0x0, s7;
	[sflag:s9] =	ssyncadd.s32 $0xFFFFFF00  }
0x11: {  	[tilespmem:s10], [sflag:$0x2] =	stream.linear.gather [hbm4b:s31+s2], $0x100, $0x38;
	[tilespmem:$0x8200] =	vst v63  }
0x12: {  	_ =	swait.ge [sflag:s9], $0x100  }
0x13: {  	[sflag:s9] =	ssyncset.done $0x0  }
0x14: {  	[sflag:s9] =	ssyncadd.s32 $0xFFFFFF00  }
0x15: {  	[tilespmem:s11], [sflag:$0x1] =	stream.indirect.gather [hbm4b:s3+s10], $0x80, s2, s10, $0xb8;
	[tilespmem:$0x8200] =	vst v63  }
0x16: {  	_ =	swait.ge [sflag:s12], $0x8000  }
0x17: {  	[sflag:s12] =	ssyncset.done $0x0  }
0x18: {  	[sflag:s12] =	ssyncadd.s32 $0xFFFF8000  }
0x19: {  	[tilespmem:s11], [sflag:$0x1] =	stream.indirect.gather.add.f32 [hbm:s4], $0x80, s10, s10, $0xb8;
	[tilespmem:$0x8200] =	vst v63  }
0x1a: {  	_ =	swait.ge [sflag:s12], $0x8000  }
0x1b: {  	[sflag:s12] =	ssyncset.done $0x0  }
0x1c: {  	[sflag:s12] =	ssyncadd.s32 $0xFFFF8000  }
0x1d: {  	[hbm4b:s6+s2] =	stream.linear.scatter [tilespmem:s11], [sflag:$0x2], $0x8000, $0x38;
	[tilespmem:$0x8200] =	vst v63  }
0x1e: {  	s15 =	simm.s32 $0x20;
	_ =	swait.ge [sflag:s9], $0x8000  }
0x1f: {  	s16 =	simm.s32 $0x40;
	s14 =	sadd.s32 $0x1000, s6;
	[sflag:s9] =	ssyncset.done $0x0  }
.LBB2_2:
0x20: {  	s17 =	sadd.s32 s15, s8  }
0x21: {  	[sflag:s9] =	ssyncadd.s32 $0xFFFF8000;
	s18 =	smov.u32 s16;
	s19 =	sadd.s32 $0x20, s16  }
0x22: {  	[tilespmem:s2], [sflag:$0x2] =	stream.linear.gather [hbm4b:s17+s2], $0x100, $0x38;
	[tilespmem:$0x8200] =	vst v63  }
0x23: {  	p0 =	sne.s32 s16, $0x920;
	_ =	swait.ge [sflag:s9], $0x100  }
0x24: {  	[sflag:s9] =	ssyncset.done $0x0  }
0x25: {  	s16 =	sadd.s32 s15, s7;
	s15 =	smov.u32 s18;
	[sflag:s9] =	ssyncadd.s32 $0xFFFFFF00  }
0x26: {  	[tilespmem:s10], [sflag:$0x2] =	stream.linear.gather [hbm4b:s16+s2], $0x100, $0x38;
	[tilespmem:$0x8200] =	vst v63  }
0x27: {  	_ =	swait.ge [sflag:s9], $0x100  }
0x28: {  	[sflag:s9] =	ssyncset.done $0x0  }
0x29: {  	[sflag:s9] =	ssyncadd.s32 $0xFFFFFF00  }
0x2a: {  	[tilespmem:s11], [sflag:$0x1] =	stream.indirect.gather [hbm4b:s3+s10], $0x80, s2, s10, $0xb8;
	[tilespmem:$0x8200] =	vst v63  }
0x2b: {  	_ =	swait.ge [sflag:s12], $0x8000  }
0x2c: {  	[sflag:s12] =	ssyncset.done $0x0  }
0x2d: {  	[sflag:s12] =	ssyncadd.s32 $0xFFFF8000  }
0x2e: {  	[tilespmem:s11], [sflag:$0x1] =	stream.indirect.gather.add.f32 [hbm:s4], $0x80, s10, s10, $0xb8;
	[tilespmem:$0x8200] =	vst v63  }
0x2f: {  	_ =	swait.ge [sflag:s12], $0x8000  }
.Ltmp0:
0x30: {  	[sflag:s12] =	ssyncset.done $0x0;
	(pc) =	sbr.rel @p0 .LBB2_2-.Ltmp0, $4  }
0x31: {  	[sflag:s12] =	ssyncadd.s32 $0xFFFF8000  }
0x32: {  	[hbm4b:s14+s2] =	stream.linear.scatter [tilespmem:s11], [sflag:$0x2], $0x8000, $0x38;
	[tilespmem:$0x8200] =	vst v63  }
0x33: {  	_ =	swait.ge [sflag:s9], $0x8000  }
0x34: {  	s16 =	smov.u32 s19;
	s14 =	sadd.s32 $0x1000, s14;
	[sflag:s9] =	ssyncset.done $0x0  }
0x35: {  	s16 =	sadd.s32 s15, s8;
	[sflag:s9] =	ssyncadd.s32 $0xFFFF8000  }
0x36: {  	[tilespmem:s2], [sflag:$0x2] =	stream.linear.gather [hbm4b:s16+s2], $0x100, $0x38;
	[tilespmem:$0x8200] =	vst v63  }
0x37: {  	_ =	swait.ge [sflag:s9], $0x100  }
0x38: {  	[sflag:s9] =	ssyncset.done $0x0  }
0x39: {  	s31 =	sadd.s32 s15, s7;
	[sflag:s9] =	ssyncadd.s32 $0xFFFFFF00  }
0x3a: {  	[tilespmem:s10], [sflag:$0x2] =	stream.linear.gather [hbm4b:s31+s2], $0x100, $0x38;
	[tilespmem:$0x8200] =	vst v63  }
0x3b: {  	_ =	swait.ge [sflag:s9], $0x100  }
0x3c: {  	[sflag:s9] =	ssyncset.done $0x0  }
0x3d: {  	[sflag:s9] =	ssyncadd.s32 $0xFFFFFF00  }
0x3e: {  	[tilespmem:s11], [sflag:$0x1] =	stream.indirect.gather [hbm4b:s3+s10], $0x80, s2, s10, $0xb8;
	[tilespmem:$0x8200] =	vst v63  }
0x3f: {  	_ =	swait.ge [sflag:s12], $0x8000  }
0x40: {  	[sflag:s12] =	ssyncset.done $0x0  }
0x41: {  	[sflag:s12] =	ssyncadd.s32 $0xFFFF8000  }
0x42: {  	[tilespmem:s11], [sflag:$0x1] =	stream.indirect.gather.add.f32 [hbm:s4], $0x80, s10, s10, $0xb8;
	[tilespmem:$0x8200] =	vst v63  }
0x43: {  	s13 =	sadd.s32 $0x1, s13;
	_ =	swait.ge [sflag:s12], $0x8000  }
0x44: {  	p0 =	sne.s32 s13, s5;
	[sflag:s12] =	ssyncset.done $0x0  }
.Ltmp1:
0x45: {  	[sflag:s12] =	ssyncadd.s32 $0xFFFF8000;
	(pc) =	sbr.rel @p0 .LBB2_1-.Ltmp1, $4  }
0x46: {  	[hbm4b:s14+s2] =	stream.linear.scatter [tilespmem:s11], [sflag:$0x2], $0x8000, $0x38;
	[tilespmem:$0x8200] =	vst v63  }
0x47: {  	_ =	swait.ge [sflag:s9], $0x8000  }
0x48: {  	[sflag:s9] =	ssyncset.done $0x0  }
0x49: {  	[sflag:s9] =	ssyncadd.s32 $0xFFFF8000  }
0x4a: {  	_ =	sfence.sel $0x180000  }
0x4b: {  	[bflag:$0x0] =	sbarrier.arrive $0xFFFF  }
0x4c: {  	p0 =	sne.s32 s0, $0x0;
	_ =	strace $0x9000004A  }
0x4d: {  	s0 =	sadd.s32 @!p0 $0x100000, s1;
	[bflag:$0x2] =	sbarrier.arrive $0xFFFF  }
0x4e: {  	[sflag:s0] =	ssyncadd.tile.s32 @!p0 $0x1;
	_ =	shalt  }
.Lfunc_end2:
_tile_overlayer_lowered:
.L_overlay_start_2:
0x4f: {  	(tag) =	ssettag $0x2  }
0x50: {  	s0 =	rddreg [dreg:$0x0];
	s2 =	stileid.u32  }
0x51: {  	s1 =	rddreg [dreg:$0x1];
	p0 =	sne.s32 s2, $0x0  }
0x52: {  	s3 =	rddreg [dreg:$0x2];
	[bflag:$0x3] =	sbarrier.arrive $0xFFFF;
	s2 =	simm.s32 @!p0 $0x1C02  }
0x53: {  	[timem:s3], [sflag:s2] =	dma.local @!p0 [hbm:s0], s1  }
0x54: {  	s0 =	simm.s32 @!p0 $0x2  }
0x55: {  	_ =	swait.ge @!p0 [sflag:s0], s1  }
0x56: {  	s1 =	ssub.s32 @!p0 $0x0, s1;
	[sflag:s0] =	ssyncset.done @!p0 $0x0  }
0x57: {  	[sflag:s0] =	ssyncadd.s32 @!p0 s1  }
0x58: {  	[bflag:$0x3] =	sbarrier.arrive $0xFFFF  }
0x59: {  	_ =	shalt  }

// kernel: scatter_offload_async_start.1
scs
__scs_entry_jumppad:
0x0: {  	(pc) =	sbr.rel $0x88, $3  }
0x1: {  	(tag) =	ssettag $0x0;
	lr =	simm.s32 $0x1  }
0x2: {  	[smem:$0x3F6F] =	sst lr;
	_ =	strace $0xD0000000  }
0x3: {  	_ = 	snop  }
0x4: {  	_ = 	snop  }
0x5: {  	_ = 	snop  }
0x6: {  	_ = 	snop  }
0x7: {  	_ = 	snop  }
__scs_overlays_trampoline_lowered:
0x8: {  	[smem:$0x3F7E] =	sst s0  }
0x9: {  	[smem:$0x3F7F] =	sst s1  }
0xa: {  	[smem:$0x3F80] =	sst s2  }
0xb: {  	[smem:$0x3F81] =	sst s3  }
0xc: {  	[smem:$0x3F82] =	sst s4  }
0xd: {  	[smem:$0x3F83] =	sst s5  }
0xe: {  	[smem:$0x3F84] =	sst s6  }
0xf: {  	[smem:$0x3F85] =	sst s7  }
0x10: {  	[smem:$0x3F86] =	sst s8  }
0x11: {  	[smem:$0x3F87] =	sst s9;
	s0 =	simm.s32 @!p0 $0x0  }
0x12: {  	s1 =	sld [smem:$0x3F6D];
	s0 =	simm.s32 @p0 $0x1  }
0x13: {  	[smem:$0x3F88] =	sst s0;
	s0 =	simm.s32 @!p1 $0x0  }
0x14: {  	s2 =	sld [smem:$0x3F6C];
	s0 =	simm.s32 @p1 $0x1  }
0x15: {  	[smem:$0x3F89] =	sst s0;
	s0 =	simm.s32 @!p2 $0x0  }
0x16: {  	s3 =	sld [smem:$0x3FDB];
	s0 =	simm.s32 @p2 $0x1  }
0x17: {  	s4 =	simm.s32 $0x1BF5;
	[smem:$0x3F8B] =	sst s0  }
0x18: {  	s0 =	sld [smem:$0x3F6E];
	_ =	swait.ge [sflag:s4], $0x0  }
0x19: {  	s7 =	sld [smem:$0x3F6F]  }
0x1a: {  	s8 =	sadd.s32 $0xFFFFE003, lr  }
0x1b: {  	s9 =	sadd.s32 $0xFFFFFEF7, lr;
	s5 =	simm.s32 $0xFFFFFFFF;
	p2 =	slt.u32 s8, $0xFFFFF086  }
0x1c: {  	p1 =	slt.u32 s9, $0xF7A;
	s5 =	simm.s32 @!p2 $0x0  }
0x1d: {  	s5 =	simm.s32 @p1 $0x1;
	p0 =	seq.s32 s7, s2  }
0x1e: {  	s7 =	smul.u32 @!p0 $0xF7A, s2;
	p2 =	seq.s32 @!p0 s5, $0x0  }
0x1f: {  	s9 =	smul.u32 $0xF7A, s1;
	s8 =	simm.s32 @!p0 $0x1BF5;
	p2 =	por !p2, p0  }
0x20: {  	[sflag:s8] =	ssyncset.s32 @!p0 $0xFFFFF086;
	s6 =	sadd.s32 @!p0 s3, s7;
	s7 =	simm.s32 @!p0 $0x108  }
0x21: {  	s3 =	sadd.s32 s3, s9;
	s6 =	sadd.s32 @!p0 $0x88, s6;
	s7 =	simm.s32 @p2 $0x1082  }
0x22: {  	[simem:s7], [sflag:s8] =	dma.local @!p0 [hbm:s6], $0xF7A  }
0x23: {  	s9 =	sor.u32 $0xD0000000, s2;
	s6 =	simm.s32 $0x108;
	_ =	swait.ge @!p0 [sflag:s8], $0x0  }
0x24: {  	s3 =	sadd.s32 $0x88, s3;
	s6 =	simm.s32 @!p1 $0x1082;
	[sflag:s4] =	ssyncset.s32 $0xFFFFF086  }
0x25: {  	[simem:s6], [sflag:s4] =	dma.local [hbm:s3], $0xF7A  }
0x26: {  	[smem:$0x3F6F] =	sst s1;
	(tag) =	ssettag s2;
	_ =	strace s9  }
0x27: {  	s1 =	sld [smem:$0x3F7F]  }
0x28: {  	s2 =	sld [smem:$0x3F80]  }
0x29: {  	s4 =	sld [smem:$0x3F82]  }
0x2a: {  	p0 =	seq.s32 s5, $0x0;
	s5 =	sld [smem:$0x3F83]  }
0x2b: {  	s6 =	sld [smem:$0x3F84]  }
0x2c: {  	s7 =	sld [smem:$0x3F85]  }
0x2d: {  	s3 =	simm.s32 $0x108;
	s8 =	sld [smem:$0x3F86]  }
0x2e: {  	s3 =	simm.s32 @!p0 $0x1082;
	s9 =	sld [smem:$0x3F87]  }
0x2f: {  	lr =	sadd.s32 s0, s3;
	s0 =	sld [smem:$0x3F7E]  }
0x30: {  	s3 =	sld [smem:$0x3F81]  }
0x31: {  	[smem:$0x3F8A] =	sst s10  }
0x32: {  	s10 =	sld [smem:$0x3F88];
	_ =	sdelay $0x3  }
0x33: {  	p0 =	seq.s32 s10, $0x1;
	s10 =	sld [smem:$0x3F8A];
	_ =	sdelay $0x3  }
0x34: {  	[smem:$0x3F8A] =	sst s10  }
0x35: {  	s10 =	sld [smem:$0x3F89];
	_ =	sdelay $0x3  }
0x36: {  	p1 =	seq.s32 s10, $0x1;
	s10 =	sld [smem:$0x3F8A];
	_ =	sdelay $0x3  }
0x37: {  	[smem:$0x3F8A] =	sst s10  }
0x38: {  	s10 =	sld [smem:$0x3F8B]  }
0x39: {  	_ = 	snop;
	(pc) =	sbr.ind lr, $3  }
0x3a: {  	_ = 	snop  }
0x3b: {  	_ = 	snop  }
0x3c: {  	p2 =	seq.s32 s10, $0x1;
	s10 =	sld [smem:$0x3F8A]  }
0x3d: {  	_ =	shalt  }
0x3e: {  	_ =	shalt  }
0x3f: {  	_ =	shalt  }
0x40: {  	_ =	shalt  }
0x41: {  	_ =	shalt  }
0x42: {  	_ =	shalt  }
0x43: {  	_ =	shalt  }
0x44: {  	_ =	shalt  }
0x45: {  	_ =	shalt  }
0x46: {  	_ =	shalt  }
0x47: {  	_ =	shalt  }
0x48: {  	_ =	shalt  }
0x49: {  	_ =	shalt  }
0x4a: {  	_ =	shalt  }
0x4b: {  	_ =	shalt  }
0x4c: {  	_ =	shalt  }
0x4d: {  	_ =	shalt  }
0x4e: {  	_ =	shalt  }
0x4f: {  	_ =	shalt  }
0x50: {  	_ =	shalt  }
0x51: {  	_ =	shalt  }
0x52: {  	_ =	shalt  }
0x53: {  	_ =	shalt  }
0x54: {  	_ =	shalt  }
0x55: {  	_ =	shalt  }
0x56: {  	_ =	shalt  }
0x57: {  	_ =	shalt  }
0x58: {  	_ =	shalt  }
0x59: {  	_ =	shalt  }
0x5a: {  	_ =	shalt  }
0x5b: {  	_ =	shalt  }
0x5c: {  	_ =	shalt  }
0x5d: {  	_ =	shalt  }
0x5e: {  	_ =	shalt  }
0x5f: {  	_ =	shalt  }
0x60: {  	_ =	shalt  }
0x61: {  	_ =	shalt  }
0x62: {  	_ =	shalt  }
0x63: {  	_ =	shalt  }
0x64: {  	_ =	shalt  }
0x65: {  	_ =	shalt  }
0x66: {  	_ =	shalt  }
0x67: {  	_ =	shalt  }
0x68: {  	_ =	shalt  }
0x69: {  	_ =	shalt  }
0x6a: {  	_ =	shalt  }
0x6b: {  	_ =	shalt  }
0x6c: {  	_ =	shalt  }
0x6d: {  	_ =	shalt  }
0x6e: {  	_ =	shalt  }
0x6f: {  	_ =	shalt  }
0x70: {  	_ =	shalt  }
0x71: {  	_ =	shalt  }
0x72: {  	_ =	shalt  }
0x73: {  	_ =	shalt  }
0x74: {  	_ =	shalt  }
0x75: {  	_ =	shalt  }
0x76: {  	_ =	shalt  }
0x77: {  	_ =	shalt  }
0x78: {  	_ =	shalt  }
0x79: {  	_ =	shalt  }
0x7a: {  	_ =	shalt  }
0x7b: {  	_ =	shalt  }
0x7c: {  	_ =	shalt  }
0x7d: {  	_ =	shalt  }
0x7e: {  	_ =	shalt  }
0x7f: {  	_ =	shalt  }
0x80: {  	_ =	shalt  }
0x81: {  	_ =	shalt  }
0x82: {  	_ =	shalt  }
0x83: {  	_ =	shalt  }
0x84: {  	_ =	shalt  }
0x85: {  	_ =	shalt  }
0x86: {  	_ =	shalt  }
0x87: {  	_ =	shalt  }
.Lfunc_end0:
.L_simem_size_0:
called_computation.1_lowered:
.L_overlay_start_0:
0x88: {  	s2 =	sld [smem:$0x3FD9]  }
0x89: {  	s3 =	sld [smem:$0x3FFE];
	_ =	sdelay $0x1  }
0x8a: {  	s1 =	srdreg.scid  }
0x8b: {  	s0 =	sand.u32 $0x1, s1  }
0x8c: {  	s15 =	sshll.u32 s0, $0xA;
	s2 =	sadd.s32 s3, s2  }
0x8d: {  	s2 =	sadd.s32 s2, s15  }
0x8e: {  	[smem:$0x3F96] =	sst s2  }
0x8f: {  	_ = 	snop  }
0x90: {  	(tm) =	ssettm $0x1  }
0x91: {  	s16 =	sld [smem:$0x3FFB];
	_ =	sdelay $0x3  }
0x92: {  	_ =	strace s16  }
0x93: {  	s2 =	sld [smem:$0x3FFC];
	_ =	sdelay $0x3  }
0x94: {  	_ =	strace s2  }
0x95: {  	s2 =	sld [smem:$0x3FFD];
	_ =	sdelay $0x3  }
0x96: {  	_ =	strace s2  }
0x97: {  	_ =	strace $0x8FFFFFFF  }
0x98: {  	s17 =	sld [smem:$0x3FDB];
	_ =	sdelay $0x1  }
0x99: {  	s18 =	simm.s32 $_scs_section_size  }
0x9a: {  	s4 =	simm.s32 $_size__tile_overlayer_lowered;
	s5 =	simm.s32 $_tile_overlayer_lowered  }
0x9b: {  	s21 =	simm.s32 $0x1BFF;
	s20 =	sshll.u32 s5, $0x1;
	s2 =	sadd.s32 s18, s17  }
0x9c: {  	s6 =	simm.s32 $0x0;
	s19 =	sshll.u32 s4, $0x1;
	s4 =	sadd.s32 s20, s2  }
0x9d: {  	[timem:s6], [sflag:s21] =	dma.local [hbm:s4], s19  }
0x9e: {  	_ =	swait.ge [sflag:s21], s19  }
0x9f: {  	s3 =	ssub.s32 $0x0, s19;
	[sflag:s21] =	ssyncset.done $0x0  }
0xa0: {  	[sflag:s21] =	ssyncadd.s32 s3;
	_ =	sdelay $0x1  }
0xa1: {  	s22 =	simm.s32 $0x1B8B  }
0xa2: {  	_ =	swait.ge [sflag:s22], $0x1  }
0xa3: {  	[sflag:s22] =	ssyncset.done $0x0  }
0xa4: {  	s23 =	sld [smem:$0x3FFE];
	[sflag:s22] =	ssyncadd.s32 $0xFFFFFFFF  }
0xa5: {  	s25 =	simm.s32 $0x1B8E;
	s24 =	sld [smem:$0x0]  }
0xa6: {  	s26 =	simm.s32 $execute0_lowered;
	[smem:$0x3FD2] =	sst s25  }
0xa7: {  	s5 =	sshll.u32 s26, $0x1;
	_ =	strace $0x8000004C;
	[dreg:$0x1] =	wrdreg $0xFFFFFFFF  }
0xa8: {  	s28 =	simm.s32 $_size_execute0_lowered;
	s2 =	sadd.s32 s2, s5;
	[dreg:$0x0] =	wrdreg $0x0  }
0xa9: {  	s5 =	sshll.u32 s28, $0x1;
	[dreg:$0x2] =	wrdreg s2  }
0xaa: {  	[dreg:$0x3] =	wrdreg s5  }
0xab: {  	[dreg:$0x4] =	wrdreg $0xC0  }
0xac: {  	_ =	task [dreg:s6], $0x5FFFF  }
0xad: {  	[dreg:$0x1] =	wrdreg $0xFFFFFFFF  }
0xae: {  	[dreg:$0x0] =	wrdreg $0x60  }
0xaf: {  	[dreg:$0x2] =	wrdreg s23  }
0xb0: {  	[dreg:$0x3] =	wrdreg s1  }
0xb1: {  	[dreg:$0x4] =	wrdreg s24  }
0xb2: {  	[dreg:$0x5] =	wrdreg $0x9  }
0xb3: {  	_ =	task.clear_ibuf [dreg:s6], $0x6FFFF;
	_ =	strace $0x9000004C  }
0xb4: {  	s29 =	simm.s32 $0x9;
	_ =	strace $0x8000004E  }
0xb5: {  	_ =	swait.ge [sflag:s29], $0x1  }
0xb6: {  	[sflag:s29] =	ssyncadd.s32 $0xFFFFFFFF  }
0xb7: {  	_ =	strace $0x9000004E  }
0xb8: {  	_ =	sfence  }
0xb9: {  	s30 =	sld [smem:$0x0];
	_ =	sdelay $0x2  }
0xba: {  	s31 =	sshll.u32 s1, $0xD;
	s1 =	sshrl.u32 s1, $0x2  }
0xbb: {  	s3 =	sand.u32 $0x4000, s31;
	s1 =	sadd.s32 s1, s30  }
0xbc: {  	s0 =	sor.u32 s3, s0;
	s1 =	sshll.u32 s1, $0x11  }
0xbd: {  	s0 =	sor.u32 s1, s0  }
0xbe: {  	s0 =	sadd.s32 $0x8F2B, s0  }
0xbf: {  	[sflag:s0] =	ssyncadd.remote.s32 $0x1  }
0xc0: {  	_ =	sfence.sel $0xFFFF  }
0xc1: {  	[dreg:$0x0] =	wrdreg $0xFFFFFFFF;
	(pc) =	sbr.abs _section_cstart, $3  }
0xc2: {  	[dreg:$0x1] =	wrdreg $0xFFFFFFFF  }
0xc3: {  	_ =	task.clear_ibuf [dreg:s6], $0x2FFFF;
	_ =	strace $0x9FFFFFFF  }
0xc4: {  	(tm) =	ssettm $0x7FFFFFFF  }
0xc5: {  	_ =	shalt  }
tec
execute0_lowered:
.L_overlay_start_1:
0x0: {  	(tag) =	ssettag $0x1  }
0x1: {  	s2 =	rddreg [dreg:$0x0]  }
0x2: {  	s3 =	rddreg [dreg:$0x1];
	_ =	strace $0x8000004D;
	s0 =	simm.s32 $0x1  }
0x3: {  	v0 =	vimm.s32 $0x0;
	[sflag:s0] =	ssyncpa.u1 $0x0;
	s0 =	simm.s32 $0x108  }
0x4: {  	[tilespmem:s0+$0x70] =	vst v0  }
0x5: {  	[tilespmem:s0+$0x60] =	vst v0  }
0x6: {  	[tilespmem:s0+$0x50] =	vst v0  }
0x7: {  	[tilespmem:s0+$0x40] =	vst v0  }
0x8: {  	[tilespmem:s0+$0x30] =	vst v0  }
0x9: {  	s1 =	sadd.s32 $0x29200, s2;
	s15 =	sadd.s32 $0x4600, s2;
	s6 =	sadd.s32 $0x839800, s2;
	[tilespmem:s0+$0x20] =	vst v0  }
0xa: {  	s14 =	sadd.s32 $0x16C00, s2;
	s5 =	sand.u32 $0x1, s3;
	s3 =	simm.s32 $0x40;
	[tilespmem:s0+$0x10] =	vst v0  }
.LBB2_1:
0xb: {  	s3 =	sadd.s32 $0x40, s3;
	[tilespmem:s0+$0x0] =	vst v0;
	s0 =	sadd.s32 $0x80, s0  }
0xc: {  	p0 =	slt.u32 s3, $0x3C40;
	[tilespmem:s0+$0x70] =	vst v0  }
0xd: {  	[tilespmem:s0+$0x60] =	vst v0  }
.Ltmp0:
0xe: {  	[tilespmem:s0+$0x50] =	vst v0;
	(pc) =	sbr.rel @p0 .LBB2_1-.Ltmp0, $4  }
0xf: {  	[tilespmem:s0+$0x40] =	vst v0  }
0x10: {  	[tilespmem:s0+$0x30] =	vst v0  }
0x11: {  	[tilespmem:s0+$0x20] =	vst v0  }
0x12: {  	[tilespmem:s0+$0x10] =	vst v0  }
0x13: {  	s9 =	stileid.u32  }
0x14: {  	s2 =	smul.u32 $0x4E, s9  }
0x15: {  	s3 =	smin.u32 s9, $0x2  }
0x16: {  	s2 =	sadd.s32 s3, s2  }
0x17: {  	p0 =	slt.u32 s9, $0x2;
	s7 =	smul.u32 $0xF0, s2;
	s2 =	simm.s32 $0x4A10  }
0x18: {  	s2 =	simm.s32 @!p0 $0x4920  }
0x19: {  	s2 =	sadd.s32 s2, s7  }
0x1a: {  	s8 =	smin.u32 s2, $0x493E0  }
0x1b: {  	s2 =	ssub.s32 s8, s7  }
0x1c: {  	p0 =	sgt.s32 s2, $0x0  }
0x1d: {  	s29 =	simm.s32 $0x2;
	s10 =	simm.s32 $0x9;
	s2 =	simm.s32 @!p0 $0x0  }
0x1e: {  	s4 =	simm.s32 $0xA;
	s11 =	simm.s32 $0xB;
	s28 =	smulhi.u32 $0x88888889, s2  }
0x1f: {  	[dreg:$0x4] =	wrdreg s5;
	s31 =	smul.u32 $0x927C, s5;
	s12 =	simm.s32 $0x1  }
0x20: {  	s22 =	simm.s32 $0x0;
	s18 =	simm.s32 $0xC;
	s30 =	sshrl.u32 s28, $0x7  }
0x21: {  	s20 =	simm.s32 $0x0;
	s21 =	simm.s32 $0x0;
	s3 =	smul.u32 $0xF0, s30  }
.Ltmp1:
0x22: {  	[tilespmem:s0+$0x0] =	vst v0;
	v0 =	vimm.s32 $0xFFFFFFFF;
	[sflag:s29] =	ssyncpa.u1 $0x0;
	s16 =	sshll.u32 s9, $0x8;
	(pc) =	sbr.rel .LBB2_3-.Ltmp1, $4  }
0x23: {  	[tilespmem:$0xF208] =	vst v0;
	[sflag:s10] =	ssyncpa.u1 $0x0;
	p0 =	sne.s32 s2, s3;
	s2 =	simm.s32 $0x1  }
0x24: {  	s14 =	sadd.s32 s31, s14;
	[sflag:s4] =	ssyncpa.u1 $0x0;
	s2 =	simm.s32 @!p0 $0x0  }
0x25: {  	s15 =	sadd.s32 s31, s15;
	[sflag:s11] =	ssyncpa.u1 $0x0;
	s13 =	sadd.s32 s2, s30  }
0x26: {  	v0 =	vlaneseq.u32;
	s19 =	smov.u32 s7;
	p0 =	por $0x0, $0x0;
	s17 =	sadd.s32 $0x1, s13  }
.LBB2_18:
0x27: {  	s0 =	sshrl.u32 s31, $0x2  }
.LBB2_20:
0x28: {  	_ =	swait.ge [sflag:s18], s0  }
0x29: {  	s31 =	ssub.s32 $0x0, s0;
	v1 =	vmov s24;
	vm0 =	veq.s32 v0, $0x0;
	[sflag:s18] =	ssyncset.done $0x0  }
0x2a: {  	vm15 =	veq.s32 v0, $0x2;
	v1 =	vsel vm0, s30, v1;
	[sflag:s18] =	ssyncadd.s32 s31  }
0x2b: {  	v1 =	vsel vm15, s22, v1;
	[sflag:s18] =	ssyncpa.u1 $0x1  }
0x2c: {  	[tilespmem:$0xF208] =	vst v1  }
.LBB2_21:
0x2d: {  	s0 =	sadd.s32 $0xF0, s19  }
0x2e: {  	s2 =	smov.u32 s7;
	p1 =	slt.s32 s0, s8  }
0x2f: {  	s2 =	smov.u32 @p1 s0;
	p1 =	sne.s32 s21, s17  }
.Ltmp2:
0x30: {  	_ = 	snop;
	(pc) =	sbr.rel @!p1 .LBB2_22-.Ltmp2, $3  }
0x31: {  	_ =	sdelay $0x1  }
0x32: {  	s22 =	smov.u32 s20;
	s31 =	sadd.s32 $0x1, s21;
	s20 =	smov.u32 s19  }
0x33: {  	p0 =	por !p0, !p0;
	s21 =	smov.u32 s31;
	s19 =	smov.u32 s2  }
.LBB2_3:
0x34: {  	p1 =	sge.u32 s21, s13  }
0x35: {  	s0 =	smulhi.u32 @!p1 $0xAAAAAAAB, s21  }
0x36: {  	s2 =	smov.u32 s19;
	p2 =	sgt.s32 @!p1 s19, $0x492F0  }
0x37: {  	s3 =	sshra.s32 @!p1 s19, $0x1F;
	p2 =	por !p2, p1;
	s0 =	sshrl.u32 @!p1 s0, $0x1  }
0x38: {  	s3 =	sand.u32 @!p1 s3, s19;
	s2 =	simm.s32 @p2 $0x492F0;
	s0 =	smul.u32 @!p1 $0x3, s0  }
0x39: {  	s2 =	ssub.s32 @!p1 s2, s3  }
0x3a: {  	s2 =	sadd.s32 @!p1 $0xFFFB6D10, s2;
	s0 =	ssub.s32 @!p1 s21, s0  }
0x3b: {  	s3 =	sshll.u32 @!p1 s2, $0x2;
	p2 =	sgt.s32 @!p1 s2, $0xEF;
	s0 =	smul.u32 @!p1 $0x3C0, s0  }
0x3c: {  	s4 =	sand.u32 @!p1 $0x7, s19;
	s2 =	ssub.s32 @!p1 $0x3C0, s3;
	p2 =	por !p2, p1  }
0x3d: {  	s3 =	sshrl.u32 @!p1 s19, $0x3;
	s2 =	sshrl.u32 @!p1 s2, $0x2;
	s0 =	sshrl.u32 @!p1 s0, $0x2  }
0x3e: {  	s3 =	sadd.s32 @!p1 s3, s14;
	s2 =	simm.s32 @!p2 $0x0;
	s0 =	sadd.s32 @!p1 $0x10248, s0  }
0x3f: {  	[tilespmem:s0], [sflag:$0xA] =	stream.linear.gather @!p1 [hbm4b:s3+s4], s2, $0x38;
	[tilespmem:$0x1F6F8] =	vst v63  }
0x40: {  	s0 =	sadd.s32 $0xFFFFFFFF, s21  }
0x41: {  	p1 =	sge.u32 s0, s13  }
0x42: {  	p2 =	sgt.s32 @!p1 s20, $0x492F0  }
0x43: {  	s2 =	smov.u32 s20;
	s3 =	sshra.s32 @!p1 s20, $0x1F;
	p2 =	por !p2, p1  }
0x44: {  	s3 =	sand.u32 @!p1 s3, s20;
	s2 =	simm.s32 @p2 $0x492F0  }
0x45: {  	s2 =	ssub.s32 @!p1 s2, s3  }
0x46: {  	s2 =	sadd.s32 @!p1 $0xFFFB6D10, s2  }
0x47: {  	s4 =	smulhi.u32 @!p1 $0xAAAAAAAB, s0;
	s5 =	sand.u32 @!p1 $0x1, s0;
	s3 =	sshll.u32 @!p1 s2, $0x2  }
0x48: {  	s24 =	smul.u32 @!p1 $0x3C0, s5;
	p2 =	sgt.s32 @!p1 s2, $0xEF;
	s2 =	ssub.s32 @!p1 $0x3C0, s3  }
0x49: {  	p2 =	por !p2, p1;
	s3 =	sshrl.u32 @!p1 s4, $0x1;
	s2 =	sshrl.u32 @!p1 s2, $0x2  }
0x4a: {  	s4 =	simm.s32 @!p1 $0xA;
	s3 =	smul.u32 @!p1 $0x3, s3;
	s2 =	simm.s32 @!p2 $0x0  }
0x4b: {  	s5 =	smul.u32 @!p1 $0x1E000, s5;
	_ =	swait.ge @!p1 [sflag:s4], s2;
	s23 =	ssub.s32 @!p1 $0x0, s2  }
0x4c: {  	s0 =	ssub.s32 @!p1 s0, s3;
	s3 =	sshrl.u32 @!p1 s20, $0x3;
	[sflag:s4] =	ssyncset.done @!p1 $0x0  }
0x4d: {  	s3 =	sadd.s32 @!p1 s3, s15;
	[sflag:s4] =	ssyncadd.s32 @!p1 s23;
	s4 =	sshrl.u32 @!p1 s24, $0x2  }
0x4e: {  	s0 =	smul.u32 @!p1 $0x3C0, s0;
	s23 =	sand.u32 @!p1 $0x7, s20;
	s4 =	sadd.s32 @!p1 $0x10518, s4  }
0x4f: {  	[tilespmem:s4], [sflag:$0xB] =	stream.linear.gather @!p1 [hbm4b:s3+s23], s2, $0x38;
	[tilespmem:$0x1F6F8] =	vst v63  }
0x50: {  	s0 =	sshrl.u32 @!p1 s0, $0x2;
	s2 =	sshrl.u32 @!p1 s5, $0x2  }
0x51: {  	s0 =	sadd.s32 @!p1 $0x10248, s0;
	s3 =	simm.s32 @!p1 $0xF0;
	s2 =	sor.u32 @!p1 $0x106F8, s2  }
0x52: {  	[tilespmem:s2], [sflag:$0x9] =	stream.indirect.gather @!p1 [hbm4b:s6+s3], $0x80, s0, s3, $0xb8;
	[tilespmem:$0x1F6F8] =	vst v63  }
0x53: {  	p1 =	slt.u32 s21, $0x2  }
.Ltmp3:
0x54: {  	_ = 	snop;
	(pc) =	sbr.rel @p1 .LBB2_21-.Ltmp3, $1  }
0x55: {  	_ =	sdelay $0x3  }
0x56: {  	p1 =	sgt.s32 s22, $0x492F0;
	s0 =	smov.u32 s22;
	s2 =	sshra.s32 s22, $0x1F  }
0x57: {  	s0 =	simm.s32 @!p1 $0x492F0;
	s2 =	sand.u32 s2, s22  }
0x58: {  	s0 =	ssub.s32 s0, s2  }
0x59: {  	s0 =	sadd.s32 $0xFFFB6D10, s0  }
0x5a: {  	s29 =	sshll.u32 s0, $0x2  }
0x5b: {  	_ =	swait.ge [sflag:s10], $0x7800;
	s2 =	ssub.s32 $0x3C0, s29  }
0x5c: {  	[sflag:s10] =	ssyncset.done $0x0;
	p1 =	sgt.s32 s0, $0xEF;
	s0 =	sshrl.u32 s2, $0x2  }
0x5d: {  	[sflag:s10] =	ssyncadd.s32 $0xFFFF8800;
	s0 =	simm.s32 @p1 $0x0  }
0x5e: {  	_ =	swait.ge [sflag:s11], s0  }
0x5f: {  	s0 =	ssub.s32 $0x0, s0;
	[sflag:s11] =	ssyncset.done $0x0  }
0x60: {  	[sflag:s11] =	ssyncadd.s32 s0  }
0x61: {  	v1 =	vld [tilespmem:$0xF208];
	_ =	sdelay $0x4  }
0x62: {  	(v2sf) =	vpush v1, $0x0  }
0x63: {  	(v2sf) =	vpush v1, $0x1  }
0x64: {  	(v2sf) =	vpush v1, $0x2;
	_ =	sdelay $0x3  }
0x65: {  	s0 =	sadd.s32 $0xF0, s22  }
0x66: {  	s2 =	ssub.s32 $0x927C0, s22;
	p1 =	slt.s32 s8, s0  }
0x67: {  	s0 =	smov.u32 @p1 s8;
	p1 =	sgt.s32 s2, $0x0  }
0x68: {  	s26 =	ssub.s32 s0, s22;
	s2 =	simm.s32 @!p1 $0x0  }
0x69: {  	p1 =	slt.s32 s2, s26  }
0x6a: {  	s26 =	smov.u32 @p1 s2  }
0x6b: {  	s25 =	simm.s32 $0x1;
	p1 =	slt.s32 s26, $0x1  }
.Ltmp4:
0x6c: {  	s25 =	simm.s32 @!p0 $0x0;
	(pc) =	sbr.rel @p1 .LBB2_8-.Ltmp4, $4  }
0x6d: {  	s31 =	smul.u32 $0x3C0, s25  }
0x6e: {  	s28 =	spop (v2sf)  }
0x6f: {  	s0 =	sshrl.u32 s31, $0x2;
	s30 =	spop (v2sf)  }
0x70: {  	s23 =	sadd.s32 $0x10518, s0;
	s22 =	spop (v2sf)  }
0x71: {  	s0 =	smin.u32 s26, $0x10  }
0x72: {  	v1 =	vmov s0  }
0x73: {  	p2 =	sgt.s32 s26, $0x10;
	vm1 =	vgt.u32 v1, v0  }
.Ltmp5:
0x74: {  	_ = 	snop;
	(pc) =	sbr.rel @!p2 .LBB2_7-.Ltmp5, $2  }
0x75: {  	_ =	sdelay $0x2  }
0x76: {  	s4 =	simm.s32 $0x10;
	s24 =	sadd.s32 $0xFFFFFFF0, s26;
	s0 =	smov.u32 s23;
	vm0 =	vmmov vm1  }
.LBB2_6:
0x77: {  	s2 =	smin.u32 s24, $0x10;
	s4 =	sadd.s32 $0x10, s4;
	v1 =	vld.msk [tilespmem:s0+$0x0 ss:$0x1], vm1  }
0x78: {  	v2 =	vmov s2;
	p2 =	slt.s32 s4, s26  }
0x79: {  	vm1 =	vgt.u32 v2, v0  }
.Ltmp6:
0x7a: {  	(pc) =	sbr.rel @p2 .LBB2_6-.Ltmp6, $3  }
0x7b: {  	_ =	sdelay $0x1  }
0x7c: {  	v1 =	vshll.u32 v1, $0x4  }
0x7d: {  	s24 =	sadd.s32 $0xFFFFFFF0, s24;
	[tilespmem:s0+$0x0] =	vst.msk vm0, v1;
	s0 =	sadd.s32 $0x10, s0;
	vm0 =	vmmov vm1  }
.LBB2_7:
0x7e: {  	_ =	sdelay $0x4  }
0x7f: {  	v1 =	vld.msk [tilespmem:s0+$0x0 ss:$0x1], vm1;
	_ =	sdelay $0x4  }
0x80: {  	v1 =	vshll.u32 v1, $0x4  }
0x81: {  	[tilespmem:s0+$0x0] =	vst.msk vm0, v1  }
.LBB2_8:
0x82: {  	s0 =	sand.u32 $0x1, s21  }
0x83: {  	s0 =	smul.u32 $0xF0, s0  }
0x84: {  	p2 =	sne.s32 s30, $0xFFFFFFFF  }
0x85: {  	v1 =	vld.msk @!p2 [tilespmem:s0+$0x10518], $0x1;
	_ =	sdelay $0x4  }
0x86: {  	(v2sf) =	vpush @!p2 v1, $0x0;
	_ =	sdelay $0xc  }
.Ltmp7:
0x87: {  	_ = 	snop;
	(pc) =	sbr.rel @p1 .LBB2_19-.Ltmp7, $4  }
0x88: {  	_ = 	snop  }
0x89: {  	s29 =	spop @!p2 (v2sf)  }
0x8a: {  	s22 =	simm.s32 @!p2 $0x0;
	s24 =	smov.u32 s29  }
0x8b: {  	[sflag:s18] =	ssyncpa.u1 $0x0;
	s29 =	smov.u32 @p2 s28;
	s24 =	smov.u32 @p2 s30  }
0x8c: {  	v1 =	vld.msk [tilespmem:s23+$0x0], $0x1;
	_ =	sdelay $0x4  }
0x8d: {  	(v2sf) =	vpush v1, $0x0;
	_ =	sdelay $0xe  }
0x8e: {  	s2 =	smul.u32 $0x1E000, s25;
	s0 =	spop (v2sf)  }
0x8f: {  	s26 =	ssub.s32 $0x0, s26;
	p1 =	seq.s32 s29, s0  }
0x90: {  	s30 =	sadd.s32 $0x1, s26;
	s2 =	sshrl.u32 s2, $0x2;
	p2 =	sgt.s32 @!p1 s29, $0x0  }
0x91: {  	s25 =	sor.u32 $0x10738, s2;
	s2 =	smov.u32 s29;
	p2 =	por !p2, p1  }
0x92: {  	s2 =	simm.s32 @p2 $0x0;
	p2 =	seq.s32 s30, $0x0  }
.Ltmp8:
0x93: {  	_ = 	snop;
	(pc) =	sbr.rel @p2 .LBB2_11-.Ltmp8, $4  }
0x94: {  	_ = 	snop  }
0x95: {  	s28 =	simm.s32 $0x0;
	s31 =	sadd.s32 $0x1, s23;
	s2 =	smin.u32 @!p1 s2, $0x18FFF0  }
0x96: {  	s4 =	simm.s32 @!p1 $0x1;
	s5 =	simm.s32 @!p1 $0x7988;
	s3 =	sand.u32 @!p1 $0x1FFFF8, s2  }
0x97: {  	s4 =	smov.u32 @p1 s28;
	s2 =	sand.u32 @!p1 $0x7, s2;
	s3 =	sadd.s32 @!p1 s1, s3  }
.LBB2_10:
0x98: {  	s9 =	smov.u32 s4  }
0x99: {  	[tilespmem:s5], [sflag:$0x2] =	stream.linear.gather @!p1 [hbm4b:s3+s2], $0x80, $0x38;
	[tilespmem:$0x1F6F8] =	vst v63  }
0x9a: {  	s30 =	sadd.s32 $0x1, s30;
	s2 =	smov.u32 s0;
	v1 =	vld.msk [tilespmem:s31+$0x0], $0x1  }
0x9b: {  	p2 =	seq.s32 s30, $0x0;
	_ =	sdelay $0x3  }
0x9c: {  	(v2sf) =	vpush v1, $0x0;
	_ =	sdelay $0xe  }
0x9d: {  	s0 =	spop (v2sf)  }
0x9e: {  	p1 =	seq.s32 s2, s0  }
0x9f: {  	p3 =	sgt.s32 @!p1 s2, $0x0;
	s3 =	sshll.u32 @!p1 s4, $0x9;
	s4 =	sadd.s32 @!p1 $0x1, s4  }
.Ltmp9:
0xa0: {  	p3 =	por !p3, p1;
	s3 =	sshra.s32 @!p1 s3, $0x2;
	(pc) =	sbr.rel @!p2 .LBB2_10-.Ltmp9, $4  }
0xa1: {  	s4 =	smov.u32 @p1 s9;
	s2 =	simm.s32 @p3 $0x0;
	s5 =	sadd.s32 @!p1 $0x7988, s3  }
0xa2: {  	s2 =	smin.u32 @!p1 s2, $0x18FFF0  }
0xa3: {  	s3 =	sand.u32 @!p1 $0x1FFFF8, s2;
	s2 =	sand.u32 @!p1 $0x7, s2  }
0xa4: {  	s31 =	sadd.s32 $0x1, s31;
	s3 =	sadd.s32 @!p1 s1, s3  }
.LBB2_11:
0xa5: {  	[tilespmem:s5], [sflag:$0x2] =	stream.linear.gather @!p1 [hbm4b:s3+s2], $0x80, $0x38;
	[tilespmem:$0x1F6F8] =	vst v63  }
.Ltmp10:
0xa6: {  	s0 =	sshll.u32 s4, $0x7;
	(pc) =	sbr.rel .LBB2_12-.Ltmp10, $4  }
0xa7: {  	s30 =	simm.s32 $0x2;
	s0 =	sand.u32 $0x3FFFFF80, s0  }
0xa8: {  	_ =	swait.ge [sflag:s30], s0  }
0xa9: {  	s0 =	ssub.s32 $0x0, s0;
	[sflag:s30] =	ssyncset.done $0x0  }
0xaa: {  	s31 =	simm.s32 $0x0;
	[sflag:s30] =	ssyncadd.s32 s0  }
.LBB2_13:
0xab: {  	v1 =	vld [tilespmem:s25+$0xFFFFFFC0];
	_ =	sdelay $0x3  }
0xac: {  	s0 =	sshra.s32 s0, $0x2  }
0xad: {  	[tilespmem:s0+$0x108] =	vst.add.f32.msk $0xffff, v1  }
0xae: {  	v1 =	vld [tilespmem:s25+$0xFFFFFFD0];
	_ =	sdelay $0x4  }
0xaf: {  	[tilespmem:s0+$0x118] =	vst.add.f32.msk $0xffff, v1  }
0xb0: {  	v1 =	vld [tilespmem:s25+$0xFFFFFFE0];
	_ =	sdelay $0x4  }
0xb1: {  	[tilespmem:s0+$0x128] =	vst.add.f32.msk $0xffff, v1  }
0xb2: {  	v1 =	vld [tilespmem:s25+$0xFFFFFFF0];
	_ =	sdelay $0x4  }
0xb3: {  	[tilespmem:s0+$0x138] =	vst.add.f32.msk $0xffff, v1  }
0xb4: {  	v1 =	vld [tilespmem:s25+$0x0];
	_ =	sdelay $0x4  }
0xb5: {  	[tilespmem:s0+$0x148] =	vst.add.f32.msk $0xffff, v1  }
0xb6: {  	v1 =	vld [tilespmem:s25+$0x10];
	_ =	sdelay $0x4  }
0xb7: {  	[tilespmem:s0+$0x158] =	vst.add.f32.msk $0xffff, v1  }
0xb8: {  	v1 =	vld [tilespmem:s25+$0x20];
	_ =	sdelay $0x4  }
0xb9: {  	[tilespmem:s0+$0x168] =	vst.add.f32.msk $0xffff, v1  }
0xba: {  	v1 =	vld [tilespmem:s25+$0x30];
	_ =	sdelay $0x4  }
0xbb: {  	[tilespmem:s0+$0x178] =	vst.add.f32.msk $0xffff, v1  }
.LBB2_17:
0xbc: {  	s26 =	sadd.s32 $0x1, s26  }
0xbd: {  	p1 =	seq.s32 s26, $0x0  }
.Ltmp11:
0xbe: {  	_ = 	snop;
	(pc) =	sbr.rel @p1 .LBB2_18-.Ltmp11, $2  }
0xbf: {  	_ =	sdelay $0x2  }
0xc0: {  	s23 =	sadd.s32 $0x1, s23;
	s25 =	sadd.s32 $0x80, s25;
	s29 =	smov.u32 s30  }
.LBB2_12:
0xc1: {  	v1 =	vld.msk [tilespmem:s23+$0x0], $0x1;
	_ =	sdelay $0x4  }
0xc2: {  	(v2sf) =	vpush v1, $0x0;
	_ =	sdelay $0xe  }
0xc3: {  	s30 =	spop (v2sf)  }
0xc4: {  	p1 =	sne.s32 s29, s30  }
.Ltmp12:
0xc5: {  	_ = 	snop;
	(pc) =	sbr.rel @!p1 .LBB2_13-.Ltmp12, $2  }
0xc6: {  	_ =	sdelay $0x2  }
0xc7: {  	s0 =	sshll.u32 s22, $0x9  }
0xc8: {  	p1 =	seq.s32 s29, s24  }
.Ltmp13:
0xc9: {  	_ = 	snop;
	(pc) =	sbr.rel @!p1 .LBB2_15-.Ltmp13, $1  }
0xca: {  	_ =	sdelay $0x3  }
0xcb: {  	s0 =	sshra.s32 s0, $0x2  }
.Ltmp14:
0xcc: {  	s0 =	sadd.s32 $0x108, s0;
	(pc) =	sbr.rel .LBB2_16-.Ltmp14, $4  }
0xcd: {  	[spmem:s16] =	stream.linear.scatter [tilespmem:s0], [sflag:$0x1], $0x80, $0x38;
	[tilespmem:$0x1F6F8] =	vst v63  }
0xce: {  	_ =	swait.ge [sflag:s12], $0x80  }
0xcf: {  	[sflag:s12] =	ssyncset.done $0x0  }
0xd0: {  	[sflag:s12] =	ssyncadd.s32 $0xFFFFFF80  }
.LBB2_15:
0xd1: {  	s2 =	sshll.u32 s28, $0x9  }
0xd2: {  	s2 =	sshra.s32 s2, $0x2  }
0xd3: {  	v1 =	vld [tilespmem:s2+$0x7988];
	_ =	sdelay $0x3  }
0xd4: {  	s0 =	sshra.s32 s0, $0x2  }
0xd5: {  	[tilespmem:s0+$0x108] =	vst.add.f32.msk $0xffff, v1  }
0xd6: {  	v1 =	vld [tilespmem:s2+$0x7998];
	_ =	sdelay $0x4  }
0xd7: {  	[tilespmem:s0+$0x118] =	vst.add.f32.msk $0xffff, v1  }
0xd8: {  	v1 =	vld [tilespmem:s2+$0x79A8];
	_ =	sdelay $0x4  }
0xd9: {  	[tilespmem:s0+$0x128] =	vst.add.f32.msk $0xffff, v1  }
0xda: {  	v1 =	vld [tilespmem:s2+$0x79B8];
	_ =	sdelay $0x4  }
0xdb: {  	[tilespmem:s0+$0x138] =	vst.add.f32.msk $0xffff, v1  }
0xdc: {  	v1 =	vld [tilespmem:s2+$0x79C8];
	_ =	sdelay $0x4  }
0xdd: {  	[tilespmem:s0+$0x148] =	vst.add.f32.msk $0xffff, v1  }
0xde: {  	v1 =	vld [tilespmem:s2+$0x79D8];
	_ =	sdelay $0x4  }
0xdf: {  	[tilespmem:s0+$0x158] =	vst.add.f32.msk $0xffff, v1  }
0xe0: {  	v1 =	vld [tilespmem:s2+$0x79E8];
	_ =	sdelay $0x4  }
0xe1: {  	[tilespmem:s0+$0x168] =	vst.add.f32.msk $0xffff, v1  }
0xe2: {  	v1 =	vld [tilespmem:s2+$0x79F8];
	_ =	sdelay $0x2  }
0xe3: {  	p1 =	sgt.u32 s29, $0x18FFF0  }
0xe4: {  	s2 =	sand.u32 @!p1 $0x1FFFF8, s29  }
0xe5: {  	s3 =	sadd.s32 $0x108, s0;
	[tilespmem:s0+$0x178] =	vst.add.f32.msk $0xffff, v1;
	s0 =	sadd.s32 @!p1 s1, s2;
	s2 =	sand.u32 @!p1 $0x7, s29  }
0xe6: {  	[hbm4b:s0+s2] =	stream.linear.scatter @!p1 [tilespmem:s3], [sflag:$0xC], $0x80, $0x38;
	[tilespmem:$0x1F6F8] =	vst v63  }
0xe7: {  	s0 =	simm.s32 $0x0  }
0xe8: {  	s0 =	simm.s32 @!p1 $0x200  }
0xe9: {  	s31 =	sadd.s32 s0, s31  }
.LBB2_16:
0xea: {  	s0 =	sadd.s32 $0x1, s22  }
0xeb: {  	s2 =	smulhi.u32 $0x88888889, s0;
	_ =	sdelay $0x1  }
0xec: {  	v1 =	vld [tilespmem:s25+$0xFFFFFFC0];
	s2 =	sshrl.u32 s2, $0x7  }
0xed: {  	s2 =	smul.u32 $0xF0, s2;
	_ =	sdelay $0x1  }
0xee: {  	s22 =	ssub.s32 s0, s2  }
0xef: {  	s0 =	sshll.u32 s22, $0x7  }
0xf0: {  	[tilespmem:s0+$0x108] =	vst v1  }
0xf1: {  	v1 =	vld [tilespmem:s25+$0xFFFFFFD0];
	_ =	sdelay $0x4  }
0xf2: {  	[tilespmem:s0+$0x118] =	vst v1  }
0xf3: {  	v1 =	vld [tilespmem:s25+$0xFFFFFFE0];
	_ =	sdelay $0x4  }
0xf4: {  	[tilespmem:s0+$0x128] =	vst v1  }
0xf5: {  	v1 =	vld [tilespmem:s25+$0xFFFFFFF0];
	_ =	sdelay $0x4  }
0xf6: {  	[tilespmem:s0+$0x138] =	vst v1  }
0xf7: {  	v1 =	vld [tilespmem:s25+$0x0];
	_ =	sdelay $0x4  }
0xf8: {  	[tilespmem:s0+$0x148] =	vst v1  }
0xf9: {  	v1 =	vld [tilespmem:s25+$0x10];
	_ =	sdelay $0x4  }
0xfa: {  	[tilespmem:s0+$0x158] =	vst v1  }
0xfb: {  	v1 =	vld [tilespmem:s25+$0x20];
	_ =	sdelay $0x4  }
0xfc: {  	[tilespmem:s0+$0x168] =	vst v1  }
0xfd: {  	v1 =	vld [tilespmem:s25+$0x30]  }
.Ltmp15:
0xfe: {  	_ = 	snop;
	(pc) =	sbr.rel .LBB2_17-.Ltmp15, $2  }
0xff: {  	_ =	sdelay $0x2  }
0x100: {  	s28 =	sadd.s32 $0x1, s28;
	[tilespmem:s0+$0x178] =	vst v1  }
.LBB2_19:
.Ltmp16:
0x101: {  	(pc) =	sbr.rel .LBB2_20-.Ltmp16, $4  }
0x102: {  	_ = 	snop  }
0x103: {  	s0 =	simm.s32 $0x2  }
0x104: {  	_ =	swait.ge [sflag:s0], $0x0  }
0x105: {  	s30 =	smov.u32 s29;
	[sflag:s0] =	ssyncset.done $0x0;
	s0 =	simm.s32 $0x0  }
.LBB2_22:
0x106: {  	_ =	sfence.sel $0x180000  }
0x107: {  	s0 =	simm.s32 $0x9;
	[bflag:$0x0] =	sbarrier.arrive $0xFFFF  }
0x108: {  	s24 =	simm.s32 $0xA;
	[sflag:s0] =	ssyncpa.u1 $0x1  }
0x109: {  	s25 =	simm.s32 $0xB;
	[sflag:s24] =	ssyncpa.u1 $0x1  }
0x10a: {  	s26 =	simm.s32 $0x2;
	[sflag:s25] =	ssyncpa.u1 $0x1  }
0x10b: {  	[sflag:s26] =	ssyncpa.u1 $0x1  }
0x10c: {  	v0 =	vld [tilespmem:$0xF208];
	_ =	sdelay $0x4  }
0x10d: {  	(v2sf) =	vpush v0, $0x0  }
0x10e: {  	(v2sf) =	vpush v0, $0x1;
	_ =	sdelay $0x1  }
0x10f: {  	(v2sf) =	vpush v0, $0x2;
	_ =	sdelay $0xb  }
0x110: {  	s0 =	spop (v2sf)  }
0x111: {  	s2 =	spop (v2sf)  }
0x112: {  	s3 =	smov.u32 s0;
	p0 =	sne.s32 s0, s2  }
0x113: {  	s4 =	spop (v2sf);
	s3 =	simm.s32 @!p0 $0xFFFFFFFF  }
0x114: {  	v2 =	vimm.s32 $0x1;
	v3 =	vlaneseq.u32;
	p0 =	seq.s32 s4, $0xFFFFFFFF;
	v1 =	vmov s3  }
0x115: {  	s16 =	stileid.u32;
	v0 =	vperm.xlane v0, v2;
	p1 =	sne.s32 @!p0 s0, s2;
	v1 =	vperm.xlane v1, v3  }
0x116: {  	vm0 =	vcmask $0x3F04;
	s6 =	simm.s32 $0xF208;
	s0 =	simm.s32 @!p0 $0x1;
	p1 =	por !p1, p0  }
0x117: {  	s3 =	sshll.u32 s16, $0x1;
	s2 =	sshll.u32 @!p0 s4, $0x9;
	s0 =	simm.s32 @p1 $0x0;
	v0 =	vsel vm0, v1, v0  }
0x118: {  	s5 =	sor.u32 $0x1000, s3;
	s2 =	sshra.s32 @!p0 s2, $0x2;
	s0 =	sor.u32 @!p0 s0, s3;
	[tilespmem:$0xF208] =	vst v0  }
0x119: {  	[spmem:s5] =	stream.linear.scatter [tilespmem:s6], [sflag:$0x1], $0x2, $0x38;
	[tilespmem:$0x1F6F8] =	vst v63  }
0x11a: {  	s2 =	sadd.s32 @!p0 $0x108, s2;
	s0 =	sshll.u32 @!p0 s0, $0x7  }
0x11b: {  	[spmem:s0] =	stream.linear.scatter @!p0 [tilespmem:s2], [sflag:$0x1], $0x80, $0x38;
	[tilespmem:$0x1F6F8] =	vst v63  }
0x11c: {  	s0 =	simm.s32 @!p0 $0x82  }
0x11d: {  	s28 =	simm.s32 $0x1;
	s0 =	simm.s32 @p0 $0x2  }
0x11e: {  	_ =	swait.ge [sflag:s28], s0  }
0x11f: {  	s0 =	ssub.s32 $0x0, s0;
	[sflag:s28] =	ssyncset.done $0x0  }
0x120: {  	p0 =	sne.s32 s16, $0x0;
	[sflag:s28] =	ssyncadd.s32 s0  }
.Ltmp17:
0x121: {  	_ =	sfence.stream.spmem;
	(pc) =	sbr.rel @p0 .LBB2_39-.Ltmp17, $4  }
0x122: {  	s29 =	simm.s32 $0x3;
	[bflag:$0x0] =	sbarrier.arrive $0xFFFF  }
0x123: {  	s30 =	simm.s32 $0x4;
	[sflag:s29] =	ssyncpa.u1 $0x1  }
0x124: {  	s31 =	simm.s32 $0x3C;
	[sflag:s30] =	ssyncpa.u1 $0x1  }
0x125: {  	s15 =	rddreg [dreg:$0x4];
	[sflag:s31] =	ssyncpa.u1 $0x1  }
0x126: {  	_ =	sfence.stream.spmem;
	s0 =	simm.s32 $0x5  }
0x127: {  	s2 =	simm.s32 $0x1000;
	s3 =	simm.s32 $0xF218;
	[sflag:s0] =	ssyncpa.u1 $0x0  }
0x128: {  	[tilespmem:s3], [sflag:$0x5] =	stream.linear.gather [spmem:s2], $0x20, $0x38;
	[tilespmem:$0x1F6F8] =	vst v63  }
0x129: {  	s26 =	simm.s32 $0x0;
	s28 =	simm.s32 $0xF238  }
0x12a: {  	[tilespmem:s28], [sflag:$0x5] =	stream.linear.gather [spmem:s26], $0x1000, $0x38;
	[tilespmem:$0x1F6F8] =	vst v63  }
0x12b: {  	_ =	swait.ge [sflag:s0], $0x1020  }
0x12c: {  	[sflag:s0] =	ssyncset.done $0x0  }
0x12d: {  	s29 =	simm.s32 $0x0;
	[sflag:s0] =	ssyncadd.s32 $0xFFFFEFE0  }
0x12e: {  	v0 =	vld.msk [tilespmem:s29+$0xF218], $0x1;
	_ =	sdelay $0x1  }
0x12f: {  	s30 =	simm.s32 $0x1  }
0x130: {  	v1 =	vld.msk [tilespmem:s30+$0xF218], $0x1;
	_ =	sdelay $0x1  }
0x131: {  	(v2sf) =	vpush v0, $0x0;
	_ =	sdelay $0x2  }
0x132: {  	(v2sf) =	vpush v1, $0x0;
	_ =	sdelay $0x2  }
0x133: {  	s31 =	simm.s32 $0x2  }
0x134: {  	v0 =	vld.msk [tilespmem:s31+$0xF218], $0x1;
	_ =	sdelay $0x2  }
0x135: {  	s4 =	simm.s32 $0xFFFFFFFF;
	s5 =	simm.s32 $0xFFFFFFFF;
	s0 =	simm.s32 $0xC  }
.LBB2_24:
0x136: {  	s2 =	smov.u32 s5;
	s3 =	smov.u32 s4  }
0x137: {  	s4 =	sshra.s32 s0, $0x2;
	p1 =	sne.s32 s0, $0x7C;
	s0 =	sadd.s32 $0x4, s0;
	(v2sf) =	vpush v0, $0x0  }
0x138: {  	v0 =	vld.msk [tilespmem:s4+$0xF218], $0x1  }
.Ltmp18:
0x139: {  	(pc) =	sbr.rel @p1 .LBB2_24-.Ltmp18, $4  }
0x13a: {  	s5 =	spop (v2sf)  }
0x13b: {  	p2 =	sne.s32 s3, $0xFFFFFFFF;
	s4 =	smov.u32 s5  }
0x13c: {  	p3 =	seq.s32 s5, $0xFFFFFFFF;
	s4 =	smov.u32 @p2 s3  }
0x13d: {  	s5 =	smov.u32 @p3 s2;
	s4 =	smov.u32 @p3 s3  }
0x13e: {  	(v2sf) =	vpush v0, $0x0;
	_ =	sdelay $0x8  }
0x13f: {  	s0 =	spop (v2sf)  }
0x140: {  	p1 =	sne.s32 s4, $0xFFFFFFFF;
	s2 =	smov.u32 s0  }
0x141: {  	s9 =	simm.s32 $0x6;
	p2 =	seq.s32 s0, $0xFFFFFFFF;
	s2 =	smov.u32 @p1 s4  }
0x142: {  	s6 =	simm.s32 $0x0;
	s2 =	smov.u32 @p2 s4;
	s3 =	spop (v2sf)  }
0x143: {  	s0 =	smov.u32 @p2 s5;
	p1 =	sne.s32 s2, $0xFFFFFFFF;
	s4 =	smov.u32 s3  }
.Ltmp19:
0x144: {  	p2 =	seq.s32 s3, $0xFFFFFFFF;
	s4 =	smov.u32 @p1 s2;
	(pc) =	sbr.rel .LBB2_26-.Ltmp19, $4  }
0x145: {  	s10 =	simm.s32 $0xF188;
	s4 =	smov.u32 @p2 s2;
	s7 =	spop (v2sf)  }
0x146: {  	s11 =	simm.s32 $0x0;
	p1 =	sne.s32 s4, $0xFFFFFFFF;
	s8 =	smov.u32 s7  }
0x147: {  	s3 =	smov.u32 @p2 s0;
	p2 =	seq.s32 s7, $0xFFFFFFFF;
	s8 =	smov.u32 @p1 s4  }
0x148: {  	[sflag:s9] =	ssyncpa.u1 $0x0;
	s7 =	smov.u32 @p2 s3;
	s8 =	smov.u32 @p2 s4  }
.LBB2_32:
0x149: {  	p1 =	sgt.u32 s12, $0x18FFF0  }
0x14a: {  	p2 =	seq.s32 @!p1 s12, s8  }
0x14b: {  	p1 =	por p1, p2  }
0x14c: {  	p2 =	sne.s32 @!p1 s12, s7  }
0x14d: {  	p1 =	por p1, !p2  }
0x14e: {  	s0 =	sshll.u32 @p1 s11, $0x9  }
0x14f: {  	s0 =	sand.u32 @!p1 $0x1FFFF8, s12  }
0x150: {  	s2 =	sand.u32 @!p1 $0x7, s12;
	s0 =	sadd.s32 @!p1 s1, s0  }
0x151: {  	[tilespmem:s10], [sflag:$0x6] =	stream.linear.gather @!p1 [hbm4b:s0+s2], $0x80, $0x38;
	[tilespmem:$0x1F6F8] =	vst v63  }
0x152: {  	_ =	swait.ge @!p1 [sflag:s9], $0x80  }
0x153: {  	[sflag:s9] =	ssyncset.done @!p1 $0x0  }
0x154: {  	[sflag:s9] =	ssyncadd.s32 @!p1 $0xFFFFFF80  }
0x155: {  	v1 =	vld @!p1 [tilespmem:$0xF188];
	_ =	sdelay $0x2  }
0x156: {  	s0 =	sshll.u32 @!p1 s11, $0x9  }
0x157: {  	s2 =	sshrl.u32 @!p1 s0, $0x2  }
0x158: {  	[tilespmem:s2+$0xF238] =	vst.add.f32.msk @!p1 $0xffff, v1  }
0x159: {  	v1 =	vld @!p1 [tilespmem:$0xF198];
	_ =	sdelay $0x4  }
0x15a: {  	[tilespmem:s2+$0xF248] =	vst.add.f32.msk @!p1 $0xffff, v1  }
0x15b: {  	v1 =	vld @!p1 [tilespmem:$0xF1A8];
	_ =	sdelay $0x4  }
0x15c: {  	[tilespmem:s2+$0xF258] =	vst.add.f32.msk @!p1 $0xffff, v1  }
0x15d: {  	v1 =	vld @!p1 [tilespmem:$0xF1B8];
	_ =	sdelay $0x4  }
0x15e: {  	[tilespmem:s2+$0xF268] =	vst.add.f32.msk @!p1 $0xffff, v1  }
0x15f: {  	v1 =	vld @!p1 [tilespmem:$0xF1C8];
	_ =	sdelay $0x4  }
0x160: {  	[tilespmem:s2+$0xF278] =	vst.add.f32.msk @!p1 $0xffff, v1  }
0x161: {  	v1 =	vld @!p1 [tilespmem:$0xF1D8];
	_ =	sdelay $0x4  }
0x162: {  	[tilespmem:s2+$0xF288] =	vst.add.f32.msk @!p1 $0xffff, v1  }
0x163: {  	v1 =	vld @!p1 [tilespmem:$0xF1E8];
	_ =	sdelay $0x4  }
0x164: {  	[tilespmem:s2+$0xF298] =	vst.add.f32.msk @!p1 $0xffff, v1  }
0x165: {  	v1 =	vld @!p1 [tilespmem:$0xF1F8];
	_ =	sdelay $0x4  }
0x166: {  	[tilespmem:s2+$0xF2A8] =	vst.add.f32.msk @!p1 $0xffff, v1  }
0x167: {  	s0 =	sshrl.u32 s0, $0x2;
	[tilespmem:s6+$0xF218] =	vst.msk $0x1, v0  }
0x168: {  	v0 =	vld [tilespmem:s0+$0xF238];
	_ =	sdelay $0x2  }
0x169: {  	s31 =	sshll.u32 s6, $0x9  }
0x16a: {  	s2 =	sshra.s32 s31, $0x2  }
0x16b: {  	[tilespmem:s2+$0xF238] =	vst v0  }
0x16c: {  	v0 =	vld [tilespmem:s0+$0xF248];
	_ =	sdelay $0x4  }
0x16d: {  	[tilespmem:s2+$0xF248] =	vst v0  }
0x16e: {  	v0 =	vld [tilespmem:s0+$0xF258];
	_ =	sdelay $0x4  }
0x16f: {  	[tilespmem:s2+$0xF258] =	vst v0  }
0x170: {  	v0 =	vld [tilespmem:s0+$0xF268];
	_ =	sdelay $0x4  }
0x171: {  	[tilespmem:s2+$0xF268] =	vst v0  }
0x172: {  	v0 =	vld [tilespmem:s0+$0xF278];
	_ =	sdelay $0x4  }
0x173: {  	[tilespmem:s2+$0xF278] =	vst v0  }
0x174: {  	v0 =	vld [tilespmem:s0+$0xF288];
	_ =	sdelay $0x4  }
0x175: {  	[tilespmem:s2+$0xF288] =	vst v0  }
0x176: {  	v0 =	vld [tilespmem:s0+$0xF298];
	_ =	sdelay $0x4  }
0x177: {  	[tilespmem:s2+$0xF298] =	vst v0  }
0x178: {  	v0 =	vld [tilespmem:s0+$0xF2A8];
	_ =	sdelay $0x4  }
0x179: {  	s6 =	sadd.s32 $0x1, s6;
	[tilespmem:s2+$0xF2A8] =	vst v0  }
.LBB2_33:
0x17a: {  	s11 =	sadd.s32 $0x1, s11  }
0x17b: {  	p1 =	sne.s32 s11, $0x20  }
.Ltmp20:
0x17c: {  	_ = 	snop;
	(pc) =	sbr.rel @!p1 .LBB2_34-.Ltmp20, $1  }
0x17d: {  	_ =	sdelay $0x3  }
.LBB2_26:
0x17e: {  	v0 =	vld.msk [tilespmem:s11+$0xF218], $0x1;
	_ =	sdelay $0x4  }
0x17f: {  	(v2sf) =	vpush v0, $0x0;
	_ =	sdelay $0xe  }
0x180: {  	s12 =	spop (v2sf)  }
0x181: {  	p1 =	seq.s32 s12, $0xFFFFFFFF  }
.Ltmp21:
0x182: {  	_ = 	snop;
	(pc) =	sbr.rel @p1 .LBB2_33-.Ltmp21, $1  }
0x183: {  	_ =	sdelay $0x3  }
0x184: {  	p1 =	slt.s32 s6, $0x1  }
.Ltmp22:
0x185: {  	_ = 	snop;
	(pc) =	sbr.rel @p1 .LBB2_32-.Ltmp22, $1  }
0x186: {  	_ =	sdelay $0x3  }
0x187: {  	s13 =	simm.s32 $0xF218;
	p1 =	por $0x0, $0x0  }
0x188: {  	v1 =	vld.msk @!p1 [tilespmem:s13+$0x0], $0x1;
	_ =	sdelay $0x4  }
0x189: {  	(v2sf) =	vpush @!p1 v1, $0x0;
	_ =	sdelay $0xd  }
0x18a: {  	p3 =	sne.s32 s6, $0x1  }
.Ltmp23:
0x18b: {  	s0 =	spop @!p1 (v2sf);
	(pc) =	sbr.rel @!p3 .LBB2_30-.Ltmp23, $4  }
0x18c: {  	p2 =	seq.s32 @!p1 s12, s0  }
0x18d: {  	s14 =	simm.s32 $0x0;
	p2 =	por !p2, p1  }
0x18e: {  	s2 =	simm.s32 $0xFFFFFFFF;
	s14 =	simm.s32 @p2 $0xFFFFFFFF  }
0x18f: {  	s0 =	simm.s32 $0x1;
	s14 =	smov.u32 @p1 s2  }
.LBB2_29:
0x190: {  	s2 =	smov.u32 s14;
	p1 =	sne.s32 s14, $0xFFFFFFFF  }
0x191: {  	s13 =	sadd.s32 $0x1, s13;
	s14 =	smov.u32 s0;
	s0 =	sadd.s32 $0x1, s0  }
0x192: {  	p2 =	sne.s32 s6, s0;
	v1 =	vld.msk @!p1 [tilespmem:s13+$0x0], $0x1;
	_ =	sdelay $0x4  }
0x193: {  	(v2sf) =	vpush @!p1 v1, $0x0;
	_ =	sdelay $0xe  }
.Ltmp24:
0x194: {  	s3 =	spop @!p1 (v2sf);
	(pc) =	sbr.rel @p2 .LBB2_29-.Ltmp24, $4  }
0x195: {  	p3 =	seq.s32 @!p1 s12, s3  }
0x196: {  	p3 =	por !p3, p1  }
0x197: {  	s14 =	simm.s32 @p3 $0xFFFFFFFF  }
0x198: {  	s14 =	smov.u32 @p1 s2  }
.LBB2_30:
0x199: {  	p1 =	seq.s32 s14, $0xFFFFFFFF  }
.Ltmp25:
0x19a: {  	_ = 	snop;
	(pc) =	sbr.rel @p1 .LBB2_32-.Ltmp25, $1  }
0x19b: {  	_ =	sdelay $0x3  }
0x19c: {  	s0 =	sshll.u32 s11, $0x7  }
0x19d: {  	s0 =	sand.u32 $0x3FFFFF80, s0  }
0x19e: {  	v0 =	vld [tilespmem:s0+$0xF238];
	_ =	sdelay $0x2  }
0x19f: {  	s2 =	sshll.u32 s14, $0x9  }
0x1a0: {  	s2 =	sshra.s32 s2, $0x2  }
0x1a1: {  	[tilespmem:s2+$0xF238] =	vst.add.f32.msk $0xffff, v0  }
0x1a2: {  	v0 =	vld [tilespmem:s0+$0xF248];
	_ =	sdelay $0x4  }
0x1a3: {  	[tilespmem:s2+$0xF248] =	vst.add.f32.msk $0xffff, v0  }
0x1a4: {  	v0 =	vld [tilespmem:s0+$0xF258];
	_ =	sdelay $0x4  }
0x1a5: {  	[tilespmem:s2+$0xF258] =	vst.add.f32.msk $0xffff, v0  }
0x1a6: {  	v0 =	vld [tilespmem:s0+$0xF268];
	_ =	sdelay $0x4  }
0x1a7: {  	[tilespmem:s2+$0xF268] =	vst.add.f32.msk $0xffff, v0  }
0x1a8: {  	v0 =	vld [tilespmem:s0+$0xF278];
	_ =	sdelay $0x4  }
0x1a9: {  	[tilespmem:s2+$0xF278] =	vst.add.f32.msk $0xffff, v0  }
0x1aa: {  	v0 =	vld [tilespmem:s0+$0xF288];
	_ =	sdelay $0x4  }
0x1ab: {  	[tilespmem:s2+$0xF288] =	vst.add.f32.msk $0xffff, v0  }
0x1ac: {  	v0 =	vld [tilespmem:s0+$0xF298];
	_ =	sdelay $0x4  }
0x1ad: {  	[tilespmem:s2+$0xF298] =	vst.add.f32.msk $0xffff, v0  }
0x1ae: {  	v0 =	vld [tilespmem:s0+$0xF2A8]  }
.Ltmp26:
0x1af: {  	_ = 	snop;
	(pc) =	sbr.rel .LBB2_33-.Ltmp26, $2  }
0x1b0: {  	_ =	sdelay $0x2  }
0x1b1: {  	[tilespmem:s2+$0xF2A8] =	vst.add.f32.msk $0xffff, v0  }
.LBB2_34:
0x1b2: {  	s0 =	simm.s32 $0x6;
	p1 =	seq.s32 s6, $0x0  }
0x1b3: {  	[sflag:s0] =	ssyncpa.u1 $0x1;
	v0 =	vimm.s32 @p1 $0xFFFFFFFF  }
0x1b4: {  	s9 =	sadd.s32 $0xFFFFFFFF, s6;
	[tilespmem:$0x10238] =	vst @p1 v0  }
0x1b5: {  	v0 =	vld.msk @!p1 [tilespmem:s9+$0xF218], $0x1;
	_ =	sdelay $0x1  }
0x1b6: {  	v1 =	vld.msk @!p1 [tilespmem:$0xF218], $0x1;
	_ =	sdelay $0x2  }
0x1b7: {  	p2 =	seq.s32 @!p1 s9, $0x0;
	v0 =	vbroadcast @!p1 v0, $0x0  }
0x1b8: {  	vm0 =	vmmov @!p1 $0x1;
	p2 =	por !p2, p1  }
0x1b9: {  	v1 =	vnsel @!p1 vm0, $0xFFFFFFFF, v1;
	vm0 =	vcmask @!p1 $0x308;
	v0 =	vpsel !p2, $0xFFFFFFFF, v0  }
0x1ba: {  	p2 =	sne.s32 @!p1 s8, s7;
	v0 =	vsel @!p1 vm0, v1, v0  }
0x1bb: {  	s0 =	simm.s32 @!p1 $0xF238;
	s2 =	simm.s32 @!p1 $0x0;
	p3 =	por !p2, p1;
	[tilespmem:$0x10238] =	vst @!p1 v0  }
0x1bc: {  	[spmem:s2] =	stream.linear.scatter @!p1 [tilespmem:s0], [sflag:$0x1], $0x80, $0x38;
	[tilespmem:$0x1F6F8] =	vst v63  }
0x1bd: {  	s0 =	sshll.u32 @!p3 s9, $0x9  }
0x1be: {  	s0 =	sshra.s32 @!p3 s0, $0x2  }
0x1bf: {  	s2 =	simm.s32 @!p3 $0x80;
	s0 =	sadd.s32 @!p3 $0xF238, s0  }
0x1c0: {  	[spmem:s2] =	stream.linear.scatter @!p3 [tilespmem:s0], [sflag:$0x1], $0x80, $0x38;
	[tilespmem:$0x1F6F8] =	vst v63  }
0x1c1: {  	s0 =	simm.s32 @!p3 $0x1  }
0x1c2: {  	_ =	swait.ge @!p3 [sflag:s0], $0x100  }
0x1c3: {  	p1 =	por p2, p1;
	[sflag:s0] =	ssyncset.done @!p3 $0x0  }
0x1c4: {  	[sflag:s0] =	ssyncadd.s32 @!p3 $0xFFFFFF00;
	s0 =	simm.s32 @!p1 $0x1  }
0x1c5: {  	_ =	swait.ge @!p1 [sflag:s0], $0x80  }
0x1c6: {  	s29 =	simm.s32 $0x10238;
	[sflag:s0] =	ssyncset.done @!p1 $0x0  }
0x1c7: {  	s30 =	simm.s32 $0x1000;
	s31 =	simm.s32 $0x1;
	[sflag:s0] =	ssyncadd.s32 @!p1 $0xFFFFFF80  }
0x1c8: {  	[spmem:s30] =	stream.linear.scatter [tilespmem:s29], [sflag:$0x1], $0x10, $0x38;
	[tilespmem:$0x1F6F8] =	vst v63  }
0x1c9: {  	_ =	swait.ge [sflag:s31], $0x10  }
0x1ca: {  	[sflag:s31] =	ssyncset.done $0x0  }
0x1cb: {  	p1 =	seq.s32 s15, $0x0;
	s8 =	rddreg [dreg:$0x1];
	[sflag:s31] =	ssyncadd.s32 $0xFFFFFFF0  }
0x1cc: {  	s2 =	sshll.u32 @p1 s8, $0xE;
	s7 =	rddreg [dreg:$0x2]  }
0x1cd: {  	s0 =	sadd.s32 @p1 $0x15C3C, s2;
	s2 =	sshll.u32 @p1 s7, $0x11  }
0x1ce: {  	_ =	sfence.stream.spmem;
	s0 =	sor.u32 @p1 s2, s0  }
0x1cf: {  	[sflag:s0] =	ssyncadd.remote.s32 @p1 $0x1;
	s0 =	simm.s32 @p1 $0x4  }
0x1d0: {  	s3 =	simm.s32 @!p1 $0x3C;
	s2 =	sand.u32 $0xFFFFFFFE, s8;
	_ =	swait.ge @p1 [sflag:s0], $0x22  }
0x1d1: {  	s4 =	simm.s32 @!p1 $0x0;
	s2 =	sadd.s32 @!p1 $0x4, s2;
	[sflag:s0] =	ssyncset.done @p1 $0x0  }
0x1d2: {  	s5 =	simm.s32 @!p1 $0x100;
	[sflag:s0] =	ssyncadd.s32 @p1 $0xFFFFFFDE;
	s0 =	sshll.u32 @!p1 s2, $0x1A  }
0x1d3: {  	s2 =	sshll.u32 @!p1 s2, $0xD;
	s0 =	sor.u32 @!p1 s0, s7;
	_ =	swait.eq @!p1 [sflag:s3], $0x1  }
0x1d4: {  	s2 =	sor.u32 @!p1 $0x1C04, s2;
	s3 =	simm.s32 @!p1 $0x1C03;
	s0 =	sor.u32 @!p1 $0x80004000, s0  }
0x1d5: {  	[spmem:s5], [sflag:s2] =	dma.general @!p1 [spmem:s4], [sflag:s3], length:$0x20, [dreg:$0x0], stride_count:$0x0, ici_dest:s0, dma_misc:DstOpCode:WRITE  }
0x1d6: {  	p2 =	slt.s32 s9, $0x2;
	s4 =	simm.s32 @!p1 $0x200;
	s5 =	simm.s32 @!p1 $0x202  }
0x1d7: {  	[spmem:s5], [sflag:s2] =	dma.general @!p1 [spmem:s4], [sflag:s3], length:$0x2, [dreg:$0x0], stride_count:$0x0, ici_dest:s0, dma_misc:DstOpCode:WRITE  }
.Ltmp27:
0x1d8: {  	s0 =	simm.s32 @!p1 $0x3;
	(pc) =	sbr.rel @p2 .LBB2_38-.Ltmp27, $4  }
0x1d9: {  	s2 =	sshll.u32 @!p1 s8, $0xE;
	_ =	swait.ge @!p1 [sflag:s0], $0x22  }
0x1da: {  	s3 =	sshll.u32 @!p1 s7, $0x11;
	s2 =	sadd.s32 @!p1 $0x11C3C, s2;
	[sflag:s0] =	ssyncset.done @!p1 $0x0  }
0x1db: {  	[sflag:s0] =	ssyncadd.s32 @!p1 $0xFFFFFFDE;
	s0 =	sor.u32 @!p1 s3, s2  }
0x1dc: {  	[sflag:s0] =	ssyncadd.remote.s32 @!p1 $0xFFFFFFFF;
	s0 =	simm.s32 $0x0  }
0x1dd: {  	s0 =	simm.s32 $0xF219  }
0x1de: {  	v0 =	vld.msk [tilespmem:s0+$0x0], $0x1;
	_ =	sdelay $0x4  }
0x1df: {  	(v2sf) =	vpush v0, $0x0;
	_ =	sdelay $0xb  }
0x1e0: {  	s31 =	sadd.s32 $0xFFFFFFFE, s6  }
0x1e1: {  	s0 =	sadd.s32 $0xFFFFFFFF, s31  }
0x1e2: {  	p2 =	sne.s32 s0, $0x0  }
.Ltmp28:
0x1e3: {  	s2 =	spop (v2sf);
	(pc) =	sbr.rel @!p2 .LBB2_37-.Ltmp28, $4  }
0x1e4: {  	s4 =	simm.s32 $0xF2B8;
	s7 =	simm.s32 $0x0;
	p1 =	sgt.u32 s2, $0x18FFF0  }
0x1e5: {  	s5 =	simm.s32 $0x0;
	s6 =	simm.s32 $0xF21A;
	s3 =	sand.u32 @!p1 $0x1FFFF8, s2  }
0x1e6: {  	s2 =	sand.u32 @!p1 $0x7, s2;
	s7 =	simm.s32 @!p1 $0x200;
	s3 =	sadd.s32 @!p1 s1, s3  }
0x1e7: {  	[hbm4b:s3+s2] =	stream.linear.scatter @!p1 [tilespmem:s4], [sflag:$0x5], $0x80, $0x38;
	[tilespmem:$0x1F6F8] =	vst v63  }
.LBB2_36:
0x1e8: {  	v0 =	vld.msk [tilespmem:s6+$0x0], $0x1;
	s0 =	sadd.s32 $0xFFFFFFFF, s0;
	s5 =	sadd.s32 s5, s7  }
0x1e9: {  	p1 =	sne.s32 s0, $0x0;
	_ =	sdelay $0x3  }
0x1ea: {  	(v2sf) =	vpush v0, $0x0;
	_ =	sdelay $0xe  }
.Ltmp29:
0x1eb: {  	s2 =	spop (v2sf);
	(pc) =	sbr.rel @p1 .LBB2_36-.Ltmp29, $4  }
0x1ec: {  	s7 =	simm.s32 $0x0;
	p2 =	sgt.u32 s2, $0x18FFF0  }
0x1ed: {  	s4 =	sadd.s32 $0x80, s4;
	s7 =	simm.s32 @!p2 $0x200;
	s3 =	sand.u32 @!p2 $0x1FFFF8, s2  }
0x1ee: {  	s6 =	sadd.s32 $0x1, s6;
	s2 =	sand.u32 @!p2 $0x7, s2;
	s3 =	sadd.s32 @!p2 s1, s3  }
0x1ef: {  	[hbm4b:s3+s2] =	stream.linear.scatter @!p2 [tilespmem:s4], [sflag:$0x5], $0x80, $0x38;
	[tilespmem:$0x1F6F8] =	vst v63  }
.LBB2_37:
0x1f0: {  	s0 =	sadd.s32 s5, s7  }
0x1f1: {  	s0 =	sshrl.u32 s0, $0x2  }
.LBB2_38:
0x1f2: {  	s2 =	simm.s32 $0x5  }
0x1f3: {  	_ =	swait.ge [sflag:s2], s0  }
0x1f4: {  	s31 =	ssub.s32 $0x0, s0;
	[sflag:s2] =	ssyncset.done $0x0  }
0x1f5: {  	[sflag:s2] =	ssyncadd.s32 s31  }
0x1f6: {  	[sflag:s2] =	ssyncpa.u1 $0x1  }
.LBB2_39:
0x1f7: {  	s0 =	sor.u32 s15, s16  }
0x1f8: {  	p1 =	sne.s32 s0, $0x0  }
.Ltmp30:
0x1f9: {  	_ = 	snop;
	(pc) =	sbr.rel @p1 .LBB2_54-.Ltmp30, $3  }
0x1fa: {  	_ =	sdelay $0x1  }
0x1fb: {  	[bflag:$0x0] =	sbarrier.arrive $0xFFFF  }
0x1fc: {  	_ =	sfence  }
0x1fd: {  	s0 =	simm.s32 $0x7  }
0x1fe: {  	s2 =	simm.s32 $0x1000;
	s3 =	simm.s32 $0xF218;
	[sflag:s0] =	ssyncpa.u1 $0x0  }
0x1ff: {  	[tilespmem:s3], [sflag:$0x7] =	stream.linear.gather [spmem:s2], $0x20, $0x38;
	[tilespmem:$0x1F6F8] =	vst v63  }
0x200: {  	s30 =	simm.s32 $0xF238;
	s2 =	simm.s32 $0x0  }
0x201: {  	[tilespmem:s30], [sflag:$0x7] =	stream.linear.gather [spmem:s2], $0x1000, $0x38;
	[tilespmem:$0x1F6F8] =	vst v63  }
.Ltmp31:
0x202: {  	_ = 	snop;
	(pc) =	sbr.rel .LBB2_41-.Ltmp31, $4  }
0x203: {  	_ =	swait.ge [sflag:s0], $0x1020  }
0x204: {  	[sflag:s0] =	ssyncset.done $0x0  }
0x205: {  	s31 =	simm.s32 $0x8;
	[sflag:s0] =	ssyncadd.s32 $0xFFFFEFE0  }
0x206: {  	s3 =	simm.s32 $0x0;
	[sflag:s31] =	ssyncpa.u1 $0x0  }
.LBB2_47:
0x207: {  	p1 =	slt.u32 s4, $0x18FFF1  }
0x208: {  	s0 =	sand.u32 @p1 $0x1FFFF8, s4  }
0x209: {  	s4 =	sand.u32 @p1 $0x7, s4;
	s5 =	simm.s32 @p1 $0xF188;
	s0 =	sadd.s32 @p1 s1, s0  }
0x20a: {  	[tilespmem:s5], [sflag:$0x8] =	stream.linear.gather @p1 [hbm4b:s0+s4], $0x80, $0x38;
	[tilespmem:$0x1F6F8] =	vst v63  }
0x20b: {  	s0 =	simm.s32 @p1 $0x8  }
0x20c: {  	_ =	swait.ge @p1 [sflag:s0], $0x80  }
0x20d: {  	[sflag:s0] =	ssyncset.done @p1 $0x0  }
0x20e: {  	[sflag:s0] =	ssyncadd.s32 @p1 $0xFFFFFF80  }
0x20f: {  	v1 =	vld @p1 [tilespmem:$0xF188];
	_ =	sdelay $0x2  }
0x210: {  	s0 =	sshll.u32 @p1 s3, $0x9  }
0x211: {  	s4 =	sshrl.u32 @p1 s0, $0x2  }
0x212: {  	[tilespmem:s4+$0xF238] =	vst.add.f32.msk @p1 $0xffff, v1  }
0x213: {  	v1 =	vld @p1 [tilespmem:$0xF198];
	_ =	sdelay $0x4  }
0x214: {  	[tilespmem:s4+$0xF248] =	vst.add.f32.msk @p1 $0xffff, v1  }
0x215: {  	v1 =	vld @p1 [tilespmem:$0xF1A8];
	_ =	sdelay $0x4  }
0x216: {  	[tilespmem:s4+$0xF258] =	vst.add.f32.msk @p1 $0xffff, v1  }
0x217: {  	v1 =	vld @p1 [tilespmem:$0xF1B8];
	_ =	sdelay $0x4  }
0x218: {  	[tilespmem:s4+$0xF268] =	vst.add.f32.msk @p1 $0xffff, v1  }
0x219: {  	v1 =	vld @p1 [tilespmem:$0xF1C8];
	_ =	sdelay $0x4  }
0x21a: {  	[tilespmem:s4+$0xF278] =	vst.add.f32.msk @p1 $0xffff, v1  }
0x21b: {  	v1 =	vld @p1 [tilespmem:$0xF1D8];
	_ =	sdelay $0x4  }
0x21c: {  	[tilespmem:s4+$0xF288] =	vst.add.f32.msk @p1 $0xffff, v1  }
0x21d: {  	v1 =	vld @p1 [tilespmem:$0xF1E8];
	_ =	sdelay $0x4  }
0x21e: {  	[tilespmem:s4+$0xF298] =	vst.add.f32.msk @p1 $0xffff, v1  }
0x21f: {  	v1 =	vld @p1 [tilespmem:$0xF1F8];
	_ =	sdelay $0x3  }
0x220: {  	s5 =	sshll.u32 @!p1 s3, $0x9  }
0x221: {  	s5 =	smov.u32 @p1 s0;
	[tilespmem:s4+$0xF2A8] =	vst.add.f32.msk @p1 $0xffff, v1  }
0x222: {  	s0 =	sshrl.u32 s5, $0x2;
	[tilespmem:s2+$0xF218] =	vst.msk $0x1, v0  }
0x223: {  	v0 =	vld [tilespmem:s0+$0xF238];
	_ =	sdelay $0x2  }
0x224: {  	s31 =	sshll.u32 s2, $0x9  }
0x225: {  	s4 =	sshra.s32 s31, $0x2  }
0x226: {  	[tilespmem:s4+$0xF238] =	vst v0  }
0x227: {  	v0 =	vld [tilespmem:s0+$0xF248];
	_ =	sdelay $0x4  }
0x228: {  	[tilespmem:s4+$0xF248] =	vst v0  }
0x229: {  	v0 =	vld [tilespmem:s0+$0xF258];
	_ =	sdelay $0x4  }
0x22a: {  	[tilespmem:s4+$0xF258] =	vst v0  }
0x22b: {  	v0 =	vld [tilespmem:s0+$0xF268];
	_ =	sdelay $0x4  }
0x22c: {  	[tilespmem:s4+$0xF268] =	vst v0  }
0x22d: {  	v0 =	vld [tilespmem:s0+$0xF278];
	_ =	sdelay $0x4  }
0x22e: {  	[tilespmem:s4+$0xF278] =	vst v0  }
0x22f: {  	v0 =	vld [tilespmem:s0+$0xF288];
	_ =	sdelay $0x4  }
0x230: {  	[tilespmem:s4+$0xF288] =	vst v0  }
0x231: {  	v0 =	vld [tilespmem:s0+$0xF298];
	_ =	sdelay $0x4  }
0x232: {  	[tilespmem:s4+$0xF298] =	vst v0  }
0x233: {  	v0 =	vld [tilespmem:s0+$0xF2A8];
	_ =	sdelay $0x4  }
0x234: {  	s2 =	sadd.s32 $0x1, s2;
	[tilespmem:s4+$0xF2A8] =	vst v0  }
.LBB2_48:
0x235: {  	s3 =	sadd.s32 $0x1, s3  }
0x236: {  	p1 =	sne.s32 s3, $0x20  }
.Ltmp32:
0x237: {  	_ = 	snop;
	(pc) =	sbr.rel @!p1 .LBB2_49-.Ltmp32, $1  }
0x238: {  	_ =	sdelay $0x3  }
.LBB2_41:
0x239: {  	v0 =	vld.msk [tilespmem:s3+$0xF218], $0x1;
	_ =	sdelay $0x4  }
0x23a: {  	(v2sf) =	vpush v0, $0x0;
	_ =	sdelay $0xe  }
0x23b: {  	s4 =	spop (v2sf)  }
0x23c: {  	p1 =	seq.s32 s4, $0xFFFFFFFF  }
.Ltmp33:
0x23d: {  	_ = 	snop;
	(pc) =	sbr.rel @p1 .LBB2_48-.Ltmp33, $1  }
0x23e: {  	_ =	sdelay $0x3  }
0x23f: {  	p1 =	slt.s32 s2, $0x1  }
.Ltmp34:
0x240: {  	_ = 	snop;
	(pc) =	sbr.rel @p1 .LBB2_47-.Ltmp34, $1  }
0x241: {  	_ =	sdelay $0x3  }
0x242: {  	s5 =	simm.s32 $0xF218;
	p1 =	por $0x0, $0x0  }
0x243: {  	v1 =	vld.msk @!p1 [tilespmem:s5+$0x0], $0x1;
	_ =	sdelay $0x4  }
0x244: {  	(v2sf) =	vpush @!p1 v1, $0x0;
	_ =	sdelay $0xd  }
0x245: {  	p3 =	sne.s32 s2, $0x1  }
.Ltmp35:
0x246: {  	s0 =	spop @!p1 (v2sf);
	(pc) =	sbr.rel @!p3 .LBB2_45-.Ltmp35, $4  }
0x247: {  	p2 =	seq.s32 @!p1 s4, s0  }
0x248: {  	s6 =	simm.s32 $0x0;
	p2 =	por !p2, p1  }
0x249: {  	s7 =	simm.s32 $0xFFFFFFFF;
	s6 =	simm.s32 @p2 $0xFFFFFFFF  }
0x24a: {  	s0 =	simm.s32 $0x1;
	s6 =	smov.u32 @p1 s7  }
.LBB2_44:
0x24b: {  	s7 =	smov.u32 s6;
	p1 =	sne.s32 s6, $0xFFFFFFFF  }
0x24c: {  	s5 =	sadd.s32 $0x1, s5;
	s6 =	smov.u32 s0;
	s0 =	sadd.s32 $0x1, s0  }
0x24d: {  	p2 =	sne.s32 s2, s0;
	v1 =	vld.msk @!p1 [tilespmem:s5+$0x0], $0x1;
	_ =	sdelay $0x4  }
0x24e: {  	(v2sf) =	vpush @!p1 v1, $0x0;
	_ =	sdelay $0xe  }
.Ltmp36:
0x24f: {  	s8 =	spop @!p1 (v2sf);
	(pc) =	sbr.rel @p2 .LBB2_44-.Ltmp36, $4  }
0x250: {  	p3 =	seq.s32 @!p1 s4, s8  }
0x251: {  	p3 =	por !p3, p1  }
0x252: {  	s6 =	simm.s32 @p3 $0xFFFFFFFF  }
0x253: {  	s6 =	smov.u32 @p1 s7  }
.LBB2_45:
0x254: {  	p1 =	seq.s32 s6, $0xFFFFFFFF  }
.Ltmp37:
0x255: {  	_ = 	snop;
	(pc) =	sbr.rel @p1 .LBB2_47-.Ltmp37, $1  }
0x256: {  	_ =	sdelay $0x3  }
0x257: {  	s0 =	sshll.u32 s3, $0x7  }
0x258: {  	s0 =	sand.u32 $0x3FFFFF80, s0  }
0x259: {  	v0 =	vld [tilespmem:s0+$0xF238];
	_ =	sdelay $0x2  }
0x25a: {  	s4 =	sshll.u32 s6, $0x9  }
0x25b: {  	s4 =	sshra.s32 s4, $0x2  }
0x25c: {  	[tilespmem:s4+$0xF238] =	vst.add.f32.msk $0xffff, v0  }
0x25d: {  	v0 =	vld [tilespmem:s0+$0xF248];
	_ =	sdelay $0x4  }
0x25e: {  	[tilespmem:s4+$0xF248] =	vst.add.f32.msk $0xffff, v0  }
0x25f: {  	v0 =	vld [tilespmem:s0+$0xF258];
	_ =	sdelay $0x4  }
0x260: {  	[tilespmem:s4+$0xF258] =	vst.add.f32.msk $0xffff, v0  }
0x261: {  	v0 =	vld [tilespmem:s0+$0xF268];
	_ =	sdelay $0x4  }
0x262: {  	[tilespmem:s4+$0xF268] =	vst.add.f32.msk $0xffff, v0  }
0x263: {  	v0 =	vld [tilespmem:s0+$0xF278];
	_ =	sdelay $0x4  }
0x264: {  	[tilespmem:s4+$0xF278] =	vst.add.f32.msk $0xffff, v0  }
0x265: {  	v0 =	vld [tilespmem:s0+$0xF288];
	_ =	sdelay $0x4  }
0x266: {  	[tilespmem:s4+$0xF288] =	vst.add.f32.msk $0xffff, v0  }
0x267: {  	v0 =	vld [tilespmem:s0+$0xF298];
	_ =	sdelay $0x4  }
0x268: {  	[tilespmem:s4+$0xF298] =	vst.add.f32.msk $0xffff, v0  }
0x269: {  	v0 =	vld [tilespmem:s0+$0xF2A8]  }
.Ltmp38:
0x26a: {  	_ = 	snop;
	(pc) =	sbr.rel .LBB2_48-.Ltmp38, $2  }
0x26b: {  	_ =	sdelay $0x2  }
0x26c: {  	[tilespmem:s4+$0xF2A8] =	vst.add.f32.msk $0xffff, v0  }
.LBB2_49:
0x26d: {  	p1 =	slt.s32 s2, $0x1  }
.Ltmp39:
0x26e: {  	_ = 	snop;
	(pc) =	sbr.rel @p1 .LBB2_53-.Ltmp39, $3  }
0x26f: {  	_ =	sdelay $0x1  }
0x270: {  	s0 =	simm.s32 $0x8  }
0x271: {  	s3 =	simm.s32 $0x0;
	[sflag:s0] =	ssyncpa.u1 $0x1  }
0x272: {  	s0 =	simm.s32 $0xF218  }
0x273: {  	v0 =	vld.msk [tilespmem:s0+$0x0], $0x1;
	_ =	sdelay $0x4  }
0x274: {  	(v2sf) =	vpush v0, $0x0;
	_ =	sdelay $0xe  }
0x275: {  	s0 =	sadd.s32 $0xFFFFFFFF, s2;
	s5 =	spop (v2sf)  }
0x276: {  	p2 =	sne.s32 s0, $0x0;
	p1 =	sgt.u32 s5, $0x18FFF0  }
.Ltmp40:
0x277: {  	s6 =	sand.u32 @!p1 $0x1FFFF8, s5;
	(pc) =	sbr.rel @!p2 .LBB2_52-.Ltmp40, $4  }
0x278: {  	s4 =	simm.s32 $0xF238;
	s5 =	sand.u32 @!p1 $0x7, s5;
	s2 =	sadd.s32 @!p1 s1, s6  }
0x279: {  	[hbm4b:s2+s5] =	stream.linear.scatter @!p1 [tilespmem:s4], [sflag:$0x7], $0x80, $0x38;
	[tilespmem:$0x1F6F8] =	vst v63  }
0x27a: {  	s5 =	simm.s32 $0x0  }
0x27b: {  	s2 =	simm.s32 $0xF219;
	s5 =	simm.s32 @!p1 $0x200  }
.LBB2_51:
0x27c: {  	v0 =	vld.msk [tilespmem:s2+$0x0], $0x1;
	s0 =	sadd.s32 $0xFFFFFFFF, s0;
	s3 =	sadd.s32 s3, s5  }
0x27d: {  	p1 =	sne.s32 s0, $0x0;
	_ =	sdelay $0x3  }
0x27e: {  	(v2sf) =	vpush v0, $0x0;
	_ =	sdelay $0xe  }
.Ltmp41:
0x27f: {  	s6 =	spop (v2sf);
	(pc) =	sbr.rel @p1 .LBB2_51-.Ltmp41, $4  }
0x280: {  	s5 =	simm.s32 $0x0;
	p2 =	sgt.u32 s6, $0x18FFF0  }
0x281: {  	s4 =	sadd.s32 $0x80, s4;
	s5 =	simm.s32 @!p2 $0x200;
	s7 =	sand.u32 @!p2 $0x1FFFF8, s6  }
0x282: {  	s2 =	sadd.s32 $0x1, s2;
	s6 =	sand.u32 @!p2 $0x7, s6;
	s7 =	sadd.s32 @!p2 s1, s7  }
0x283: {  	[hbm4b:s7+s6] =	stream.linear.scatter @!p2 [tilespmem:s4], [sflag:$0x7], $0x80, $0x38;
	[tilespmem:$0x1F6F8] =	vst v63  }
.LBB2_52:
0x284: {  	s0 =	sadd.s32 s3, s5  }
0x285: {  	s3 =	sshrl.u32 s0, $0x2  }
.LBB2_53:
0x286: {  	s0 =	simm.s32 $0x7  }
0x287: {  	_ =	swait.ge [sflag:s0], s3  }
0x288: {  	s1 =	ssub.s32 $0x0, s3;
	[sflag:s0] =	ssyncset.done $0x0  }
0x289: {  	[sflag:s0] =	ssyncadd.s32 s1  }
0x28a: {  	[sflag:s0] =	ssyncpa.u1 $0x1  }
.LBB2_54:
0x28b: {  	_ =	sfence;
	s0 =	simm.s32 $0x1  }
0x28c: {  	[sflag:s0] =	ssyncpa.u1 $0x1  }
0x28d: {  	_ =	strace $0x9000004D  }
0x28e: {  	[bflag:$0x2] =	sbarrier.arrive $0xFFFF  }
0x28f: {  	s0 =	rddreg [dreg:$0x3]  }
0x290: {  	s0 =	sadd.s32 @!p0 $0x100000, s0  }
0x291: {  	[sflag:s0] =	ssyncadd.tile.s32 @!p0 $0x1;
	_ =	shalt  }
.Lfunc_end2:
_tile_overlayer_lowered:
.L_overlay_start_2:
0x292: {  	(tag) =	ssettag $0x2  }
0x293: {  	s0 =	rddreg [dreg:$0x0];
	s2 =	stileid.u32  }
0x294: {  	s1 =	rddreg [dreg:$0x1];
	p0 =	sne.s32 s2, $0x0  }
0x295: {  	s3 =	rddreg [dreg:$0x2];
	[bflag:$0x3] =	sbarrier.arrive $0xFFFF;
	s2 =	simm.s32 @!p0 $0x1C01  }
0x296: {  	[timem:s3], [sflag:s2] =	dma.local @!p0 [hbm:s0], s1  }
0x297: {  	s0 =	simm.s32 @!p0 $0x1  }
0x298: {  	_ =	swait.ge @!p0 [sflag:s0], s1  }
0x299: {  	s1 =	ssub.s32 @!p0 $0x0, s1;
	[sflag:s0] =	ssyncset.done @!p0 $0x0  }
0x29a: {  	[sflag:s0] =	ssyncadd.s32 @!p0 s1  }
0x29b: {  	[bflag:$0x3] =	sbarrier.arrive $0xFFFF  }
0x29c: {  	_ =	shalt  }

// kernel: scatter_offload_async_start.2
scs
__scs_entry_jumppad:
0x0: {  	(pc) =	sbr.rel $0x88, $3  }
0x1: {  	(tag) =	ssettag $0x0;
	lr =	simm.s32 $0x1  }
0x2: {  	[smem:$0x3F6F] =	sst lr;
	_ =	strace $0xD0000000  }
0x3: {  	_ = 	snop  }
0x4: {  	_ = 	snop  }
0x5: {  	_ = 	snop  }
0x6: {  	_ = 	snop  }
0x7: {  	_ = 	snop  }
__scs_overlays_trampoline_lowered:
0x8: {  	[smem:$0x3F7E] =	sst s0  }
0x9: {  	[smem:$0x3F7F] =	sst s1  }
0xa: {  	[smem:$0x3F80] =	sst s2  }
0xb: {  	[smem:$0x3F81] =	sst s3  }
0xc: {  	[smem:$0x3F82] =	sst s4  }
0xd: {  	[smem:$0x3F83] =	sst s5  }
0xe: {  	[smem:$0x3F84] =	sst s6  }
0xf: {  	[smem:$0x3F85] =	sst s7  }
0x10: {  	[smem:$0x3F86] =	sst s8  }
0x11: {  	[smem:$0x3F87] =	sst s9;
	s0 =	simm.s32 @!p0 $0x0  }
0x12: {  	s1 =	sld [smem:$0x3F6D];
	s0 =	simm.s32 @p0 $0x1  }
0x13: {  	[smem:$0x3F88] =	sst s0;
	s0 =	simm.s32 @!p1 $0x0  }
0x14: {  	s2 =	sld [smem:$0x3F6C];
	s0 =	simm.s32 @p1 $0x1  }
0x15: {  	[smem:$0x3F89] =	sst s0;
	s0 =	simm.s32 @!p2 $0x0  }
0x16: {  	s3 =	sld [smem:$0x3FDB];
	s0 =	simm.s32 @p2 $0x1  }
0x17: {  	s4 =	simm.s32 $0x1BF5;
	[smem:$0x3F8B] =	sst s0  }
0x18: {  	s0 =	sld [smem:$0x3F6E];
	_ =	swait.ge [sflag:s4], $0x0  }
0x19: {  	s7 =	sld [smem:$0x3F6F]  }
0x1a: {  	s8 =	sadd.s32 $0xFFFFE003, lr  }
0x1b: {  	s9 =	sadd.s32 $0xFFFFFEF7, lr;
	s5 =	simm.s32 $0xFFFFFFFF;
	p2 =	slt.u32 s8, $0xFFFFF086  }
0x1c: {  	p1 =	slt.u32 s9, $0xF7A;
	s5 =	simm.s32 @!p2 $0x0  }
0x1d: {  	s5 =	simm.s32 @p1 $0x1;
	p0 =	seq.s32 s7, s2  }
0x1e: {  	s7 =	smul.u32 @!p0 $0xF7A, s2;
	p2 =	seq.s32 @!p0 s5, $0x0  }
0x1f: {  	s9 =	smul.u32 $0xF7A, s1;
	s8 =	simm.s32 @!p0 $0x1BF5;
	p2 =	por !p2, p0  }
0x20: {  	[sflag:s8] =	ssyncset.s32 @!p0 $0xFFFFF086;
	s6 =	sadd.s32 @!p0 s3, s7;
	s7 =	simm.s32 @!p0 $0x108  }
0x21: {  	s3 =	sadd.s32 s3, s9;
	s6 =	sadd.s32 @!p0 $0x88, s6;
	s7 =	simm.s32 @p2 $0x1082  }
0x22: {  	[simem:s7], [sflag:s8] =	dma.local @!p0 [hbm:s6], $0xF7A  }
0x23: {  	s9 =	sor.u32 $0xD0000000, s2;
	s6 =	simm.s32 $0x108;
	_ =	swait.ge @!p0 [sflag:s8], $0x0  }
0x24: {  	s3 =	sadd.s32 $0x88, s3;
	s6 =	simm.s32 @!p1 $0x1082;
	[sflag:s4] =	ssyncset.s32 $0xFFFFF086  }
0x25: {  	[simem:s6], [sflag:s4] =	dma.local [hbm:s3], $0xF7A  }
0x26: {  	[smem:$0x3F6F] =	sst s1;
	(tag) =	ssettag s2;
	_ =	strace s9  }
0x27: {  	s1 =	sld [smem:$0x3F7F]  }
0x28: {  	s2 =	sld [smem:$0x3F80]  }
0x29: {  	s4 =	sld [smem:$0x3F82]  }
0x2a: {  	p0 =	seq.s32 s5, $0x0;
	s5 =	sld [smem:$0x3F83]  }
0x2b: {  	s6 =	sld [smem:$0x3F84]  }
0x2c: {  	s7 =	sld [smem:$0x3F85]  }
0x2d: {  	s3 =	simm.s32 $0x108;
	s8 =	sld [smem:$0x3F86]  }
0x2e: {  	s3 =	simm.s32 @!p0 $0x1082;
	s9 =	sld [smem:$0x3F87]  }
0x2f: {  	lr =	sadd.s32 s0, s3;
	s0 =	sld [smem:$0x3F7E]  }
0x30: {  	s3 =	sld [smem:$0x3F81]  }
0x31: {  	[smem:$0x3F8A] =	sst s10  }
0x32: {  	s10 =	sld [smem:$0x3F88];
	_ =	sdelay $0x3  }
0x33: {  	p0 =	seq.s32 s10, $0x1;
	s10 =	sld [smem:$0x3F8A];
	_ =	sdelay $0x3  }
0x34: {  	[smem:$0x3F8A] =	sst s10  }
0x35: {  	s10 =	sld [smem:$0x3F89];
	_ =	sdelay $0x3  }
0x36: {  	p1 =	seq.s32 s10, $0x1;
	s10 =	sld [smem:$0x3F8A];
	_ =	sdelay $0x3  }
0x37: {  	[smem:$0x3F8A] =	sst s10  }
0x38: {  	s10 =	sld [smem:$0x3F8B]  }
0x39: {  	_ = 	snop;
	(pc) =	sbr.ind lr, $3  }
0x3a: {  	_ = 	snop  }
0x3b: {  	_ = 	snop  }
0x3c: {  	p2 =	seq.s32 s10, $0x1;
	s10 =	sld [smem:$0x3F8A]  }
0x3d: {  	_ =	shalt  }
0x3e: {  	_ =	shalt  }
0x3f: {  	_ =	shalt  }
0x40: {  	_ =	shalt  }
0x41: {  	_ =	shalt  }
0x42: {  	_ =	shalt  }
0x43: {  	_ =	shalt  }
0x44: {  	_ =	shalt  }
0x45: {  	_ =	shalt  }
0x46: {  	_ =	shalt  }
0x47: {  	_ =	shalt  }
0x48: {  	_ =	shalt  }
0x49: {  	_ =	shalt  }
0x4a: {  	_ =	shalt  }
0x4b: {  	_ =	shalt  }
0x4c: {  	_ =	shalt  }
0x4d: {  	_ =	shalt  }
0x4e: {  	_ =	shalt  }
0x4f: {  	_ =	shalt  }
0x50: {  	_ =	shalt  }
0x51: {  	_ =	shalt  }
0x52: {  	_ =	shalt  }
0x53: {  	_ =	shalt  }
0x54: {  	_ =	shalt  }
0x55: {  	_ =	shalt  }
0x56: {  	_ =	shalt  }
0x57: {  	_ =	shalt  }
0x58: {  	_ =	shalt  }
0x59: {  	_ =	shalt  }
0x5a: {  	_ =	shalt  }
0x5b: {  	_ =	shalt  }
0x5c: {  	_ =	shalt  }
0x5d: {  	_ =	shalt  }
0x5e: {  	_ =	shalt  }
0x5f: {  	_ =	shalt  }
0x60: {  	_ =	shalt  }
0x61: {  	_ =	shalt  }
0x62: {  	_ =	shalt  }
0x63: {  	_ =	shalt  }
0x64: {  	_ =	shalt  }
0x65: {  	_ =	shalt  }
0x66: {  	_ =	shalt  }
0x67: {  	_ =	shalt  }
0x68: {  	_ =	shalt  }
0x69: {  	_ =	shalt  }
0x6a: {  	_ =	shalt  }
0x6b: {  	_ =	shalt  }
0x6c: {  	_ =	shalt  }
0x6d: {  	_ =	shalt  }
0x6e: {  	_ =	shalt  }
0x6f: {  	_ =	shalt  }
0x70: {  	_ =	shalt  }
0x71: {  	_ =	shalt  }
0x72: {  	_ =	shalt  }
0x73: {  	_ =	shalt  }
0x74: {  	_ =	shalt  }
0x75: {  	_ =	shalt  }
0x76: {  	_ =	shalt  }
0x77: {  	_ =	shalt  }
0x78: {  	_ =	shalt  }
0x79: {  	_ =	shalt  }
0x7a: {  	_ =	shalt  }
0x7b: {  	_ =	shalt  }
0x7c: {  	_ =	shalt  }
0x7d: {  	_ =	shalt  }
0x7e: {  	_ =	shalt  }
0x7f: {  	_ =	shalt  }
0x80: {  	_ =	shalt  }
0x81: {  	_ =	shalt  }
0x82: {  	_ =	shalt  }
0x83: {  	_ =	shalt  }
0x84: {  	_ =	shalt  }
0x85: {  	_ =	shalt  }
0x86: {  	_ =	shalt  }
0x87: {  	_ =	shalt  }
.Lfunc_end0:
.L_simem_size_0:
called_computation.2_lowered:
.L_overlay_start_0:
0x88: {  	s2 =	sld [smem:$0x3FD9]  }
0x89: {  	s3 =	sld [smem:$0x3FFE];
	_ =	sdelay $0x1  }
0x8a: {  	s1 =	srdreg.scid  }
0x8b: {  	s0 =	sand.u32 $0x1, s1  }
0x8c: {  	s15 =	sshll.u32 s0, $0xA;
	s2 =	sadd.s32 s3, s2  }
0x8d: {  	s2 =	sadd.s32 s2, s15  }
0x8e: {  	[smem:$0x3F96] =	sst s2  }
0x8f: {  	_ = 	snop  }
0x90: {  	(tm) =	ssettm $0x1  }
0x91: {  	s16 =	sld [smem:$0x3FFB];
	_ =	sdelay $0x3  }
0x92: {  	_ =	strace s16  }
0x93: {  	s2 =	sld [smem:$0x3FFC];
	_ =	sdelay $0x3  }
0x94: {  	_ =	strace s2  }
0x95: {  	s2 =	sld [smem:$0x3FFD];
	_ =	sdelay $0x3  }
0x96: {  	_ =	strace s2  }
0x97: {  	_ =	strace $0x8FFFFFFF  }
0x98: {  	s17 =	sld [smem:$0x3FDB];
	_ =	sdelay $0x1  }
0x99: {  	s18 =	simm.s32 $_scs_section_size  }
0x9a: {  	s4 =	simm.s32 $_size__tile_overlayer_lowered;
	s5 =	simm.s32 $_tile_overlayer_lowered  }
0x9b: {  	s21 =	simm.s32 $0x1BFF;
	s20 =	sshll.u32 s5, $0x1;
	s2 =	sadd.s32 s18, s17  }
0x9c: {  	s6 =	simm.s32 $0x0;
	s19 =	sshll.u32 s4, $0x1;
	s4 =	sadd.s32 s20, s2  }
0x9d: {  	[timem:s6], [sflag:s21] =	dma.local [hbm:s4], s19  }
0x9e: {  	_ =	swait.ge [sflag:s21], s19  }
0x9f: {  	s3 =	ssub.s32 $0x0, s19;
	[sflag:s21] =	ssyncset.done $0x0  }
0xa0: {  	[sflag:s21] =	ssyncadd.s32 s3;
	_ =	sdelay $0x1  }
0xa1: {  	s22 =	simm.s32 $0x1B8B  }
0xa2: {  	_ =	swait.ge [sflag:s22], $0x1  }
0xa3: {  	[sflag:s22] =	ssyncset.done $0x0  }
0xa4: {  	s23 =	sld [smem:$0x3FFE];
	[sflag:s22] =	ssyncadd.s32 $0xFFFFFFFF  }
0xa5: {  	s25 =	simm.s32 $0x1B8E;
	s24 =	sld [smem:$0x0]  }
0xa6: {  	s26 =	simm.s32 $execute0_lowered;
	[smem:$0x3FD2] =	sst s25  }
0xa7: {  	s5 =	sshll.u32 s26, $0x1;
	_ =	strace $0x8000004F;
	[dreg:$0x1] =	wrdreg $0xFFFFFFFF  }
0xa8: {  	s28 =	simm.s32 $_size_execute0_lowered;
	s2 =	sadd.s32 s2, s5;
	[dreg:$0x0] =	wrdreg $0x0  }
0xa9: {  	s5 =	sshll.u32 s28, $0x1;
	[dreg:$0x2] =	wrdreg s2  }
0xaa: {  	[dreg:$0x3] =	wrdreg s5  }
0xab: {  	[dreg:$0x4] =	wrdreg $0xC0  }
0xac: {  	_ =	task [dreg:s6], $0x5FFFF  }
0xad: {  	[dreg:$0x1] =	wrdreg $0xFFFFFFFF  }
0xae: {  	[dreg:$0x0] =	wrdreg $0x60  }
0xaf: {  	[dreg:$0x2] =	wrdreg s23  }
0xb0: {  	[dreg:$0x3] =	wrdreg s1  }
0xb1: {  	[dreg:$0x4] =	wrdreg s24  }
0xb2: {  	[dreg:$0x5] =	wrdreg $0x9  }
0xb3: {  	_ =	task.clear_ibuf [dreg:s6], $0x6FFFF;
	_ =	strace $0x9000004F  }
0xb4: {  	s29 =	simm.s32 $0x9;
	_ =	strace $0x80000051  }
0xb5: {  	_ =	swait.ge [sflag:s29], $0x1  }
0xb6: {  	[sflag:s29] =	ssyncadd.s32 $0xFFFFFFFF  }
0xb7: {  	_ =	strace $0x90000051  }
0xb8: {  	_ =	sfence  }
0xb9: {  	s30 =	sld [smem:$0x0];
	_ =	sdelay $0x2  }
0xba: {  	s31 =	sshll.u32 s1, $0xD;
	s1 =	sshrl.u32 s1, $0x2  }
0xbb: {  	s3 =	sand.u32 $0x4000, s31;
	s1 =	sadd.s32 s1, s30  }
0xbc: {  	s0 =	sor.u32 s3, s0;
	s1 =	sshll.u32 s1, $0x11  }
0xbd: {  	s0 =	sor.u32 s1, s0  }
0xbe: {  	s0 =	sadd.s32 $0x8F2B, s0  }
0xbf: {  	[sflag:s0] =	ssyncadd.remote.s32 $0x1  }
0xc0: {  	_ =	sfence.sel $0xFFFF  }
0xc1: {  	[dreg:$0x0] =	wrdreg $0xFFFFFFFF;
	(pc) =	sbr.abs _section_cstart, $3  }
0xc2: {  	[dreg:$0x1] =	wrdreg $0xFFFFFFFF  }
0xc3: {  	_ =	task.clear_ibuf [dreg:s6], $0x2FFFF;
	_ =	strace $0x9FFFFFFF  }
0xc4: {  	(tm) =	ssettm $0x7FFFFFFF  }
0xc5: {  	_ =	shalt  }
tec
execute0_lowered:
.L_overlay_start_1:
0x0: {  	(tag) =	ssettag $0x1  }
0x1: {  	s2 =	rddreg [dreg:$0x0]  }
0x2: {  	s3 =	rddreg [dreg:$0x1];
	_ =	strace $0x80000050;
	s0 =	simm.s32 $0x1  }
0x3: {  	v0 =	vimm.s32 $0x0;
	[sflag:s0] =	ssyncpa.u1 $0x0;
	s0 =	simm.s32 $0x108  }
0x4: {  	[tilespmem:s0+$0x70] =	vst v0  }
0x5: {  	[tilespmem:s0+$0x60] =	vst v0  }
0x6: {  	[tilespmem:s0+$0x50] =	vst v0  }
0x7: {  	[tilespmem:s0+$0x40] =	vst v0  }
0x8: {  	s1 =	sadd.s32 $0x4600, s2;
	[tilespmem:s0+$0x30] =	vst v0  }
0x9: {  	s15 =	sadd.s32 $0x1B9200, s2;
	s6 =	sadd.s32 $0x839800, s2;
	[tilespmem:s0+$0x20] =	vst v0  }
0xa: {  	s14 =	sadd.s32 $0x1C5A00, s2;
	s5 =	sand.u32 $0x1, s3;
	s3 =	simm.s32 $0x40;
	[tilespmem:s0+$0x10] =	vst v0  }
.LBB2_1:
0xb: {  	s3 =	sadd.s32 $0x40, s3;
	[tilespmem:s0+$0x0] =	vst v0;
	s0 =	sadd.s32 $0x80, s0  }
0xc: {  	p0 =	slt.u32 s3, $0x3C40;
	[tilespmem:s0+$0x70] =	vst v0  }
0xd: {  	[tilespmem:s0+$0x60] =	vst v0  }
.Ltmp0:
0xe: {  	[tilespmem:s0+$0x50] =	vst v0;
	(pc) =	sbr.rel @p0 .LBB2_1-.Ltmp0, $4  }
0xf: {  	[tilespmem:s0+$0x40] =	vst v0  }
0x10: {  	[tilespmem:s0+$0x30] =	vst v0  }
0x11: {  	[tilespmem:s0+$0x20] =	vst v0  }
0x12: {  	[tilespmem:s0+$0x10] =	vst v0  }
0x13: {  	s9 =	stileid.u32  }
0x14: {  	s2 =	smul.u32 $0x35, s9  }
0x15: {  	s3 =	smin.u32 s9, $0x6  }
0x16: {  	s2 =	sadd.s32 s3, s2  }
0x17: {  	p0 =	slt.u32 s9, $0x6;
	s7 =	smul.u32 $0xF0, s2;
	s2 =	simm.s32 $0x32A0  }
0x18: {  	s2 =	simm.s32 @!p0 $0x31B0  }
0x19: {  	s2 =	sadd.s32 s2, s7  }
0x1a: {  	s8 =	smin.u32 s2, $0x32000  }
0x1b: {  	s2 =	ssub.s32 s8, s7  }
0x1c: {  	p0 =	sgt.s32 s2, $0x0  }
0x1d: {  	s29 =	simm.s32 $0x2;
	s10 =	simm.s32 $0x9;
	s2 =	simm.s32 @!p0 $0x0  }
0x1e: {  	s4 =	simm.s32 $0xA;
	s11 =	simm.s32 $0xB;
	s28 =	smulhi.u32 $0x88888889, s2  }
0x1f: {  	[dreg:$0x4] =	wrdreg s5;
	s31 =	smul.u32 $0x6400, s5;
	s12 =	simm.s32 $0x1  }
0x20: {  	s22 =	simm.s32 $0x0;
	s18 =	simm.s32 $0xC;
	s30 =	sshrl.u32 s28, $0x7  }
0x21: {  	s20 =	simm.s32 $0x0;
	s21 =	simm.s32 $0x0;
	s3 =	smul.u32 $0xF0, s30  }
.Ltmp1:
0x22: {  	[tilespmem:s0+$0x0] =	vst v0;
	v0 =	vimm.s32 $0xFFFFFFFF;
	[sflag:s29] =	ssyncpa.u1 $0x0;
	s16 =	sshll.u32 s9, $0x8;
	(pc) =	sbr.rel .LBB2_3-.Ltmp1, $4  }
0x23: {  	[tilespmem:$0xF208] =	vst v0;
	[sflag:s10] =	ssyncpa.u1 $0x0;
	p0 =	sne.s32 s2, s3;
	s2 =	simm.s32 $0x1  }
0x24: {  	s14 =	sadd.s32 s31, s14;
	[sflag:s4] =	ssyncpa.u1 $0x0;
	s2 =	simm.s32 @!p0 $0x0  }
0x25: {  	s15 =	sadd.s32 s31, s15;
	[sflag:s11] =	ssyncpa.u1 $0x0;
	s13 =	sadd.s32 s2, s30  }
0x26: {  	v0 =	vlaneseq.u32;
	s19 =	smov.u32 s7;
	p0 =	por $0x0, $0x0;
	s17 =	sadd.s32 $0x1, s13  }
.LBB2_18:
0x27: {  	s0 =	sshrl.u32 s31, $0x2  }
.LBB2_20:
0x28: {  	_ =	swait.ge [sflag:s18], s0  }
0x29: {  	s31 =	ssub.s32 $0x0, s0;
	v1 =	vmov s24;
	vm0 =	veq.s32 v0, $0x0;
	[sflag:s18] =	ssyncset.done $0x0  }
0x2a: {  	vm15 =	veq.s32 v0, $0x2;
	v1 =	vsel vm0, s30, v1;
	[sflag:s18] =	ssyncadd.s32 s31  }
0x2b: {  	v1 =	vsel vm15, s22, v1;
	[sflag:s18] =	ssyncpa.u1 $0x1  }
0x2c: {  	[tilespmem:$0xF208] =	vst v1  }
.LBB2_21:
0x2d: {  	s0 =	sadd.s32 $0xF0, s19  }
0x2e: {  	s2 =	smov.u32 s7;
	p1 =	slt.s32 s0, s8  }
0x2f: {  	s2 =	smov.u32 @p1 s0;
	p1 =	sne.s32 s21, s17  }
.Ltmp2:
0x30: {  	_ = 	snop;
	(pc) =	sbr.rel @!p1 .LBB2_22-.Ltmp2, $3  }
0x31: {  	_ =	sdelay $0x1  }
0x32: {  	s22 =	smov.u32 s20;
	s31 =	sadd.s32 $0x1, s21;
	s20 =	smov.u32 s19  }
0x33: {  	p0 =	por !p0, !p0;
	s21 =	smov.u32 s31;
	s19 =	smov.u32 s2  }
.LBB2_3:
0x34: {  	p1 =	sge.u32 s21, s13  }
0x35: {  	s0 =	smulhi.u32 @!p1 $0xAAAAAAAB, s21  }
0x36: {  	s2 =	smov.u32 s19;
	p2 =	sgt.s32 @!p1 s19, $0x31F10  }
0x37: {  	s3 =	sshra.s32 @!p1 s19, $0x1F;
	p2 =	por !p2, p1;
	s0 =	sshrl.u32 @!p1 s0, $0x1  }
0x38: {  	s3 =	sand.u32 @!p1 s3, s19;
	s2 =	simm.s32 @p2 $0x31F10;
	s0 =	smul.u32 @!p1 $0x3, s0  }
0x39: {  	s2 =	ssub.s32 @!p1 s2, s3  }
0x3a: {  	s2 =	sadd.s32 @!p1 $0xFFFCE0F0, s2;
	s0 =	ssub.s32 @!p1 s21, s0  }
0x3b: {  	s3 =	sshll.u32 @!p1 s2, $0x2;
	p2 =	sgt.s32 @!p1 s2, $0xEF;
	s0 =	smul.u32 @!p1 $0x3C0, s0  }
0x3c: {  	s4 =	sand.u32 @!p1 $0x7, s19;
	s2 =	ssub.s32 @!p1 $0x3C0, s3;
	p2 =	por !p2, p1  }
0x3d: {  	s3 =	sshrl.u32 @!p1 s19, $0x3;
	s2 =	sshrl.u32 @!p1 s2, $0x2;
	s0 =	sshrl.u32 @!p1 s0, $0x2  }
0x3e: {  	s3 =	sadd.s32 @!p1 s3, s14;
	s2 =	simm.s32 @!p2 $0x0;
	s0 =	sadd.s32 @!p1 $0x10248, s0  }
0x3f: {  	[tilespmem:s0], [sflag:$0xA] =	stream.linear.gather @!p1 [hbm4b:s3+s4], s2, $0x38;
	[tilespmem:$0x1F6F8] =	vst v63  }
0x40: {  	s0 =	sadd.s32 $0xFFFFFFFF, s21  }
0x41: {  	p1 =	sge.u32 s0, s13  }
0x42: {  	p2 =	sgt.s32 @!p1 s20, $0x31F10  }
0x43: {  	s2 =	smov.u32 s20;
	s3 =	sshra.s32 @!p1 s20, $0x1F;
	p2 =	por !p2, p1  }
0x44: {  	s3 =	sand.u32 @!p1 s3, s20;
	s2 =	simm.s32 @p2 $0x31F10  }
0x45: {  	s2 =	ssub.s32 @!p1 s2, s3  }
0x46: {  	s2 =	sadd.s32 @!p1 $0xFFFCE0F0, s2  }
0x47: {  	s4 =	sand.u32 @!p1 $0x1, s0;
	s3 =	sshll.u32 @!p1 s2, $0x2  }
0x48: {  	p2 =	sgt.s32 @!p1 s2, $0xEF;
	s2 =	ssub.s32 @!p1 $0x3C0, s3;
	s3 =	smulhi.u32 @!p1 $0xAAAAAAAB, s0  }
0x49: {  	s23 =	smul.u32 @!p1 $0x3C0, s4;
	p2 =	por !p2, p1;
	s2 =	sshrl.u32 @!p1 s2, $0x2  }
0x4a: {  	s5 =	simm.s32 @!p1 $0xA;
	s2 =	simm.s32 @!p2 $0x0;
	s3 =	sshrl.u32 @!p1 s3, $0x1  }
0x4b: {  	s23 =	sshrl.u32 @!p1 s23, $0x2;
	_ =	swait.ge @!p1 [sflag:s5], s2;
	s3 =	smul.u32 @!p1 $0x3, s3  }
0x4c: {  	s23 =	sadd.s32 @!p1 $0x10518, s23;
	s24 =	ssub.s32 @!p1 $0x0, s2;
	[sflag:s5] =	ssyncset.done @!p1 $0x0  }
0x4d: {  	[sflag:s5] =	ssyncadd.s32 @!p1 s24;
	s5 =	sshrl.u32 @!p1 s20, $0x3;
	s0 =	ssub.s32 @!p1 s0, s3  }
0x4e: {  	s24 =	sand.u32 @!p1 $0x7, s20;
	s5 =	sadd.s32 @!p1 s5, s15;
	s0 =	smul.u32 @!p1 $0x3C0, s0  }
0x4f: {  	[tilespmem:s23], [sflag:$0xB] =	stream.linear.gather @!p1 [hbm4b:s5+s24], s2, $0x38;
	[tilespmem:$0x1F6F8] =	vst v63  }
0x50: {  	s3 =	ssub.s32 @!p1 $0x32000, s20;
	s2 =	smul.u32 @!p1 $0x1E000, s4  }
0x51: {  	p2 =	slt.s32 @!p1 s3, $0xF0  }
0x52: {  	p2 =	por !p2, p1;
	s0 =	sshrl.u32 @!p1 s0, $0x2;
	s2 =	sshrl.u32 @!p1 s2, $0x2  }
0x53: {  	s3 =	simm.s32 @p2 $0xF0;
	s0 =	sadd.s32 @!p1 $0x10248, s0;
	s2 =	sor.u32 @!p1 $0x106F8, s2  }
0x54: {  	[tilespmem:s2], [sflag:$0x9] =	stream.indirect.gather @!p1 [hbm4b:s6+s3], $0x80, s0, s3, $0xb8;
	[tilespmem:$0x1F6F8] =	vst v63  }
0x55: {  	p1 =	slt.u32 s21, $0x2  }
.Ltmp3:
0x56: {  	_ = 	snop;
	(pc) =	sbr.rel @p1 .LBB2_21-.Ltmp3, $1  }
0x57: {  	_ =	sdelay $0x3  }
0x58: {  	p1 =	sgt.s32 s22, $0x31F10  }
0x59: {  	s0 =	smov.u32 s22;
	s2 =	sshra.s32 s22, $0x1F;
	s3 =	ssub.s32 $0x32000, s22  }
0x5a: {  	s0 =	simm.s32 @!p1 $0x31F10;
	s2 =	sand.u32 s2, s22;
	p1 =	slt.s32 s3, $0xF0  }
0x5b: {  	s0 =	ssub.s32 s0, s2;
	s3 =	simm.s32 @!p1 $0xF0  }
0x5c: {  	s0 =	sadd.s32 $0xFFFCE0F0, s0;
	s25 =	sshll.u32 s3, $0x7  }
0x5d: {  	s26 =	sshll.u32 s0, $0x2;
	s2 =	sand.u32 $0x3FFFFF80, s25  }
0x5e: {  	p1 =	sgt.s32 s0, $0xEF;
	s29 =	ssub.s32 $0x3C0, s26;
	_ =	swait.ge [sflag:s10], s2  }
0x5f: {  	s2 =	ssub.s32 $0x0, s2;
	[sflag:s10] =	ssyncset.done $0x0;
	s0 =	sshrl.u32 s29, $0x2  }
0x60: {  	[sflag:s10] =	ssyncadd.s32 s2;
	s0 =	simm.s32 @p1 $0x0  }
0x61: {  	_ =	swait.ge [sflag:s11], s0  }
0x62: {  	s0 =	ssub.s32 $0x0, s0;
	[sflag:s11] =	ssyncset.done $0x0  }
0x63: {  	[sflag:s11] =	ssyncadd.s32 s0  }
0x64: {  	v1 =	vld [tilespmem:$0xF208];
	_ =	sdelay $0x4  }
0x65: {  	(v2sf) =	vpush v1, $0x0  }
0x66: {  	(v2sf) =	vpush v1, $0x1  }
0x67: {  	(v2sf) =	vpush v1, $0x2;
	_ =	sdelay $0x3  }
0x68: {  	s0 =	sadd.s32 $0xF0, s22  }
0x69: {  	s2 =	ssub.s32 $0x64000, s22;
	p1 =	slt.s32 s8, s0  }
0x6a: {  	s0 =	smov.u32 @p1 s8;
	p1 =	sgt.s32 s2, $0x0  }
0x6b: {  	s26 =	ssub.s32 s0, s22;
	s2 =	simm.s32 @!p1 $0x0  }
0x6c: {  	p1 =	slt.s32 s2, s26  }
0x6d: {  	s26 =	smov.u32 @p1 s2  }
0x6e: {  	s25 =	simm.s32 $0x1;
	p1 =	slt.s32 s26, $0x1  }
.Ltmp4:
0x6f: {  	s25 =	simm.s32 @!p0 $0x0;
	(pc) =	sbr.rel @p1 .LBB2_8-.Ltmp4, $4  }
0x70: {  	s31 =	smul.u32 $0x3C0, s25  }
0x71: {  	s28 =	spop (v2sf)  }
0x72: {  	s0 =	sshrl.u32 s31, $0x2;
	s30 =	spop (v2sf)  }
0x73: {  	s23 =	sadd.s32 $0x10518, s0;
	s22 =	spop (v2sf)  }
0x74: {  	s0 =	smin.u32 s26, $0x10  }
0x75: {  	v1 =	vmov s0  }
0x76: {  	p2 =	sgt.s32 s26, $0x10;
	vm1 =	vgt.u32 v1, v0  }
.Ltmp5:
0x77: {  	_ = 	snop;
	(pc) =	sbr.rel @!p2 .LBB2_7-.Ltmp5, $2  }
0x78: {  	_ =	sdelay $0x2  }
0x79: {  	s4 =	simm.s32 $0x10;
	s24 =	sadd.s32 $0xFFFFFFF0, s26;
	s0 =	smov.u32 s23;
	vm0 =	vmmov vm1  }
.LBB2_6:
0x7a: {  	s2 =	smin.u32 s24, $0x10;
	s4 =	sadd.s32 $0x10, s4;
	v1 =	vld.msk [tilespmem:s0+$0x0 ss:$0x1], vm1  }
0x7b: {  	v2 =	vmov s2;
	p2 =	slt.s32 s4, s26  }
0x7c: {  	vm1 =	vgt.u32 v2, v0  }
.Ltmp6:
0x7d: {  	(pc) =	sbr.rel @p2 .LBB2_6-.Ltmp6, $3  }
0x7e: {  	_ =	sdelay $0x1  }
0x7f: {  	v1 =	vshll.u32 v1, $0x4  }
0x80: {  	s24 =	sadd.s32 $0xFFFFFFF0, s24;
	[tilespmem:s0+$0x0] =	vst.msk vm0, v1;
	s0 =	sadd.s32 $0x10, s0;
	vm0 =	vmmov vm1  }
.LBB2_7:
0x81: {  	_ =	sdelay $0x4  }
0x82: {  	v1 =	vld.msk [tilespmem:s0+$0x0 ss:$0x1], vm1;
	_ =	sdelay $0x4  }
0x83: {  	v1 =	vshll.u32 v1, $0x4  }
0x84: {  	[tilespmem:s0+$0x0] =	vst.msk vm0, v1  }
.LBB2_8:
0x85: {  	s0 =	sand.u32 $0x1, s21  }
0x86: {  	s0 =	smul.u32 $0xF0, s0  }
0x87: {  	p2 =	sne.s32 s30, $0xFFFFFFFF  }
0x88: {  	v1 =	vld.msk @!p2 [tilespmem:s0+$0x10518], $0x1;
	_ =	sdelay $0x4  }
0x89: {  	(v2sf) =	vpush @!p2 v1, $0x0;
	_ =	sdelay $0xc  }
.Ltmp7:
0x8a: {  	_ = 	snop;
	(pc) =	sbr.rel @p1 .LBB2_19-.Ltmp7, $4  }
0x8b: {  	_ = 	snop  }
0x8c: {  	s29 =	spop @!p2 (v2sf)  }
0x8d: {  	s22 =	simm.s32 @!p2 $0x0;
	s24 =	smov.u32 s29  }
0x8e: {  	[sflag:s18] =	ssyncpa.u1 $0x0;
	s29 =	smov.u32 @p2 s28;
	s24 =	smov.u32 @p2 s30  }
0x8f: {  	v1 =	vld.msk [tilespmem:s23+$0x0], $0x1;
	_ =	sdelay $0x4  }
0x90: {  	(v2sf) =	vpush v1, $0x0;
	_ =	sdelay $0xe  }
0x91: {  	s2 =	smul.u32 $0x1E000, s25;
	s0 =	spop (v2sf)  }
0x92: {  	s26 =	ssub.s32 $0x0, s26;
	p1 =	seq.s32 s29, s0  }
0x93: {  	s30 =	sadd.s32 $0x1, s26;
	s2 =	sshrl.u32 s2, $0x2;
	p2 =	sgt.s32 @!p1 s29, $0x0  }
0x94: {  	s25 =	sor.u32 $0x10738, s2;
	s2 =	smov.u32 s29;
	p2 =	por !p2, p1  }
0x95: {  	s2 =	simm.s32 @p2 $0x0;
	p2 =	seq.s32 s30, $0x0  }
.Ltmp8:
0x96: {  	_ = 	snop;
	(pc) =	sbr.rel @p2 .LBB2_11-.Ltmp8, $4  }
0x97: {  	_ = 	snop  }
0x98: {  	s28 =	simm.s32 $0x0;
	s31 =	sadd.s32 $0x1, s23;
	s2 =	smin.u32 @!p1 s2, $0xC7FF0  }
0x99: {  	s4 =	simm.s32 @!p1 $0x1;
	s5 =	simm.s32 @!p1 $0x7988;
	s3 =	sand.u32 @!p1 $0xFFFF8, s2  }
0x9a: {  	s4 =	smov.u32 @p1 s28;
	s2 =	sand.u32 @!p1 $0x7, s2;
	s3 =	sadd.s32 @!p1 s1, s3  }
.LBB2_10:
0x9b: {  	s9 =	smov.u32 s4  }
0x9c: {  	[tilespmem:s5], [sflag:$0x2] =	stream.linear.gather @!p1 [hbm4b:s3+s2], $0x80, $0x38;
	[tilespmem:$0x1F6F8] =	vst v63  }
0x9d: {  	s30 =	sadd.s32 $0x1, s30;
	s2 =	smov.u32 s0;
	v1 =	vld.msk [tilespmem:s31+$0x0], $0x1  }
0x9e: {  	p2 =	seq.s32 s30, $0x0;
	_ =	sdelay $0x3  }
0x9f: {  	(v2sf) =	vpush v1, $0x0;
	_ =	sdelay $0xe  }
0xa0: {  	s0 =	spop (v2sf)  }
0xa1: {  	p1 =	seq.s32 s2, s0  }
0xa2: {  	p3 =	sgt.s32 @!p1 s2, $0x0;
	s3 =	sshll.u32 @!p1 s4, $0x9;
	s4 =	sadd.s32 @!p1 $0x1, s4  }
.Ltmp9:
0xa3: {  	p3 =	por !p3, p1;
	s3 =	sshra.s32 @!p1 s3, $0x2;
	(pc) =	sbr.rel @!p2 .LBB2_10-.Ltmp9, $4  }
0xa4: {  	s4 =	smov.u32 @p1 s9;
	s2 =	simm.s32 @p3 $0x0;
	s5 =	sadd.s32 @!p1 $0x7988, s3  }
0xa5: {  	s2 =	smin.u32 @!p1 s2, $0xC7FF0  }
0xa6: {  	s3 =	sand.u32 @!p1 $0xFFFF8, s2;
	s2 =	sand.u32 @!p1 $0x7, s2  }
0xa7: {  	s31 =	sadd.s32 $0x1, s31;
	s3 =	sadd.s32 @!p1 s1, s3  }
.LBB2_11:
0xa8: {  	[tilespmem:s5], [sflag:$0x2] =	stream.linear.gather @!p1 [hbm4b:s3+s2], $0x80, $0x38;
	[tilespmem:$0x1F6F8] =	vst v63  }
.Ltmp10:
0xa9: {  	s0 =	sshll.u32 s4, $0x7;
	(pc) =	sbr.rel .LBB2_12-.Ltmp10, $4  }
0xaa: {  	s30 =	simm.s32 $0x2;
	s0 =	sand.u32 $0x3FFFFF80, s0  }
0xab: {  	_ =	swait.ge [sflag:s30], s0  }
0xac: {  	s0 =	ssub.s32 $0x0, s0;
	[sflag:s30] =	ssyncset.done $0x0  }
0xad: {  	s31 =	simm.s32 $0x0;
	[sflag:s30] =	ssyncadd.s32 s0  }
.LBB2_13:
0xae: {  	v1 =	vld [tilespmem:s25+$0xFFFFFFC0];
	_ =	sdelay $0x3  }
0xaf: {  	s0 =	sshra.s32 s0, $0x2  }
0xb0: {  	[tilespmem:s0+$0x108] =	vst.add.f32.msk $0xffff, v1  }
0xb1: {  	v1 =	vld [tilespmem:s25+$0xFFFFFFD0];
	_ =	sdelay $0x4  }
0xb2: {  	[tilespmem:s0+$0x118] =	vst.add.f32.msk $0xffff, v1  }
0xb3: {  	v1 =	vld [tilespmem:s25+$0xFFFFFFE0];
	_ =	sdelay $0x4  }
0xb4: {  	[tilespmem:s0+$0x128] =	vst.add.f32.msk $0xffff, v1  }
0xb5: {  	v1 =	vld [tilespmem:s25+$0xFFFFFFF0];
	_ =	sdelay $0x4  }
0xb6: {  	[tilespmem:s0+$0x138] =	vst.add.f32.msk $0xffff, v1  }
0xb7: {  	v1 =	vld [tilespmem:s25+$0x0];
	_ =	sdelay $0x4  }
0xb8: {  	[tilespmem:s0+$0x148] =	vst.add.f32.msk $0xffff, v1  }
0xb9: {  	v1 =	vld [tilespmem:s25+$0x10];
	_ =	sdelay $0x4  }
0xba: {  	[tilespmem:s0+$0x158] =	vst.add.f32.msk $0xffff, v1  }
0xbb: {  	v1 =	vld [tilespmem:s25+$0x20];
	_ =	sdelay $0x4  }
0xbc: {  	[tilespmem:s0+$0x168] =	vst.add.f32.msk $0xffff, v1  }
0xbd: {  	v1 =	vld [tilespmem:s25+$0x30];
	_ =	sdelay $0x4  }
0xbe: {  	[tilespmem:s0+$0x178] =	vst.add.f32.msk $0xffff, v1  }
.LBB2_17:
0xbf: {  	s26 =	sadd.s32 $0x1, s26  }
0xc0: {  	p1 =	seq.s32 s26, $0x0  }
.Ltmp11:
0xc1: {  	_ = 	snop;
	(pc) =	sbr.rel @p1 .LBB2_18-.Ltmp11, $2  }
0xc2: {  	_ =	sdelay $0x2  }
0xc3: {  	s23 =	sadd.s32 $0x1, s23;
	s25 =	sadd.s32 $0x80, s25;
	s29 =	smov.u32 s30  }
.LBB2_12:
0xc4: {  	v1 =	vld.msk [tilespmem:s23+$0x0], $0x1;
	_ =	sdelay $0x4  }
0xc5: {  	(v2sf) =	vpush v1, $0x0;
	_ =	sdelay $0xe  }
0xc6: {  	s30 =	spop (v2sf)  }
0xc7: {  	p1 =	sne.s32 s29, s30  }
.Ltmp12:
0xc8: {  	_ = 	snop;
	(pc) =	sbr.rel @!p1 .LBB2_13-.Ltmp12, $2  }
0xc9: {  	_ =	sdelay $0x2  }
0xca: {  	s0 =	sshll.u32 s22, $0x9  }
0xcb: {  	p1 =	seq.s32 s29, s24  }
.Ltmp13:
0xcc: {  	_ = 	snop;
	(pc) =	sbr.rel @!p1 .LBB2_15-.Ltmp13, $1  }
0xcd: {  	_ =	sdelay $0x3  }
0xce: {  	s0 =	sshra.s32 s0, $0x2  }
.Ltmp14:
0xcf: {  	s0 =	sadd.s32 $0x108, s0;
	(pc) =	sbr.rel .LBB2_16-.Ltmp14, $4  }
0xd0: {  	[spmem:s16] =	stream.linear.scatter [tilespmem:s0], [sflag:$0x1], $0x80, $0x38;
	[tilespmem:$0x1F6F8] =	vst v63  }
0xd1: {  	_ =	swait.ge [sflag:s12], $0x80  }
0xd2: {  	[sflag:s12] =	ssyncset.done $0x0  }
0xd3: {  	[sflag:s12] =	ssyncadd.s32 $0xFFFFFF80  }
.LBB2_15:
0xd4: {  	s2 =	sshll.u32 s28, $0x9  }
0xd5: {  	s2 =	sshra.s32 s2, $0x2  }
0xd6: {  	v1 =	vld [tilespmem:s2+$0x7988];
	_ =	sdelay $0x3  }
0xd7: {  	s0 =	sshra.s32 s0, $0x2  }
0xd8: {  	[tilespmem:s0+$0x108] =	vst.add.f32.msk $0xffff, v1  }
0xd9: {  	v1 =	vld [tilespmem:s2+$0x7998];
	_ =	sdelay $0x4  }
0xda: {  	[tilespmem:s0+$0x118] =	vst.add.f32.msk $0xffff, v1  }
0xdb: {  	v1 =	vld [tilespmem:s2+$0x79A8];
	_ =	sdelay $0x4  }
0xdc: {  	[tilespmem:s0+$0x128] =	vst.add.f32.msk $0xffff, v1  }
0xdd: {  	v1 =	vld [tilespmem:s2+$0x79B8];
	_ =	sdelay $0x4  }
0xde: {  	[tilespmem:s0+$0x138] =	vst.add.f32.msk $0xffff, v1  }
0xdf: {  	v1 =	vld [tilespmem:s2+$0x79C8];
	_ =	sdelay $0x4  }
0xe0: {  	[tilespmem:s0+$0x148] =	vst.add.f32.msk $0xffff, v1  }
0xe1: {  	v1 =	vld [tilespmem:s2+$0x79D8];
	_ =	sdelay $0x4  }
0xe2: {  	[tilespmem:s0+$0x158] =	vst.add.f32.msk $0xffff, v1  }
0xe3: {  	v1 =	vld [tilespmem:s2+$0x79E8];
	_ =	sdelay $0x4  }
0xe4: {  	[tilespmem:s0+$0x168] =	vst.add.f32.msk $0xffff, v1  }
0xe5: {  	v1 =	vld [tilespmem:s2+$0x79F8];
	_ =	sdelay $0x2  }
0xe6: {  	p1 =	sgt.u32 s29, $0xC7FF0  }
0xe7: {  	s2 =	sand.u32 @!p1 $0xFFFF8, s29  }
0xe8: {  	s3 =	sadd.s32 $0x108, s0;
	[tilespmem:s0+$0x178] =	vst.add.f32.msk $0xffff, v1;
	s0 =	sadd.s32 @!p1 s1, s2;
	s2 =	sand.u32 @!p1 $0x7, s29  }
0xe9: {  	[hbm4b:s0+s2] =	stream.linear.scatter @!p1 [tilespmem:s3], [sflag:$0xC], $0x80, $0x38;
	[tilespmem:$0x1F6F8] =	vst v63  }
0xea: {  	s0 =	simm.s32 $0x0  }
0xeb: {  	s0 =	simm.s32 @!p1 $0x200  }
0xec: {  	s31 =	sadd.s32 s0, s31  }
.LBB2_16:
0xed: {  	s0 =	sadd.s32 $0x1, s22  }
0xee: {  	s2 =	smulhi.u32 $0x88888889, s0;
	_ =	sdelay $0x1  }
0xef: {  	v1 =	vld [tilespmem:s25+$0xFFFFFFC0];
	s2 =	sshrl.u32 s2, $0x7  }
0xf0: {  	s2 =	smul.u32 $0xF0, s2;
	_ =	sdelay $0x1  }
0xf1: {  	s22 =	ssub.s32 s0, s2  }
0xf2: {  	s0 =	sshll.u32 s22, $0x7  }
0xf3: {  	[tilespmem:s0+$0x108] =	vst v1  }
0xf4: {  	v1 =	vld [tilespmem:s25+$0xFFFFFFD0];
	_ =	sdelay $0x4  }
0xf5: {  	[tilespmem:s0+$0x118] =	vst v1  }
0xf6: {  	v1 =	vld [tilespmem:s25+$0xFFFFFFE0];
	_ =	sdelay $0x4  }
0xf7: {  	[tilespmem:s0+$0x128] =	vst v1  }
0xf8: {  	v1 =	vld [tilespmem:s25+$0xFFFFFFF0];
	_ =	sdelay $0x4  }
0xf9: {  	[tilespmem:s0+$0x138] =	vst v1  }
0xfa: {  	v1 =	vld [tilespmem:s25+$0x0];
	_ =	sdelay $0x4  }
0xfb: {  	[tilespmem:s0+$0x148] =	vst v1  }
0xfc: {  	v1 =	vld [tilespmem:s25+$0x10];
	_ =	sdelay $0x4  }
0xfd: {  	[tilespmem:s0+$0x158] =	vst v1  }
0xfe: {  	v1 =	vld [tilespmem:s25+$0x20];
	_ =	sdelay $0x4  }
0xff: {  	[tilespmem:s0+$0x168] =	vst v1  }
0x100: {  	v1 =	vld [tilespmem:s25+$0x30]  }
.Ltmp15:
0x101: {  	_ = 	snop;
	(pc) =	sbr.rel .LBB2_17-.Ltmp15, $2  }
0x102: {  	_ =	sdelay $0x2  }
0x103: {  	s28 =	sadd.s32 $0x1, s28;
	[tilespmem:s0+$0x178] =	vst v1  }
.LBB2_19:
.Ltmp16:
0x104: {  	(pc) =	sbr.rel .LBB2_20-.Ltmp16, $4  }
0x105: {  	_ = 	snop  }
0x106: {  	s0 =	simm.s32 $0x2  }
0x107: {  	_ =	swait.ge [sflag:s0], $0x0  }
0x108: {  	s30 =	smov.u32 s29;
	[sflag:s0] =	ssyncset.done $0x0;
	s0 =	simm.s32 $0x0  }
.LBB2_22:
0x109: {  	_ =	sfence.sel $0x180000  }
0x10a: {  	s0 =	simm.s32 $0x9;
	[bflag:$0x0] =	sbarrier.arrive $0xFFFF  }
0x10b: {  	s24 =	simm.s32 $0xA;
	[sflag:s0] =	ssyncpa.u1 $0x1  }
0x10c: {  	s25 =	simm.s32 $0xB;
	[sflag:s24] =	ssyncpa.u1 $0x1  }
0x10d: {  	s26 =	simm.s32 $0x2;
	[sflag:s25] =	ssyncpa.u1 $0x1  }
0x10e: {  	[sflag:s26] =	ssyncpa.u1 $0x1  }
0x10f: {  	v0 =	vld [tilespmem:$0xF208];
	_ =	sdelay $0x4  }
0x110: {  	(v2sf) =	vpush v0, $0x0  }
0x111: {  	(v2sf) =	vpush v0, $0x1;
	_ =	sdelay $0x1  }
0x112: {  	(v2sf) =	vpush v0, $0x2;
	_ =	sdelay $0xb  }
0x113: {  	s0 =	spop (v2sf)  }
0x114: {  	s2 =	spop (v2sf)  }
0x115: {  	s3 =	smov.u32 s0;
	p0 =	sne.s32 s0, s2  }
0x116: {  	s4 =	spop (v2sf);
	s3 =	simm.s32 @!p0 $0xFFFFFFFF  }
0x117: {  	v2 =	vimm.s32 $0x1;
	v3 =	vlaneseq.u32;
	p0 =	seq.s32 s4, $0xFFFFFFFF;
	v1 =	vmov s3  }
0x118: {  	s16 =	stileid.u32;
	v0 =	vperm.xlane v0, v2;
	p1 =	sne.s32 @!p0 s0, s2;
	v1 =	vperm.xlane v1, v3  }
0x119: {  	vm0 =	vcmask $0x3F04;
	s6 =	simm.s32 $0xF208;
	s0 =	simm.s32 @!p0 $0x1;
	p1 =	por !p1, p0  }
0x11a: {  	s3 =	sshll.u32 s16, $0x1;
	s2 =	sshll.u32 @!p0 s4, $0x9;
	s0 =	simm.s32 @p1 $0x0;
	v0 =	vsel vm0, v1, v0  }
0x11b: {  	s5 =	sor.u32 $0x1000, s3;
	s2 =	sshra.s32 @!p0 s2, $0x2;
	s0 =	sor.u32 @!p0 s0, s3;
	[tilespmem:$0xF208] =	vst v0  }
0x11c: {  	[spmem:s5] =	stream.linear.scatter [tilespmem:s6], [sflag:$0x1], $0x2, $0x38;
	[tilespmem:$0x1F6F8] =	vst v63  }
0x11d: {  	s2 =	sadd.s32 @!p0 $0x108, s2;
	s0 =	sshll.u32 @!p0 s0, $0x7  }
0x11e: {  	[spmem:s0] =	stream.linear.scatter @!p0 [tilespmem:s2], [sflag:$0x1], $0x80, $0x38;
	[tilespmem:$0x1F6F8] =	vst v63  }
0x11f: {  	s0 =	simm.s32 @!p0 $0x82  }
0x120: {  	s28 =	simm.s32 $0x1;
	s0 =	simm.s32 @p0 $0x2  }
0x121: {  	_ =	swait.ge [sflag:s28], s0  }
0x122: {  	s0 =	ssub.s32 $0x0, s0;
	[sflag:s28] =	ssyncset.done $0x0  }
0x123: {  	p0 =	sne.s32 s16, $0x0;
	[sflag:s28] =	ssyncadd.s32 s0  }
.Ltmp17:
0x124: {  	_ =	sfence.stream.spmem;
	(pc) =	sbr.rel @p0 .LBB2_39-.Ltmp17, $4  }
0x125: {  	s29 =	simm.s32 $0x3;
	[bflag:$0x0] =	sbarrier.arrive $0xFFFF  }
0x126: {  	s30 =	simm.s32 $0x4;
	[sflag:s29] =	ssyncpa.u1 $0x1  }
0x127: {  	s31 =	simm.s32 $0x3C;
	[sflag:s30] =	ssyncpa.u1 $0x1  }
0x128: {  	s15 =	rddreg [dreg:$0x4];
	[sflag:s31] =	ssyncpa.u1 $0x1  }
0x129: {  	_ =	sfence.stream.spmem;
	s0 =	simm.s32 $0x5  }
0x12a: {  	s2 =	simm.s32 $0x1000;
	s3 =	simm.s32 $0xF218;
	[sflag:s0] =	ssyncpa.u1 $0x0  }
0x12b: {  	[tilespmem:s3], [sflag:$0x5] =	stream.linear.gather [spmem:s2], $0x20, $0x38;
	[tilespmem:$0x1F6F8] =	vst v63  }
0x12c: {  	s26 =	simm.s32 $0x0;
	s28 =	simm.s32 $0xF238  }
0x12d: {  	[tilespmem:s28], [sflag:$0x5] =	stream.linear.gather [spmem:s26], $0x1000, $0x38;
	[tilespmem:$0x1F6F8] =	vst v63  }
0x12e: {  	_ =	swait.ge [sflag:s0], $0x1020  }
0x12f: {  	[sflag:s0] =	ssyncset.done $0x0  }
0x130: {  	s29 =	simm.s32 $0x0;
	[sflag:s0] =	ssyncadd.s32 $0xFFFFEFE0  }
0x131: {  	v0 =	vld.msk [tilespmem:s29+$0xF218], $0x1;
	_ =	sdelay $0x1  }
0x132: {  	s30 =	simm.s32 $0x1  }
0x133: {  	v1 =	vld.msk [tilespmem:s30+$0xF218], $0x1;
	_ =	sdelay $0x1  }
0x134: {  	(v2sf) =	vpush v0, $0x0;
	_ =	sdelay $0x2  }
0x135: {  	(v2sf) =	vpush v1, $0x0;
	_ =	sdelay $0x2  }
0x136: {  	s31 =	simm.s32 $0x2  }
0x137: {  	v0 =	vld.msk [tilespmem:s31+$0xF218], $0x1;
	_ =	sdelay $0x2  }
0x138: {  	s4 =	simm.s32 $0xFFFFFFFF;
	s5 =	simm.s32 $0xFFFFFFFF;
	s0 =	simm.s32 $0xC  }
.LBB2_24:
0x139: {  	s2 =	smov.u32 s5;
	s3 =	smov.u32 s4  }
0x13a: {  	s4 =	sshra.s32 s0, $0x2;
	p1 =	sne.s32 s0, $0x7C;
	s0 =	sadd.s32 $0x4, s0;
	(v2sf) =	vpush v0, $0x0  }
0x13b: {  	v0 =	vld.msk [tilespmem:s4+$0xF218], $0x1  }
.Ltmp18:
0x13c: {  	(pc) =	sbr.rel @p1 .LBB2_24-.Ltmp18, $4  }
0x13d: {  	s5 =	spop (v2sf)  }
0x13e: {  	p2 =	sne.s32 s3, $0xFFFFFFFF;
	s4 =	smov.u32 s5  }
0x13f: {  	p3 =	seq.s32 s5, $0xFFFFFFFF;
	s4 =	smov.u32 @p2 s3  }
0x140: {  	s5 =	smov.u32 @p3 s2;
	s4 =	smov.u32 @p3 s3  }
0x141: {  	(v2sf) =	vpush v0, $0x0;
	_ =	sdelay $0x8  }
0x142: {  	s0 =	spop (v2sf)  }
0x143: {  	p1 =	sne.s32 s4, $0xFFFFFFFF;
	s2 =	smov.u32 s0  }
0x144: {  	s9 =	simm.s32 $0x6;
	p2 =	seq.s32 s0, $0xFFFFFFFF;
	s2 =	smov.u32 @p1 s4  }
0x145: {  	s6 =	simm.s32 $0x0;
	s2 =	smov.u32 @p2 s4;
	s3 =	spop (v2sf)  }
0x146: {  	s0 =	smov.u32 @p2 s5;
	p1 =	sne.s32 s2, $0xFFFFFFFF;
	s4 =	smov.u32 s3  }
.Ltmp19:
0x147: {  	p2 =	seq.s32 s3, $0xFFFFFFFF;
	s4 =	smov.u32 @p1 s2;
	(pc) =	sbr.rel .LBB2_26-.Ltmp19, $4  }
0x148: {  	s10 =	simm.s32 $0xF188;
	s4 =	smov.u32 @p2 s2;
	s7 =	spop (v2sf)  }
0x149: {  	s11 =	simm.s32 $0x0;
	p1 =	sne.s32 s4, $0xFFFFFFFF;
	s8 =	smov.u32 s7  }
0x14a: {  	s3 =	smov.u32 @p2 s0;
	p2 =	seq.s32 s7, $0xFFFFFFFF;
	s8 =	smov.u32 @p1 s4  }
0x14b: {  	[sflag:s9] =	ssyncpa.u1 $0x0;
	s7 =	smov.u32 @p2 s3;
	s8 =	smov.u32 @p2 s4  }
.LBB2_32:
0x14c: {  	p1 =	sgt.u32 s12, $0xC7FF0  }
0x14d: {  	p2 =	seq.s32 @!p1 s12, s8  }
0x14e: {  	p1 =	por p1, p2  }
0x14f: {  	p2 =	sne.s32 @!p1 s12, s7  }
0x150: {  	p1 =	por p1, !p2  }
0x151: {  	s0 =	sshll.u32 @p1 s11, $0x9  }
0x152: {  	s0 =	sand.u32 @!p1 $0xFFFF8, s12  }
0x153: {  	s2 =	sand.u32 @!p1 $0x7, s12;
	s0 =	sadd.s32 @!p1 s1, s0  }
0x154: {  	[tilespmem:s10], [sflag:$0x6] =	stream.linear.gather @!p1 [hbm4b:s0+s2], $0x80, $0x38;
	[tilespmem:$0x1F6F8] =	vst v63  }
0x155: {  	_ =	swait.ge @!p1 [sflag:s9], $0x80  }
0x156: {  	[sflag:s9] =	ssyncset.done @!p1 $0x0  }
0x157: {  	[sflag:s9] =	ssyncadd.s32 @!p1 $0xFFFFFF80  }
0x158: {  	v1 =	vld @!p1 [tilespmem:$0xF188];
	_ =	sdelay $0x2  }
0x159: {  	s0 =	sshll.u32 @!p1 s11, $0x9  }
0x15a: {  	s2 =	sshrl.u32 @!p1 s0, $0x2  }
0x15b: {  	[tilespmem:s2+$0xF238] =	vst.add.f32.msk @!p1 $0xffff, v1  }
0x15c: {  	v1 =	vld @!p1 [tilespmem:$0xF198];
	_ =	sdelay $0x4  }
0x15d: {  	[tilespmem:s2+$0xF248] =	vst.add.f32.msk @!p1 $0xffff, v1  }
0x15e: {  	v1 =	vld @!p1 [tilespmem:$0xF1A8];
	_ =	sdelay $0x4  }
0x15f: {  	[tilespmem:s2+$0xF258] =	vst.add.f32.msk @!p1 $0xffff, v1  }
0x160: {  	v1 =	vld @!p1 [tilespmem:$0xF1B8];
	_ =	sdelay $0x4  }
0x161: {  	[tilespmem:s2+$0xF268] =	vst.add.f32.msk @!p1 $0xffff, v1  }
0x162: {  	v1 =	vld @!p1 [tilespmem:$0xF1C8];
	_ =	sdelay $0x4  }
0x163: {  	[tilespmem:s2+$0xF278] =	vst.add.f32.msk @!p1 $0xffff, v1  }
0x164: {  	v1 =	vld @!p1 [tilespmem:$0xF1D8];
	_ =	sdelay $0x4  }
0x165: {  	[tilespmem:s2+$0xF288] =	vst.add.f32.msk @!p1 $0xffff, v1  }
0x166: {  	v1 =	vld @!p1 [tilespmem:$0xF1E8];
	_ =	sdelay $0x4  }
0x167: {  	[tilespmem:s2+$0xF298] =	vst.add.f32.msk @!p1 $0xffff, v1  }
0x168: {  	v1 =	vld @!p1 [tilespmem:$0xF1F8];
	_ =	sdelay $0x4  }
0x169: {  	[tilespmem:s2+$0xF2A8] =	vst.add.f32.msk @!p1 $0xffff, v1  }
0x16a: {  	s0 =	sshrl.u32 s0, $0x2;
	[tilespmem:s6+$0xF218] =	vst.msk $0x1, v0  }
0x16b: {  	v0 =	vld [tilespmem:s0+$0xF238];
	_ =	sdelay $0x2  }
0x16c: {  	s31 =	sshll.u32 s6, $0x9  }
0x16d: {  	s2 =	sshra.s32 s31, $0x2  }
0x16e: {  	[tilespmem:s2+$0xF238] =	vst v0  }
0x16f: {  	v0 =	vld [tilespmem:s0+$0xF248];
	_ =	sdelay $0x4  }
0x170: {  	[tilespmem:s2+$0xF248] =	vst v0  }
0x171: {  	v0 =	vld [tilespmem:s0+$0xF258];
	_ =	sdelay $0x4  }
0x172: {  	[tilespmem:s2+$0xF258] =	vst v0  }
0x173: {  	v0 =	vld [tilespmem:s0+$0xF268];
	_ =	sdelay $0x4  }
0x174: {  	[tilespmem:s2+$0xF268] =	vst v0  }
0x175: {  	v0 =	vld [tilespmem:s0+$0xF278];
	_ =	sdelay $0x4  }
0x176: {  	[tilespmem:s2+$0xF278] =	vst v0  }
0x177: {  	v0 =	vld [tilespmem:s0+$0xF288];
	_ =	sdelay $0x4  }
0x178: {  	[tilespmem:s2+$0xF288] =	vst v0  }
0x179: {  	v0 =	vld [tilespmem:s0+$0xF298];
	_ =	sdelay $0x4  }
0x17a: {  	[tilespmem:s2+$0xF298] =	vst v0  }
0x17b: {  	v0 =	vld [tilespmem:s0+$0xF2A8];
	_ =	sdelay $0x4  }
0x17c: {  	s6 =	sadd.s32 $0x1, s6;
	[tilespmem:s2+$0xF2A8] =	vst v0  }
.LBB2_33:
0x17d: {  	s11 =	sadd.s32 $0x1, s11  }
0x17e: {  	p1 =	sne.s32 s11, $0x20  }
.Ltmp20:
0x17f: {  	_ = 	snop;
	(pc) =	sbr.rel @!p1 .LBB2_34-.Ltmp20, $1  }
0x180: {  	_ =	sdelay $0x3  }
.LBB2_26:
0x181: {  	v0 =	vld.msk [tilespmem:s11+$0xF218], $0x1;
	_ =	sdelay $0x4  }
0x182: {  	(v2sf) =	vpush v0, $0x0;
	_ =	sdelay $0xe  }
0x183: {  	s12 =	spop (v2sf)  }
0x184: {  	p1 =	seq.s32 s12, $0xFFFFFFFF  }
.Ltmp21:
0x185: {  	_ = 	snop;
	(pc) =	sbr.rel @p1 .LBB2_33-.Ltmp21, $1  }
0x186: {  	_ =	sdelay $0x3  }
0x187: {  	p1 =	slt.s32 s6, $0x1  }
.Ltmp22:
0x188: {  	_ = 	snop;
	(pc) =	sbr.rel @p1 .LBB2_32-.Ltmp22, $1  }
0x189: {  	_ =	sdelay $0x3  }
0x18a: {  	s13 =	simm.s32 $0xF218;
	p1 =	por $0x0, $0x0  }
0x18b: {  	v1 =	vld.msk @!p1 [tilespmem:s13+$0x0], $0x1;
	_ =	sdelay $0x4  }
0x18c: {  	(v2sf) =	vpush @!p1 v1, $0x0;
	_ =	sdelay $0xd  }
0x18d: {  	p3 =	sne.s32 s6, $0x1  }
.Ltmp23:
0x18e: {  	s0 =	spop @!p1 (v2sf);
	(pc) =	sbr.rel @!p3 .LBB2_30-.Ltmp23, $4  }
0x18f: {  	p2 =	seq.s32 @!p1 s12, s0  }
0x190: {  	s14 =	simm.s32 $0x0;
	p2 =	por !p2, p1  }
0x191: {  	s2 =	simm.s32 $0xFFFFFFFF;
	s14 =	simm.s32 @p2 $0xFFFFFFFF  }
0x192: {  	s0 =	simm.s32 $0x1;
	s14 =	smov.u32 @p1 s2  }
.LBB2_29:
0x193: {  	s2 =	smov.u32 s14;
	p1 =	sne.s32 s14, $0xFFFFFFFF  }
0x194: {  	s13 =	sadd.s32 $0x1, s13;
	s14 =	smov.u32 s0;
	s0 =	sadd.s32 $0x1, s0  }
0x195: {  	p2 =	sne.s32 s6, s0;
	v1 =	vld.msk @!p1 [tilespmem:s13+$0x0], $0x1;
	_ =	sdelay $0x4  }
0x196: {  	(v2sf) =	vpush @!p1 v1, $0x0;
	_ =	sdelay $0xe  }
.Ltmp24:
0x197: {  	s3 =	spop @!p1 (v2sf);
	(pc) =	sbr.rel @p2 .LBB2_29-.Ltmp24, $4  }
0x198: {  	p3 =	seq.s32 @!p1 s12, s3  }
0x199: {  	p3 =	por !p3, p1  }
0x19a: {  	s14 =	simm.s32 @p3 $0xFFFFFFFF  }
0x19b: {  	s14 =	smov.u32 @p1 s2  }
.LBB2_30:
0x19c: {  	p1 =	seq.s32 s14, $0xFFFFFFFF  }
.Ltmp25:
0x19d: {  	_ = 	snop;
	(pc) =	sbr.rel @p1 .LBB2_32-.Ltmp25, $1  }
0x19e: {  	_ =	sdelay $0x3  }
0x19f: {  	s0 =	sshll.u32 s11, $0x7  }
0x1a0: {  	s0 =	sand.u32 $0x3FFFFF80, s0  }
0x1a1: {  	v0 =	vld [tilespmem:s0+$0xF238];
	_ =	sdelay $0x2  }
0x1a2: {  	s2 =	sshll.u32 s14, $0x9  }
0x1a3: {  	s2 =	sshra.s32 s2, $0x2  }
0x1a4: {  	[tilespmem:s2+$0xF238] =	vst.add.f32.msk $0xffff, v0  }
0x1a5: {  	v0 =	vld [tilespmem:s0+$0xF248];
	_ =	sdelay $0x4  }
0x1a6: {  	[tilespmem:s2+$0xF248] =	vst.add.f32.msk $0xffff, v0  }
0x1a7: {  	v0 =	vld [tilespmem:s0+$0xF258];
	_ =	sdelay $0x4  }
0x1a8: {  	[tilespmem:s2+$0xF258] =	vst.add.f32.msk $0xffff, v0  }
0x1a9: {  	v0 =	vld [tilespmem:s0+$0xF268];
	_ =	sdelay $0x4  }
0x1aa: {  	[tilespmem:s2+$0xF268] =	vst.add.f32.msk $0xffff, v0  }
0x1ab: {  	v0 =	vld [tilespmem:s0+$0xF278];
	_ =	sdelay $0x4  }
0x1ac: {  	[tilespmem:s2+$0xF278] =	vst.add.f32.msk $0xffff, v0  }
0x1ad: {  	v0 =	vld [tilespmem:s0+$0xF288];
	_ =	sdelay $0x4  }
0x1ae: {  	[tilespmem:s2+$0xF288] =	vst.add.f32.msk $0xffff, v0  }
0x1af: {  	v0 =	vld [tilespmem:s0+$0xF298];
	_ =	sdelay $0x4  }
0x1b0: {  	[tilespmem:s2+$0xF298] =	vst.add.f32.msk $0xffff, v0  }
0x1b1: {  	v0 =	vld [tilespmem:s0+$0xF2A8]  }
.Ltmp26:
0x1b2: {  	_ = 	snop;
	(pc) =	sbr.rel .LBB2_33-.Ltmp26, $2  }
0x1b3: {  	_ =	sdelay $0x2  }
0x1b4: {  	[tilespmem:s2+$0xF2A8] =	vst.add.f32.msk $0xffff, v0  }
.LBB2_34:
0x1b5: {  	s0 =	simm.s32 $0x6;
	p1 =	seq.s32 s6, $0x0  }
0x1b6: {  	[sflag:s0] =	ssyncpa.u1 $0x1;
	v0 =	vimm.s32 @p1 $0xFFFFFFFF  }
0x1b7: {  	s9 =	sadd.s32 $0xFFFFFFFF, s6;
	[tilespmem:$0x10238] =	vst @p1 v0  }
0x1b8: {  	v0 =	vld.msk @!p1 [tilespmem:s9+$0xF218], $0x1;
	_ =	sdelay $0x1  }
0x1b9: {  	v1 =	vld.msk @!p1 [tilespmem:$0xF218], $0x1;
	_ =	sdelay $0x2  }
0x1ba: {  	p2 =	seq.s32 @!p1 s9, $0x0;
	v0 =	vbroadcast @!p1 v0, $0x0  }
0x1bb: {  	vm0 =	vmmov @!p1 $0x1;
	p2 =	por !p2, p1  }
0x1bc: {  	v1 =	vnsel @!p1 vm0, $0xFFFFFFFF, v1;
	vm0 =	vcmask @!p1 $0x308;
	v0 =	vpsel !p2, $0xFFFFFFFF, v0  }
0x1bd: {  	p2 =	sne.s32 @!p1 s8, s7;
	v0 =	vsel @!p1 vm0, v1, v0  }
0x1be: {  	s0 =	simm.s32 @!p1 $0xF238;
	s2 =	simm.s32 @!p1 $0x0;
	p3 =	por !p2, p1;
	[tilespmem:$0x10238] =	vst @!p1 v0  }
0x1bf: {  	[spmem:s2] =	stream.linear.scatter @!p1 [tilespmem:s0], [sflag:$0x1], $0x80, $0x38;
	[tilespmem:$0x1F6F8] =	vst v63  }
0x1c0: {  	s0 =	sshll.u32 @!p3 s9, $0x9  }
0x1c1: {  	s0 =	sshra.s32 @!p3 s0, $0x2  }
0x1c2: {  	s2 =	simm.s32 @!p3 $0x80;
	s0 =	sadd.s32 @!p3 $0xF238, s0  }
0x1c3: {  	[spmem:s2] =	stream.linear.scatter @!p3 [tilespmem:s0], [sflag:$0x1], $0x80, $0x38;
	[tilespmem:$0x1F6F8] =	vst v63  }
0x1c4: {  	s0 =	simm.s32 @!p3 $0x1  }
0x1c5: {  	_ =	swait.ge @!p3 [sflag:s0], $0x100  }
0x1c6: {  	p1 =	por p2, p1;
	[sflag:s0] =	ssyncset.done @!p3 $0x0  }
0x1c7: {  	[sflag:s0] =	ssyncadd.s32 @!p3 $0xFFFFFF00;
	s0 =	simm.s32 @!p1 $0x1  }
0x1c8: {  	_ =	swait.ge @!p1 [sflag:s0], $0x80  }
0x1c9: {  	s29 =	simm.s32 $0x10238;
	[sflag:s0] =	ssyncset.done @!p1 $0x0  }
0x1ca: {  	s30 =	simm.s32 $0x1000;
	s31 =	simm.s32 $0x1;
	[sflag:s0] =	ssyncadd.s32 @!p1 $0xFFFFFF80  }
0x1cb: {  	[spmem:s30] =	stream.linear.scatter [tilespmem:s29], [sflag:$0x1], $0x10, $0x38;
	[tilespmem:$0x1F6F8] =	vst v63  }
0x1cc: {  	_ =	swait.ge [sflag:s31], $0x10  }
0x1cd: {  	[sflag:s31] =	ssyncset.done $0x0  }
0x1ce: {  	p1 =	seq.s32 s15, $0x0;
	s8 =	rddreg [dreg:$0x1];
	[sflag:s31] =	ssyncadd.s32 $0xFFFFFFF0  }
0x1cf: {  	s2 =	sshll.u32 @p1 s8, $0xE;
	s7 =	rddreg [dreg:$0x2]  }
0x1d0: {  	s0 =	sadd.s32 @p1 $0x15C3C, s2;
	s2 =	sshll.u32 @p1 s7, $0x11  }
0x1d1: {  	_ =	sfence.stream.spmem;
	s0 =	sor.u32 @p1 s2, s0  }
0x1d2: {  	[sflag:s0] =	ssyncadd.remote.s32 @p1 $0x1;
	s0 =	simm.s32 @p1 $0x4  }
0x1d3: {  	s3 =	simm.s32 @!p1 $0x3C;
	s2 =	sand.u32 $0xFFFFFFFE, s8;
	_ =	swait.ge @p1 [sflag:s0], $0x22  }
0x1d4: {  	s4 =	simm.s32 @!p1 $0x0;
	s2 =	sadd.s32 @!p1 $0x4, s2;
	[sflag:s0] =	ssyncset.done @p1 $0x0  }
0x1d5: {  	s5 =	simm.s32 @!p1 $0x100;
	[sflag:s0] =	ssyncadd.s32 @p1 $0xFFFFFFDE;
	s0 =	sshll.u32 @!p1 s2, $0x1A  }
0x1d6: {  	s2 =	sshll.u32 @!p1 s2, $0xD;
	s0 =	sor.u32 @!p1 s0, s7;
	_ =	swait.eq @!p1 [sflag:s3], $0x1  }
0x1d7: {  	s2 =	sor.u32 @!p1 $0x1C04, s2;
	s3 =	simm.s32 @!p1 $0x1C03;
	s0 =	sor.u32 @!p1 $0x80004000, s0  }
0x1d8: {  	[spmem:s5], [sflag:s2] =	dma.general @!p1 [spmem:s4], [sflag:s3], length:$0x20, [dreg:$0x0], stride_count:$0x0, ici_dest:s0, dma_misc:DstOpCode:WRITE  }
0x1d9: {  	p2 =	slt.s32 s9, $0x2;
	s4 =	simm.s32 @!p1 $0x200;
	s5 =	simm.s32 @!p1 $0x202  }
0x1da: {  	[spmem:s5], [sflag:s2] =	dma.general @!p1 [spmem:s4], [sflag:s3], length:$0x2, [dreg:$0x0], stride_count:$0x0, ici_dest:s0, dma_misc:DstOpCode:WRITE  }
.Ltmp27:
0x1db: {  	s0 =	simm.s32 @!p1 $0x3;
	(pc) =	sbr.rel @p2 .LBB2_38-.Ltmp27, $4  }
0x1dc: {  	s2 =	sshll.u32 @!p1 s8, $0xE;
	_ =	swait.ge @!p1 [sflag:s0], $0x22  }
0x1dd: {  	s3 =	sshll.u32 @!p1 s7, $0x11;
	s2 =	sadd.s32 @!p1 $0x11C3C, s2;
	[sflag:s0] =	ssyncset.done @!p1 $0x0  }
0x1de: {  	[sflag:s0] =	ssyncadd.s32 @!p1 $0xFFFFFFDE;
	s0 =	sor.u32 @!p1 s3, s2  }
0x1df: {  	[sflag:s0] =	ssyncadd.remote.s32 @!p1 $0xFFFFFFFF;
	s0 =	simm.s32 $0x0  }
0x1e0: {  	s0 =	simm.s32 $0xF219  }
0x1e1: {  	v0 =	vld.msk [tilespmem:s0+$0x0], $0x1;
	_ =	sdelay $0x4  }
0x1e2: {  	(v2sf) =	vpush v0, $0x0;
	_ =	sdelay $0xb  }
0x1e3: {  	s31 =	sadd.s32 $0xFFFFFFFE, s6  }
0x1e4: {  	s0 =	sadd.s32 $0xFFFFFFFF, s31  }
0x1e5: {  	p2 =	sne.s32 s0, $0x0  }
.Ltmp28:
0x1e6: {  	s2 =	spop (v2sf);
	(pc) =	sbr.rel @!p2 .LBB2_37-.Ltmp28, $4  }
0x1e7: {  	s4 =	simm.s32 $0xF2B8;
	s7 =	simm.s32 $0x0;
	p1 =	sgt.u32 s2, $0xC7FF0  }
0x1e8: {  	s5 =	simm.s32 $0x0;
	s6 =	simm.s32 $0xF21A;
	s3 =	sand.u32 @!p1 $0xFFFF8, s2  }
0x1e9: {  	s2 =	sand.u32 @!p1 $0x7, s2;
	s7 =	simm.s32 @!p1 $0x200;
	s3 =	sadd.s32 @!p1 s1, s3  }
0x1ea: {  	[hbm4b:s3+s2] =	stream.linear.scatter @!p1 [tilespmem:s4], [sflag:$0x5], $0x80, $0x38;
	[tilespmem:$0x1F6F8] =	vst v63  }
.LBB2_36:
0x1eb: {  	v0 =	vld.msk [tilespmem:s6+$0x0], $0x1;
	s0 =	sadd.s32 $0xFFFFFFFF, s0;
	s5 =	sadd.s32 s5, s7  }
0x1ec: {  	p1 =	sne.s32 s0, $0x0;
	_ =	sdelay $0x3  }
0x1ed: {  	(v2sf) =	vpush v0, $0x0;
	_ =	sdelay $0xe  }
.Ltmp29:
0x1ee: {  	s2 =	spop (v2sf);
	(pc) =	sbr.rel @p1 .LBB2_36-.Ltmp29, $4  }
0x1ef: {  	s7 =	simm.s32 $0x0;
	p2 =	sgt.u32 s2, $0xC7FF0  }
0x1f0: {  	s4 =	sadd.s32 $0x80, s4;
	s7 =	simm.s32 @!p2 $0x200;
	s3 =	sand.u32 @!p2 $0xFFFF8, s2  }
0x1f1: {  	s6 =	sadd.s32 $0x1, s6;
	s2 =	sand.u32 @!p2 $0x7, s2;
	s3 =	sadd.s32 @!p2 s1, s3  }
0x1f2: {  	[hbm4b:s3+s2] =	stream.linear.scatter @!p2 [tilespmem:s4], [sflag:$0x5], $0x80, $0x38;
	[tilespmem:$0x1F6F8] =	vst v63  }
.LBB2_37:
0x1f3: {  	s0 =	sadd.s32 s5, s7  }
0x1f4: {  	s0 =	sshrl.u32 s0, $0x2  }
.LBB2_38:
0x1f5: {  	s2 =	simm.s32 $0x5  }
0x1f6: {  	_ =	swait.ge [sflag:s2], s0  }
0x1f7: {  	s31 =	ssub.s32 $0x0, s0;
	[sflag:s2] =	ssyncset.done $0x0  }
0x1f8: {  	[sflag:s2] =	ssyncadd.s32 s31  }
0x1f9: {  	[sflag:s2] =	ssyncpa.u1 $0x1  }
.LBB2_39:
0x1fa: {  	s0 =	sor.u32 s15, s16  }
0x1fb: {  	p1 =	sne.s32 s0, $0x0  }
.Ltmp30:
0x1fc: {  	_ = 	snop;
	(pc) =	sbr.rel @p1 .LBB2_54-.Ltmp30, $3  }
0x1fd: {  	_ =	sdelay $0x1  }
0x1fe: {  	[bflag:$0x0] =	sbarrier.arrive $0xFFFF  }
0x1ff: {  	_ =	sfence  }
0x200: {  	s0 =	simm.s32 $0x7  }
0x201: {  	s2 =	simm.s32 $0x1000;
	s3 =	simm.s32 $0xF218;
	[sflag:s0] =	ssyncpa.u1 $0x0  }
0x202: {  	[tilespmem:s3], [sflag:$0x7] =	stream.linear.gather [spmem:s2], $0x20, $0x38;
	[tilespmem:$0x1F6F8] =	vst v63  }
0x203: {  	s30 =	simm.s32 $0xF238;
	s2 =	simm.s32 $0x0  }
0x204: {  	[tilespmem:s30], [sflag:$0x7] =	stream.linear.gather [spmem:s2], $0x1000, $0x38;
	[tilespmem:$0x1F6F8] =	vst v63  }
.Ltmp31:
0x205: {  	_ = 	snop;
	(pc) =	sbr.rel .LBB2_41-.Ltmp31, $4  }
0x206: {  	_ =	swait.ge [sflag:s0], $0x1020  }
0x207: {  	[sflag:s0] =	ssyncset.done $0x0  }
0x208: {  	s31 =	simm.s32 $0x8;
	[sflag:s0] =	ssyncadd.s32 $0xFFFFEFE0  }
0x209: {  	s3 =	simm.s32 $0x0;
	[sflag:s31] =	ssyncpa.u1 $0x0  }
.LBB2_47:
0x20a: {  	p1 =	slt.u32 s4, $0xC7FF1  }
0x20b: {  	s0 =	sand.u32 @p1 $0xFFFF8, s4  }
0x20c: {  	s4 =	sand.u32 @p1 $0x7, s4;
	s5 =	simm.s32 @p1 $0xF188;
	s0 =	sadd.s32 @p1 s1, s0  }
0x20d: {  	[tilespmem:s5], [sflag:$0x8] =	stream.linear.gather @p1 [hbm4b:s0+s4], $0x80, $0x38;
	[tilespmem:$0x1F6F8] =	vst v63  }
0x20e: {  	s0 =	simm.s32 @p1 $0x8  }
0x20f: {  	_ =	swait.ge @p1 [sflag:s0], $0x80  }
0x210: {  	[sflag:s0] =	ssyncset.done @p1 $0x0  }
0x211: {  	[sflag:s0] =	ssyncadd.s32 @p1 $0xFFFFFF80  }
0x212: {  	v1 =	vld @p1 [tilespmem:$0xF188];
	_ =	sdelay $0x2  }
0x213: {  	s0 =	sshll.u32 @p1 s3, $0x9  }
0x214: {  	s4 =	sshrl.u32 @p1 s0, $0x2  }
0x215: {  	[tilespmem:s4+$0xF238] =	vst.add.f32.msk @p1 $0xffff, v1  }
0x216: {  	v1 =	vld @p1 [tilespmem:$0xF198];
	_ =	sdelay $0x4  }
0x217: {  	[tilespmem:s4+$0xF248] =	vst.add.f32.msk @p1 $0xffff, v1  }
0x218: {  	v1 =	vld @p1 [tilespmem:$0xF1A8];
	_ =	sdelay $0x4  }
0x219: {  	[tilespmem:s4+$0xF258] =	vst.add.f32.msk @p1 $0xffff, v1  }
0x21a: {  	v1 =	vld @p1 [tilespmem:$0xF1B8];
	_ =	sdelay $0x4  }
0x21b: {  	[tilespmem:s4+$0xF268] =	vst.add.f32.msk @p1 $0xffff, v1  }
0x21c: {  	v1 =	vld @p1 [tilespmem:$0xF1C8];
	_ =	sdelay $0x4  }
0x21d: {  	[tilespmem:s4+$0xF278] =	vst.add.f32.msk @p1 $0xffff, v1  }
0x21e: {  	v1 =	vld @p1 [tilespmem:$0xF1D8];
	_ =	sdelay $0x4  }
0x21f: {  	[tilespmem:s4+$0xF288] =	vst.add.f32.msk @p1 $0xffff, v1  }
0x220: {  	v1 =	vld @p1 [tilespmem:$0xF1E8];
	_ =	sdelay $0x4  }
0x221: {  	[tilespmem:s4+$0xF298] =	vst.add.f32.msk @p1 $0xffff, v1  }
0x222: {  	v1 =	vld @p1 [tilespmem:$0xF1F8];
	_ =	sdelay $0x3  }
0x223: {  	s5 =	sshll.u32 @!p1 s3, $0x9  }
0x224: {  	s5 =	smov.u32 @p1 s0;
	[tilespmem:s4+$0xF2A8] =	vst.add.f32.msk @p1 $0xffff, v1  }
0x225: {  	s0 =	sshrl.u32 s5, $0x2;
	[tilespmem:s2+$0xF218] =	vst.msk $0x1, v0  }
0x226: {  	v0 =	vld [tilespmem:s0+$0xF238];
	_ =	sdelay $0x2  }
0x227: {  	s31 =	sshll.u32 s2, $0x9  }
0x228: {  	s4 =	sshra.s32 s31, $0x2  }
0x229: {  	[tilespmem:s4+$0xF238] =	vst v0  }
0x22a: {  	v0 =	vld [tilespmem:s0+$0xF248];
	_ =	sdelay $0x4  }
0x22b: {  	[tilespmem:s4+$0xF248] =	vst v0  }
0x22c: {  	v0 =	vld [tilespmem:s0+$0xF258];
	_ =	sdelay $0x4  }
0x22d: {  	[tilespmem:s4+$0xF258] =	vst v0  }
0x22e: {  	v0 =	vld [tilespmem:s0+$0xF268];
	_ =	sdelay $0x4  }
0x22f: {  	[tilespmem:s4+$0xF268] =	vst v0  }
0x230: {  	v0 =	vld [tilespmem:s0+$0xF278];
	_ =	sdelay $0x4  }
0x231: {  	[tilespmem:s4+$0xF278] =	vst v0  }
0x232: {  	v0 =	vld [tilespmem:s0+$0xF288];
	_ =	sdelay $0x4  }
0x233: {  	[tilespmem:s4+$0xF288] =	vst v0  }
0x234: {  	v0 =	vld [tilespmem:s0+$0xF298];
	_ =	sdelay $0x4  }
0x235: {  	[tilespmem:s4+$0xF298] =	vst v0  }
0x236: {  	v0 =	vld [tilespmem:s0+$0xF2A8];
	_ =	sdelay $0x4  }
0x237: {  	s2 =	sadd.s32 $0x1, s2;
	[tilespmem:s4+$0xF2A8] =	vst v0  }
.LBB2_48:
0x238: {  	s3 =	sadd.s32 $0x1, s3  }
0x239: {  	p1 =	sne.s32 s3, $0x20  }
.Ltmp32:
0x23a: {  	_ = 	snop;
	(pc) =	sbr.rel @!p1 .LBB2_49-.Ltmp32, $1  }
0x23b: {  	_ =	sdelay $0x3  }
.LBB2_41:
0x23c: {  	v0 =	vld.msk [tilespmem:s3+$0xF218], $0x1;
	_ =	sdelay $0x4  }
0x23d: {  	(v2sf) =	vpush v0, $0x0;
	_ =	sdelay $0xe  }
0x23e: {  	s4 =	spop (v2sf)  }
0x23f: {  	p1 =	seq.s32 s4, $0xFFFFFFFF  }
.Ltmp33:
0x240: {  	_ = 	snop;
	(pc) =	sbr.rel @p1 .LBB2_48-.Ltmp33, $1  }
0x241: {  	_ =	sdelay $0x3  }
0x242: {  	p1 =	slt.s32 s2, $0x1  }
.Ltmp34:
0x243: {  	_ = 	snop;
	(pc) =	sbr.rel @p1 .LBB2_47-.Ltmp34, $1  }
0x244: {  	_ =	sdelay $0x3  }
0x245: {  	s5 =	simm.s32 $0xF218;
	p1 =	por $0x0, $0x0  }
0x246: {  	v1 =	vld.msk @!p1 [tilespmem:s5+$0x0], $0x1;
	_ =	sdelay $0x4  }
0x247: {  	(v2sf) =	vpush @!p1 v1, $0x0;
	_ =	sdelay $0xd  }
0x248: {  	p3 =	sne.s32 s2, $0x1  }
.Ltmp35:
0x249: {  	s0 =	spop @!p1 (v2sf);
	(pc) =	sbr.rel @!p3 .LBB2_45-.Ltmp35, $4  }
0x24a: {  	p2 =	seq.s32 @!p1 s4, s0  }
0x24b: {  	s6 =	simm.s32 $0x0;
	p2 =	por !p2, p1  }
0x24c: {  	s7 =	simm.s32 $0xFFFFFFFF;
	s6 =	simm.s32 @p2 $0xFFFFFFFF  }
0x24d: {  	s0 =	simm.s32 $0x1;
	s6 =	smov.u32 @p1 s7  }
.LBB2_44:
0x24e: {  	s7 =	smov.u32 s6;
	p1 =	sne.s32 s6, $0xFFFFFFFF  }
0x24f: {  	s5 =	sadd.s32 $0x1, s5;
	s6 =	smov.u32 s0;
	s0 =	sadd.s32 $0x1, s0  }
0x250: {  	p2 =	sne.s32 s2, s0;
	v1 =	vld.msk @!p1 [tilespmem:s5+$0x0], $0x1;
	_ =	sdelay $0x4  }
0x251: {  	(v2sf) =	vpush @!p1 v1, $0x0;
	_ =	sdelay $0xe  }
.Ltmp36:
0x252: {  	s8 =	spop @!p1 (v2sf);
	(pc) =	sbr.rel @p2 .LBB2_44-.Ltmp36, $4  }
0x253: {  	p3 =	seq.s32 @!p1 s4, s8  }
0x254: {  	p3 =	por !p3, p1  }
0x255: {  	s6 =	simm.s32 @p3 $0xFFFFFFFF  }
0x256: {  	s6 =	smov.u32 @p1 s7  }
.LBB2_45:
0x257: {  	p1 =	seq.s32 s6, $0xFFFFFFFF  }
.Ltmp37:
0x258: {  	_ = 	snop;
	(pc) =	sbr.rel @p1 .LBB2_47-.Ltmp37, $1  }
0x259: {  	_ =	sdelay $0x3  }
0x25a: {  	s0 =	sshll.u32 s3, $0x7  }
0x25b: {  	s0 =	sand.u32 $0x3FFFFF80, s0  }
0x25c: {  	v0 =	vld [tilespmem:s0+$0xF238];
	_ =	sdelay $0x2  }
0x25d: {  	s4 =	sshll.u32 s6, $0x9  }
0x25e: {  	s4 =	sshra.s32 s4, $0x2  }
0x25f: {  	[tilespmem:s4+$0xF238] =	vst.add.f32.msk $0xffff, v0  }
0x260: {  	v0 =	vld [tilespmem:s0+$0xF248];
	_ =	sdelay $0x4  }
0x261: {  	[tilespmem:s4+$0xF248] =	vst.add.f32.msk $0xffff, v0  }
0x262: {  	v0 =	vld [tilespmem:s0+$0xF258];
	_ =	sdelay $0x4  }
0x263: {  	[tilespmem:s4+$0xF258] =	vst.add.f32.msk $0xffff, v0  }
0x264: {  	v0 =	vld [tilespmem:s0+$0xF268];
	_ =	sdelay $0x4  }
0x265: {  	[tilespmem:s4+$0xF268] =	vst.add.f32.msk $0xffff, v0  }
0x266: {  	v0 =	vld [tilespmem:s0+$0xF278];
	_ =	sdelay $0x4  }
0x267: {  	[tilespmem:s4+$0xF278] =	vst.add.f32.msk $0xffff, v0  }
0x268: {  	v0 =	vld [tilespmem:s0+$0xF288];
	_ =	sdelay $0x4  }
0x269: {  	[tilespmem:s4+$0xF288] =	vst.add.f32.msk $0xffff, v0  }
0x26a: {  	v0 =	vld [tilespmem:s0+$0xF298];
	_ =	sdelay $0x4  }
0x26b: {  	[tilespmem:s4+$0xF298] =	vst.add.f32.msk $0xffff, v0  }
0x26c: {  	v0 =	vld [tilespmem:s0+$0xF2A8]  }
.Ltmp38:
0x26d: {  	_ = 	snop;
	(pc) =	sbr.rel .LBB2_48-.Ltmp38, $2  }
0x26e: {  	_ =	sdelay $0x2  }
0x26f: {  	[tilespmem:s4+$0xF2A8] =	vst.add.f32.msk $0xffff, v0  }
.LBB2_49:
0x270: {  	p1 =	slt.s32 s2, $0x1  }
.Ltmp39:
0x271: {  	_ = 	snop;
	(pc) =	sbr.rel @p1 .LBB2_53-.Ltmp39, $3  }
0x272: {  	_ =	sdelay $0x1  }
0x273: {  	s0 =	simm.s32 $0x8  }
0x274: {  	s3 =	simm.s32 $0x0;
	[sflag:s0] =	ssyncpa.u1 $0x1  }
0x275: {  	s0 =	simm.s32 $0xF218  }
0x276: {  	v0 =	vld.msk [tilespmem:s0+$0x0], $0x1;
	_ =	sdelay $0x4  }
0x277: {  	(v2sf) =	vpush v0, $0x0;
	_ =	sdelay $0xe  }
0x278: {  	s0 =	sadd.s32 $0xFFFFFFFF, s2;
	s5 =	spop (v2sf)  }
0x279: {  	p2 =	sne.s32 s0, $0x0;
	p1 =	sgt.u32 s5, $0xC7FF0  }
.Ltmp40:
0x27a: {  	s6 =	sand.u32 @!p1 $0xFFFF8, s5;
	(pc) =	sbr.rel @!p2 .LBB2_52-.Ltmp40, $4  }
0x27b: {  	s4 =	simm.s32 $0xF238;
	s5 =	sand.u32 @!p1 $0x7, s5;
	s2 =	sadd.s32 @!p1 s1, s6  }
0x27c: {  	[hbm4b:s2+s5] =	stream.linear.scatter @!p1 [tilespmem:s4], [sflag:$0x7], $0x80, $0x38;
	[tilespmem:$0x1F6F8] =	vst v63  }
0x27d: {  	s5 =	simm.s32 $0x0  }
0x27e: {  	s2 =	simm.s32 $0xF219;
	s5 =	simm.s32 @!p1 $0x200  }
.LBB2_51:
0x27f: {  	v0 =	vld.msk [tilespmem:s2+$0x0], $0x1;
	s0 =	sadd.s32 $0xFFFFFFFF, s0;
	s3 =	sadd.s32 s3, s5  }
0x280: {  	p1 =	sne.s32 s0, $0x0;
	_ =	sdelay $0x3  }
0x281: {  	(v2sf) =	vpush v0, $0x0;
	_ =	sdelay $0xe  }
.Ltmp41:
0x282: {  	s6 =	spop (v2sf);
	(pc) =	sbr.rel @p1 .LBB2_51-.Ltmp41, $4  }
0x283: {  	s5 =	simm.s32 $0x0;
	p2 =	sgt.u32 s6, $0xC7FF0  }
0x284: {  	s4 =	sadd.s32 $0x80, s4;
	s5 =	simm.s32 @!p2 $0x200;
	s7 =	sand.u32 @!p2 $0xFFFF8, s6  }
0x285: {  	s2 =	sadd.s32 $0x1, s2;
	s6 =	sand.u32 @!p2 $0x7, s6;
	s7 =	sadd.s32 @!p2 s1, s7  }
0x286: {  	[hbm4b:s7+s6] =	stream.linear.scatter @!p2 [tilespmem:s4], [sflag:$0x7], $0x80, $0x38;
	[tilespmem:$0x1F6F8] =	vst v63  }
.LBB2_52:
0x287: {  	s0 =	sadd.s32 s3, s5  }
0x288: {  	s3 =	sshrl.u32 s0, $0x2  }
.LBB2_53:
0x289: {  	s0 =	simm.s32 $0x7  }
0x28a: {  	_ =	swait.ge [sflag:s0], s3  }
0x28b: {  	s1 =	ssub.s32 $0x0, s3;
	[sflag:s0] =	ssyncset.done $0x0  }
0x28c: {  	[sflag:s0] =	ssyncadd.s32 s1  }
0x28d: {  	[sflag:s0] =	ssyncpa.u1 $0x1  }
.LBB2_54:
0x28e: {  	_ =	sfence;
	s0 =	simm.s32 $0x1  }
0x28f: {  	[sflag:s0] =	ssyncpa.u1 $0x1  }
0x290: {  	_ =	strace $0x90000050  }
0x291: {  	[bflag:$0x2] =	sbarrier.arrive $0xFFFF  }
0x292: {  	s0 =	rddreg [dreg:$0x3]  }
0x293: {  	s0 =	sadd.s32 @!p0 $0x100000, s0  }
0x294: {  	[sflag:s0] =	ssyncadd.tile.s32 @!p0 $0x1;
	_ =	shalt  }
.Lfunc_end2:
_tile_overlayer_lowered:
.L_overlay_start_2:
0x295: {  	(tag) =	ssettag $0x2  }
0x296: {  	s0 =	rddreg [dreg:$0x0];
	s2 =	stileid.u32  }
0x297: {  	s1 =	rddreg [dreg:$0x1];
	p0 =	sne.s32 s2, $0x0  }
0x298: {  	s3 =	rddreg [dreg:$0x2];
	[bflag:$0x3] =	sbarrier.arrive $0xFFFF;
	s2 =	simm.s32 @!p0 $0x1C01  }
0x299: {  	[timem:s3], [sflag:s2] =	dma.local @!p0 [hbm:s0], s1  }
0x29a: {  	s0 =	simm.s32 @!p0 $0x1  }
0x29b: {  	_ =	swait.ge @!p0 [sflag:s0], s1  }
0x29c: {  	s1 =	ssub.s32 @!p0 $0x0, s1;
	[sflag:s0] =	ssyncset.done @!p0 $0x0  }
0x29d: {  	[sflag:s0] =	ssyncadd.s32 @!p0 s1  }
0x29e: {  	[bflag:$0x3] =	sbarrier.arrive $0xFFFF  }
0x29f: {  	_ =	shalt  }

// kernel: scatter_offload_async_start
scs
__scs_entry_jumppad:
0x0: {  	(pc) =	sbr.rel $0x88, $3  }
0x1: {  	(tag) =	ssettag $0x0;
	lr =	simm.s32 $0x1  }
0x2: {  	[smem:$0x3F6F] =	sst lr;
	_ =	strace $0xD0000000  }
0x3: {  	_ = 	snop  }
0x4: {  	_ = 	snop  }
0x5: {  	_ = 	snop  }
0x6: {  	_ = 	snop  }
0x7: {  	_ = 	snop  }
__scs_overlays_trampoline_lowered:
0x8: {  	[smem:$0x3F7E] =	sst s0  }
0x9: {  	[smem:$0x3F7F] =	sst s1  }
0xa: {  	[smem:$0x3F80] =	sst s2  }
0xb: {  	[smem:$0x3F81] =	sst s3  }
0xc: {  	[smem:$0x3F82] =	sst s4  }
0xd: {  	[smem:$0x3F83] =	sst s5  }
0xe: {  	[smem:$0x3F84] =	sst s6  }
0xf: {  	[smem:$0x3F85] =	sst s7  }
0x10: {  	[smem:$0x3F86] =	sst s8  }
0x11: {  	[smem:$0x3F87] =	sst s9;
	s0 =	simm.s32 @!p0 $0x0  }
0x12: {  	s1 =	sld [smem:$0x3F6D];
	s0 =	simm.s32 @p0 $0x1  }
0x13: {  	[smem:$0x3F88] =	sst s0;
	s0 =	simm.s32 @!p1 $0x0  }
0x14: {  	s2 =	sld [smem:$0x3F6C];
	s0 =	simm.s32 @p1 $0x1  }
0x15: {  	[smem:$0x3F89] =	sst s0;
	s0 =	simm.s32 @!p2 $0x0  }
0x16: {  	s3 =	sld [smem:$0x3FDB];
	s0 =	simm.s32 @p2 $0x1  }
0x17: {  	s4 =	simm.s32 $0x1BF5;
	[smem:$0x3F8B] =	sst s0  }
0x18: {  	s0 =	sld [smem:$0x3F6E];
	_ =	swait.ge [sflag:s4], $0x0  }
0x19: {  	s7 =	sld [smem:$0x3F6F]  }
0x1a: {  	s8 =	sadd.s32 $0xFFFFE003, lr  }
0x1b: {  	s9 =	sadd.s32 $0xFFFFFEF7, lr;
	s5 =	simm.s32 $0xFFFFFFFF;
	p2 =	slt.u32 s8, $0xFFFFF086  }
0x1c: {  	p1 =	slt.u32 s9, $0xF7A;
	s5 =	simm.s32 @!p2 $0x0  }
0x1d: {  	s5 =	simm.s32 @p1 $0x1;
	p0 =	seq.s32 s7, s2  }
0x1e: {  	s7 =	smul.u32 @!p0 $0xF7A, s2;
	p2 =	seq.s32 @!p0 s5, $0x0  }
0x1f: {  	s9 =	smul.u32 $0xF7A, s1;
	s8 =	simm.s32 @!p0 $0x1BF5;
	p2 =	por !p2, p0  }
0x20: {  	[sflag:s8] =	ssyncset.s32 @!p0 $0xFFFFF086;
	s6 =	sadd.s32 @!p0 s3, s7;
	s7 =	simm.s32 @!p0 $0x108  }
0x21: {  	s3 =	sadd.s32 s3, s9;
	s6 =	sadd.s32 @!p0 $0x88, s6;
	s7 =	simm.s32 @p2 $0x1082  }
0x22: {  	[simem:s7], [sflag:s8] =	dma.local @!p0 [hbm:s6], $0xF7A  }
0x23: {  	s9 =	sor.u32 $0xD0000000, s2;
	s6 =	simm.s32 $0x108;
	_ =	swait.ge @!p0 [sflag:s8], $0x0  }
0x24: {  	s3 =	sadd.s32 $0x88, s3;
	s6 =	simm.s32 @!p1 $0x1082;
	[sflag:s4] =	ssyncset.s32 $0xFFFFF086  }
0x25: {  	[simem:s6], [sflag:s4] =	dma.local [hbm:s3], $0xF7A  }
0x26: {  	[smem:$0x3F6F] =	sst s1;
	(tag) =	ssettag s2;
	_ =	strace s9  }
0x27: {  	s1 =	sld [smem:$0x3F7F]  }
0x28: {  	s2 =	sld [smem:$0x3F80]  }
0x29: {  	s4 =	sld [smem:$0x3F82]  }
0x2a: {  	p0 =	seq.s32 s5, $0x0;
	s5 =	sld [smem:$0x3F83]  }
0x2b: {  	s6 =	sld [smem:$0x3F84]  }
0x2c: {  	s7 =	sld [smem:$0x3F85]  }
0x2d: {  	s3 =	simm.s32 $0x108;
	s8 =	sld [smem:$0x3F86]  }
0x2e: {  	s3 =	simm.s32 @!p0 $0x1082;
	s9 =	sld [smem:$0x3F87]  }
0x2f: {  	lr =	sadd.s32 s0, s3;
	s0 =	sld [smem:$0x3F7E]  }
0x30: {  	s3 =	sld [smem:$0x3F81]  }
0x31: {  	[smem:$0x3F8A] =	sst s10  }
0x32: {  	s10 =	sld [smem:$0x3F88];
	_ =	sdelay $0x3  }
0x33: {  	p0 =	seq.s32 s10, $0x1;
	s10 =	sld [smem:$0x3F8A];
	_ =	sdelay $0x3  }
0x34: {  	[smem:$0x3F8A] =	sst s10  }
0x35: {  	s10 =	sld [smem:$0x3F89];
	_ =	sdelay $0x3  }
0x36: {  	p1 =	seq.s32 s10, $0x1;
	s10 =	sld [smem:$0x3F8A];
	_ =	sdelay $0x3  }
0x37: {  	[smem:$0x3F8A] =	sst s10  }
0x38: {  	s10 =	sld [smem:$0x3F8B]  }
0x39: {  	_ = 	snop;
	(pc) =	sbr.ind lr, $3  }
0x3a: {  	_ = 	snop  }
0x3b: {  	_ = 	snop  }
0x3c: {  	p2 =	seq.s32 s10, $0x1;
	s10 =	sld [smem:$0x3F8A]  }
0x3d: {  	_ =	shalt  }
0x3e: {  	_ =	shalt  }
0x3f: {  	_ =	shalt  }
0x40: {  	_ =	shalt  }
0x41: {  	_ =	shalt  }
0x42: {  	_ =	shalt  }
0x43: {  	_ =	shalt  }
0x44: {  	_ =	shalt  }
0x45: {  	_ =	shalt  }
0x46: {  	_ =	shalt  }
0x47: {  	_ =	shalt  }
0x48: {  	_ =	shalt  }
0x49: {  	_ =	shalt  }
0x4a: {  	_ =	shalt  }
0x4b: {  	_ =	shalt  }
0x4c: {  	_ =	shalt  }
0x4d: {  	_ =	shalt  }
0x4e: {  	_ =	shalt  }
0x4f: {  	_ =	shalt  }
0x50: {  	_ =	shalt  }
0x51: {  	_ =	shalt  }
0x52: {  	_ =	shalt  }
0x53: {  	_ =	shalt  }
0x54: {  	_ =	shalt  }
0x55: {  	_ =	shalt  }
0x56: {  	_ =	shalt  }
0x57: {  	_ =	shalt  }
0x58: {  	_ =	shalt  }
0x59: {  	_ =	shalt  }
0x5a: {  	_ =	shalt  }
0x5b: {  	_ =	shalt  }
0x5c: {  	_ =	shalt  }
0x5d: {  	_ =	shalt  }
0x5e: {  	_ =	shalt  }
0x5f: {  	_ =	shalt  }
0x60: {  	_ =	shalt  }
0x61: {  	_ =	shalt  }
0x62: {  	_ =	shalt  }
0x63: {  	_ =	shalt  }
0x64: {  	_ =	shalt  }
0x65: {  	_ =	shalt  }
0x66: {  	_ =	shalt  }
0x67: {  	_ =	shalt  }
0x68: {  	_ =	shalt  }
0x69: {  	_ =	shalt  }
0x6a: {  	_ =	shalt  }
0x6b: {  	_ =	shalt  }
0x6c: {  	_ =	shalt  }
0x6d: {  	_ =	shalt  }
0x6e: {  	_ =	shalt  }
0x6f: {  	_ =	shalt  }
0x70: {  	_ =	shalt  }
0x71: {  	_ =	shalt  }
0x72: {  	_ =	shalt  }
0x73: {  	_ =	shalt  }
0x74: {  	_ =	shalt  }
0x75: {  	_ =	shalt  }
0x76: {  	_ =	shalt  }
0x77: {  	_ =	shalt  }
0x78: {  	_ =	shalt  }
0x79: {  	_ =	shalt  }
0x7a: {  	_ =	shalt  }
0x7b: {  	_ =	shalt  }
0x7c: {  	_ =	shalt  }
0x7d: {  	_ =	shalt  }
0x7e: {  	_ =	shalt  }
0x7f: {  	_ =	shalt  }
0x80: {  	_ =	shalt  }
0x81: {  	_ =	shalt  }
0x82: {  	_ =	shalt  }
0x83: {  	_ =	shalt  }
0x84: {  	_ =	shalt  }
0x85: {  	_ =	shalt  }
0x86: {  	_ =	shalt  }
0x87: {  	_ =	shalt  }
.Lfunc_end0:
.L_simem_size_0:
called_computation_lowered:
.L_overlay_start_0:
0x88: {  	s0 =	sld [smem:$0x3FD9]  }
0x89: {  	s1 =	sld [smem:$0x3FFE];
	_ =	sdelay $0x3  }
0x8a: {  	s0 =	sadd.s32 s1, s0  }
0x8b: {  	[smem:$0x3F96] =	sst s0  }
0x8c: {  	_ = 	snop  }
0x8d: {  	s0 =	sld [smem:$0x3FD0];
	(tm) =	ssettm $0x1  }
0x8e: {  	s16 =	sld [smem:$0x3FFB];
	_ =	sdelay $0x3  }
0x8f: {  	_ =	strace s16  }
0x90: {  	s1 =	sld [smem:$0x3FFC];
	_ =	sdelay $0x3  }
0x91: {  	_ =	strace s1  }
0x92: {  	s1 =	sld [smem:$0x3FFD];
	_ =	sdelay $0x3  }
0x93: {  	_ =	strace s1  }
0x94: {  	_ =	strace $0x8FFFFFFF  }
0x95: {  	s17 =	sld [smem:$0x3FDB];
	_ =	sdelay $0x1  }
0x96: {  	s2 =	simm.s32 $_scs_section_size  }
0x97: {  	s3 =	simm.s32 $_size__tile_overlayer_lowered;
	s4 =	simm.s32 $_tile_overlayer_lowered  }
0x98: {  	s20 =	simm.s32 $0x1BFF;
	s19 =	sshll.u32 s4, $0x1;
	s1 =	sadd.s32 s2, s17  }
0x99: {  	s5 =	simm.s32 $0x0;
	s18 =	sshll.u32 s3, $0x1;
	s3 =	sadd.s32 s19, s1  }
0x9a: {  	[timem:s5], [sflag:s20] =	dma.local [hbm:s3], s18  }
0x9b: {  	_ =	swait.ge [sflag:s20], s18  }
0x9c: {  	s2 =	ssub.s32 $0x0, s18;
	[sflag:s20] =	ssyncset.done $0x0  }
0x9d: {  	[sflag:s20] =	ssyncadd.s32 s2;
	_ =	sdelay $0x1  }
0x9e: {  	s21 =	simm.s32 $0x1B8B  }
0x9f: {  	_ =	swait.ge [sflag:s21], $0x1  }
0xa0: {  	[sflag:s21] =	ssyncset.done $0x0  }
0xa1: {  	s23 =	simm.s32 $0x1B8E;
	s22 =	sld [smem:$0x3FFE];
	[sflag:s21] =	ssyncadd.s32 $0xFFFFFFFF  }
0xa2: {  	s24 =	simm.s32 $execute0_lowered;
	[smem:$0x3FD2] =	sst s23  }
0xa3: {  	s3 =	sshll.u32 s24, $0x1;
	_ =	strace $0x80000046;
	[dreg:$0x1] =	wrdreg $0xFFFFFFFF  }
0xa4: {  	s25 =	simm.s32 $_size_execute0_lowered;
	s1 =	sadd.s32 s1, s3;
	[dreg:$0x0] =	wrdreg $0x0  }
0xa5: {  	s3 =	sshll.u32 s25, $0x1;
	[dreg:$0x2] =	wrdreg s1  }
0xa6: {  	[dreg:$0x3] =	wrdreg s3  }
0xa7: {  	[dreg:$0x4] =	wrdreg $0xC0  }
0xa8: {  	_ =	task [dreg:s5], $0x5FFFF  }
0xa9: {  	[dreg:$0x1] =	wrdreg $0xFFFFFFFF  }
0xaa: {  	[dreg:$0x0] =	wrdreg $0x60  }
0xab: {  	[dreg:$0x2] =	wrdreg s0  }
0xac: {  	[dreg:$0x3] =	wrdreg s22  }
0xad: {  	[dreg:$0x4] =	wrdreg $0x9  }
0xae: {  	_ =	task.clear_ibuf [dreg:s5], $0x5FFFF;
	_ =	strace $0x90000046  }
0xaf: {  	s26 =	simm.s32 $0x9;
	_ =	strace $0x80000048  }
0xb0: {  	_ =	swait.ge [sflag:s26], $0x1  }
0xb1: {  	[sflag:s26] =	ssyncadd.s32 $0xFFFFFFFF  }
0xb2: {  	_ =	strace $0x90000048  }
0xb3: {  	_ =	sfence  }
0xb4: {  	s28 =	sld [smem:$0x0];
	_ =	sdelay $0x1  }
0xb5: {  	s29 =	srdreg.scid  }
0xb6: {  	s30 =	sshll.u32 s29, $0xD;
	s31 =	sshrl.u32 s29, $0x2  }
0xb7: {  	s2 =	sand.u32 $0x4000, s30;
	s1 =	sand.u32 $0x1, s29;
	s0 =	sadd.s32 s31, s28  }
0xb8: {  	s1 =	sor.u32 s2, s1;
	s0 =	sshll.u32 s0, $0x11  }
0xb9: {  	s0 =	sor.u32 s0, s1  }
0xba: {  	s0 =	sadd.s32 $0x8F2B, s0  }
0xbb: {  	[sflag:s0] =	ssyncadd.remote.s32 $0x1  }
0xbc: {  	_ =	sfence.sel $0xFFFF  }
0xbd: {  	[dreg:$0x0] =	wrdreg $0xFFFFFFFF;
	(pc) =	sbr.abs _section_cstart, $3  }
0xbe: {  	[dreg:$0x1] =	wrdreg $0xFFFFFFFF  }
0xbf: {  	_ =	task.clear_ibuf [dreg:s5], $0x2FFFF;
	_ =	strace $0x9FFFFFFF  }
0xc0: {  	(tm) =	ssettm $0x7FFFFFFF  }
0xc1: {  	_ =	shalt  }
tec
execute0_lowered:
.L_overlay_start_1:
0x0: {  	(tag) =	ssettag $0x1  }
0x1: {  	s1 =	rddreg [dreg:$0x0]  }
0x2: {  	s0 =	rddreg [dreg:$0x1];
	_ =	strace $0x80000047;
	s14 =	stileid.u32  }
0x3: {  	s2 =	simm.s32 $0x1;
	s3 =	smin.u32 s14, $0xB;
	s4 =	sshll.u32 s14, $0x2  }
0x4: {  	v1 =	vimm.s32 $0xFFFFFFFF;
	[sflag:s2] =	ssyncpa.u1 $0x0;
	s3 =	sadd.s32 s3, s4  }
0x5: {  	p0 =	slt.u32 s14, $0xB;
	[tilespmem:$0x10] =	vst v1;
	s4 =	simm.s32 $0x9C40;
	s3 =	smul.u32 $0x1F40, s3  }
0x6: {  	v0 =	vimm.f32 $0.0e+00;
	[tilespmem:$0x20] =	vst v1;
	s4 =	simm.s32 @!p0 $0x7D00  }
0x7: {  	[tilespmem:$0x30] =	vst v0;
	s4 =	sadd.s32 s4, s3  }
0x8: {  	[tilespmem:$0x40] =	vst v0;
	s4 =	smin.u32 s4, $0x927C0  }
0x9: {  	[tilespmem:$0x50] =	vst v0;
	s9 =	ssub.s32 s4, s3  }
0xa: {  	s7 =	simm.s32 $0x2;
	[tilespmem:$0x60] =	vst v1;
	p0 =	sgt.s32 s9, $0x0  }
0xb: {  	s8 =	simm.s32 $0x8;
	s31 =	simm.s32 $0x9;
	[tilespmem:$0x70] =	vst v1;
	s9 =	simm.s32 @!p0 $0x0  }
0xc: {  	s16 =	simm.s32 $0x0;
	s17 =	simm.s32 $0xF0;
	[tilespmem:$0x80] =	vst v1;
	s5 =	smulhi.u32 $0x10624DD3, s9  }
0xd: {  	s18 =	simm.s32 $0xFFFFFFFF;
	s19 =	simm.s32 $0xFFFFC280;
	s20 =	simm.s32 $0xFFFFFFFE;
	v1 =	vimm.s32 $0x0;
	[tilespmem:$0xB0] =	vst v0  }
0xe: {  	s21 =	simm.s32 $0xF;
	s25 =	simm.s32 $0x0;
	[tilespmem:$0x90] =	vst v1;
	s10 =	sshrl.u32 s5, $0x9  }
0xf: {  	[tilespmem:$0xA0] =	vst v1;
	[sflag:s7] =	ssyncpa.u1 $0x0;
	s7 =	simm.s32 $0x7;
	s11 =	smul.u32 $0x1F40, s10  }
0x10: {  	s24 =	simm.s32 $0x0;
	s6 =	sadd.s32 $0x3B800, s0;
	[sflag:s7] =	ssyncpa.u1 $0x0  }
.Ltmp0:
0x11: {  	[sflag:s8] =	ssyncpa.u1 $0x0;
	p0 =	sne.s32 s9, s11;
	(pc) =	sbr.rel .LBB2_1-.Ltmp0, $4  }
0x12: {  	s23 =	smov.u32 s3;
	[sflag:s31] =	ssyncpa.u1 $0x0;
	s2 =	simm.s32 @!p0 $0x0  }
0x13: {  	s5 =	sadd.s32 $0x29200, s0;
	p0 =	por $0x0, $0x0;
	s9 =	sadd.s32 s2, s10  }
0x14: {  	vm0 =	vmmov $0xffff;
	v2 =	vlaneseq.u32;
	s10 =	sshll.u32 s14, $0x1;
	s14 =	sshllo.u32 s14, $0x1;
	s11 =	sadd.s32 $0x1, s9  }
0x15: {  	vm1 =	vmxor vm1, vm1;
	vm2 =	vmmov $0x1;
	vm3 =	vcmask $0x3F3C;
	s12 =	sadd.s32 $0x2, s9;
	s13 =	sor.u32 $0x81, s10;
	s15 =	sor.u32 $0x80, s10  }
.LBB2_9:
0x16: {  	p1 =	slt.u32 s24, $0x3  }
0x17: {  	s0 =	simm.s32 @!p1 $0x2  }
0x18: {  	_ =	swait.ge @!p1 [sflag:s0], $0x1F40  }
0x19: {  	[sflag:s0] =	ssyncset.done @!p1 $0x0  }
0x1a: {  	[sflag:s0] =	ssyncadd.s32 @!p1 $0xFFFFE0C0;
	s0 =	simm.s32 @!p1 $0x9  }
0x1b: {  	_ =	swait.ge @!p1 [sflag:s0], $0x10  }
0x1c: {  	[sflag:s0] =	ssyncset.done @!p1 $0x0  }
0x1d: {  	[sflag:s0] =	ssyncadd.s32 @!p1 $0xFFFFFFF0;
	p1 =	sne.s32 s24, s12  }
.Ltmp1:
0x1e: {  	s2 =	sadd.s32 $0x1F40, s23;
	(pc) =	sbr.rel @!p1 .LBB2_10-.Ltmp1, $4  }
0x1f: {  	s22 =	smov.u32 s3;
	s31 =	sadd.s32 $0x1, s24;
	s17 =	sadd.s32 $0x1F40, s17  }
0x20: {  	s18 =	sadd.s32 $0x1, s18;
	s25 =	smov.u32 s23;
	p2 =	slt.s32 s2, s4  }
0x21: {  	p0 =	por !p0, !p0;
	s19 =	sadd.s32 $0x1F40, s19;
	s22 =	smov.u32 @p2 s2  }
0x22: {  	s20 =	sadd.s32 $0x1, s20;
	s23 =	smov.u32 s22;
	s24 =	smov.u32 s31  }
.LBB2_1:
0x23: {  	p1 =	sge.u32 s24, s9  }
0x24: {  	s0 =	smulhi.u32 @!p1 $0xAAAAAAAB, s24;
	_ =	sdelay $0x1  }
0x25: {  	s0 =	sshrl.u32 @!p1 s0, $0x1  }
0x26: {  	s0 =	smul.u32 @!p1 $0x3, s0;
	_ =	sdelay $0x1  }
0x27: {  	s0 =	ssub.s32 @!p1 s24, s0  }
0x28: {  	s0 =	smul.u32 @!p1 $0x7D00, s0;
	_ =	sdelay $0x1  }
0x29: {  	s2 =	sshrl.u32 @!p1 s23, $0x3;
	s0 =	sshrl.u32 @!p1 s0, $0x2  }
0x2a: {  	s22 =	sand.u32 @!p1 $0x7, s23;
	s2 =	sadd.s32 @!p1 s5, s2;
	s0 =	sadd.s32 @!p1 $0x100, s0  }
0x2b: {  	[tilespmem:s0], [sflag:$0x7] =	stream.linear.gather @!p1 [hbm4b:s2+s22], $0x1F40, $0x38;
	[tilespmem:$0x11A60] =	vst v63  }
0x2c: {  	s0 =	sadd.s32 $0xFFFFFFFF, s24  }
0x2d: {  	p1 =	sge.u32 s0, s9  }
.Ltmp2:
0x2e: {  	_ = 	snop;
	(pc) =	sbr.rel @p1 .LBB2_5-.Ltmp2, $1  }
0x2f: {  	_ =	sdelay $0x3  }
0x30: {  	s2 =	smulhi.u32 $0xAAAAAAAB, s0;
	_ =	sdelay $0x1  }
0x31: {  	s2 =	sshrl.u32 s2, $0x1  }
0x32: {  	s2 =	smul.u32 $0x3, s2;
	_ =	sdelay $0x1  }
0x33: {  	s2 =	ssub.s32 s0, s2  }
0x34: {  	s2 =	smul.u32 $0x7D00, s2  }
0x35: {  	_ =	swait.ge [sflag:s7], $0x1F40  }
0x36: {  	[sflag:s7] =	ssyncset.done $0x0;
	s2 =	sshrl.u32 s2, $0x2  }
0x37: {  	[sflag:s7] =	ssyncadd.s32 $0xFFFFE0C0;
	(ifvalue) =	ssetifvalue $0xFFFFFFFF;
	v3 =	vld.msk [tilespmem:s2+$0x100 ss:$0x1], $0xffff;
	_ =	sdelay $0x2  }
0x38: {  	s30 =	smulhi.u32 $0xAAAAAAAB, s18;
	p1 =	sne.s32 s24, $0x1  }
0x39: {  	v4 =	vimm.s32 @!p1 $0x0  }
0x3a: {  	s2 =	sshrl.u32 s30, $0x1;
	v4 =	vperm.xlane @!p1 v3, v4  }
0x3b: {  	s22 =	sshll.u32 s24, $0x4;
	s2 =	smul.u32 $0xFFFE8900, s2;
	vm4 =	vlt.u32 v3, $0x18800  }
0x3c: {  	s22 =	sand.u32 $0x10, s22;
	v3 =	vnsel vm4, $0xFFFFFFFE, v3;
	vm4 =	vlt.u32 @!p1 v4, $0x18800  }
0x3d: {  	s2 =	sshra.s32 s2, $0x2;
	[tilespmem:s22+$0x60] =	vst v3;
	v3 =	vnsel @!p1 vm4, $0xFFFFFFFE, v4  }
0x3e: {  	s28 =	sadd.s32 s2, s17;
	[tilespmem:$0x80] =	vst @!p1 v3  }
0x3f: {  	v3 =	vld.msk [tilespmem:s28+$0x0 ss:$0x1], $0xffff;
	_ =	sdelay $0x4  }
0x40: {  	(xrf1) =	vunique.msk.u32 $0xffff, v3;
	_ =	sdelay $0xd  }
0x41: {  	v4 =	vimm.s32 $0xFFFFFFFF;
	v5, _, _ =	vpop (xrf1)  }
0x42: {  	vm5 =	vne.s32 v3, v4;
	vm4 =	veq.s32 v5, v2  }
0x43: {  	vm6 =	vlt.u32 v3, $0x18800;
	vm4 =	vmand vm5, vm4  }
0x44: {  	vm4 =	vmand vm6, vm4  }
0x45: {  	v4 =	vnsel vm4, $0xFFFFFFFF, v3  }
0x46: {  	s31 =	sand.u32 $0x1, s0  }
0x47: {  	s0 =	simm.s32 $0x1F40;
	p1 =	seq.s32 s31, $0x1  }
0x48: {  	s0 =	simm.s32 @!p1 $0x0  }
0x49: {  	s26 =	sadd.s32 $0x7DF0, s0;
	(ifvalue) =	ssetifvalue $0xFFFFFFFF  }
0x4a: {  	v3 =	vperm.xlane v3, v1;
	[tilespmem:s26], [sflag:$0x8] =	stream.indirect_vreg.gather [hbm4b:s1+s16], $0x1, v4, vm0, $0x4038;
	v4 =	vnsel vm6, $0xFFFFFFFE, v4;
	[tilespmem:$0x11A60] =	vst v63  }
0x4b: {  	s2 =	simm.s32 $0x0;
	s22 =	sadd.s32 $0xFFFFFFF0, s28;
	[tilespmem:s28+$0x0] =	vst v4  }
.LBB2_3:
0x4c: {  	v4 =	vld.msk [tilespmem:s22+$0x0 ss:$0x1], $0xffff;
	s2 =	sadd.s32 $0x10, s2;
	v5 =	vmov v3;
	s28 =	smov.u32 s22  }
0x4d: {  	p1 =	slt.u32 s2, $0x1F30;
	_ =	sdelay $0x4  }
0x4e: {  	v3 =	vperm.xlane v4, v1;
	(xrf1) =	vunique.msk.u32 $0xffff, v4;
	_ =	sdelay $0xd  }
0x4f: {  	v6, _, _ =	vpop (xrf1)  }
0x50: {  	vm5 =	vne.s32 v4, v5;
	vm4 =	veq.s32 v6, v2  }
0x51: {  	vm6 =	vlt.u32 v4, $0x18800;
	vm4 =	vmand vm5, vm4  }
0x52: {  	vm4 =	vmand vm6, vm4  }
0x53: {  	v4 =	vnsel vm4, $0xFFFFFFFF, v4  }
.Ltmp3:
0x54: {  	v5 =	vnsel vm6, $0xFFFFFFFE, v4;
	(pc) =	sbr.rel @p1 .LBB2_3-.Ltmp3, $3  }
0x55: {  	_ =	sdelay $0x1  }
0x56: {  	s22 =	sadd.s32 $0xFFFFFFF0, s22;
	s26 =	sadd.s32 $0xFFFFFFF0, s26;
	(ifvalue) =	ssetifvalue $0xFFFFFFFF  }
0x57: {  	[tilespmem:s26], [sflag:$0x8] =	stream.indirect_vreg.gather [hbm4b:s1+s16], $0x1, v4, vm0, $0x4038;
	[tilespmem:s28+$0x0] =	vst v5  }
0x58: {  	s2 =	sshrl.u32 s25, $0x3  }
0x59: {  	s0 =	sadd.s32 $0x9D40, s0;
	s2 =	sadd.s32 s6, s2  }
0x5a: {  	[tilespmem:s0], [sflag:$0x8] =	stream.linear.gather [hbm:s2], $0x1F40, $0x38;
	[tilespmem:$0x11A60] =	vst v63  }
.LBB2_5:
0x5b: {  	p1 =	slt.u32 s24, $0x2  }
0x5c: {  	p2 =	sge.u32 @!p1 s24, s12  }
0x5d: {  	p1 =	por p1, p2  }
.Ltmp4:
0x5e: {  	_ = 	snop;
	(pc) =	sbr.rel @p1 .LBB2_9-.Ltmp4, $1  }
0x5f: {  	_ =	sdelay $0x3  }
0x60: {  	s0 =	sadd.s32 $0xFFFFFFFE, s24  }
0x61: {  	s2 =	smulhi.u32 $0xAAAAAAAB, s0;
	_ =	sdelay $0x1  }
0x62: {  	s2 =	sshrl.u32 s2, $0x1  }
0x63: {  	s2 =	smul.u32 $0x3, s2;
	_ =	sdelay $0x1  }
0x64: {  	s0 =	ssub.s32 s0, s2  }
0x65: {  	_ =	swait.ge [sflag:s8], $0x3E80;
	s0 =	smul.u32 $0x1F40, s0  }
0x66: {  	p1 =	sne.s32 s24, s11;
	[sflag:s8] =	ssyncset.done $0x0  }
0x67: {  	[sflag:s8] =	ssyncadd.s32 $0xFFFFC180;
	s2 =	sadd.s32 @!p1 $0x203F, s0  }
0x68: {  	[spmem:s13] =	stream.linear.scatter @!p1 [tilespmem:s2], [sflag:$0x1], $0x1, $0x38;
	[tilespmem:$0x11A60] =	vst v63  }
0x69: {  	s2 =	simm.s32 @!p1 $0x1  }
0x6a: {  	_ =	swait.ge @!p1 [sflag:s2], $0x1  }
0x6b: {  	s22 =	sshll.u32 s24, $0x4;
	[sflag:s2] =	ssyncset.done @!p1 $0x0  }
0x6c: {  	s25 =	sand.u32 $0x10, s22;
	[sflag:s2] =	ssyncadd.s32 @!p1 $0xFFFFFFFF  }
0x6d: {  	s2 =	sxor.u32 $0x10, s25;
	v4 =	vld [tilespmem:s25+$0x10]  }
0x6e: {  	v5 =	vld [tilespmem:s2+$0x60]  }
0x6f: {  	v3 =	vld [tilespmem:$0x80];
	_ =	sdelay $0x2  }
0x70: {  	(v2sf) =	vpush v4, $0x0  }
0x71: {  	(v2sf) =	vpush v5, $0x0  }
0x72: {  	(v2sf) =	vpush v3, $0x0;
	_ =	sdelay $0xc  }
0x73: {  	s22 =	spop (v2sf)  }
0x74: {  	s26 =	spop (v2sf)  }
0x75: {  	s28 =	spop (v2sf)  }
0x76: {  	p2 =	seq.s32 s22, s26;
	p3 =	seq.s32 s28, s22  }
0x77: {  	p3 =	por p2, p3  }
0x78: {  	s26 =	sand.u32 $0x1, s24;
	v4 =	vpsel p3, $0xFFFFFFFF, v4  }
0x79: {  	s29 =	smul.u32 $0x1F40, s26;
	[tilespmem:s25+$0x10] =	vst.msk $0x1, v4  }
0x7a: {  	v4 =	vld [tilespmem:$0x30]  }
0x7b: {  	v5 =	vld [tilespmem:s29+$0x9D40]  }
0x7c: {  	v6 =	vld [tilespmem:s25+$0x40];
	_ =	sdelay $0x3  }
0x7d: {  	vm4 =	vmmov vm1;
	v5 =	vadd.f32 v5, v4  }
0x7e: {  	vm5 =	vmmov vm2;
	vm4 =	vmmov @p2 vm2;
	s22 =	sshll.u32 s26, $0x4;
	v4 =	vadd.f32 v6, v4  }
0x7f: {  	s26 =	sor.u32 $0x11A40, s22;
	vm5 =	vmmov @p3 vm1;
	[tilespmem:s29+$0x9D40] =	vst.msk vm4, v5  }
0x80: {  	[tilespmem:s26+$0x0] =	vst.msk vm5, v4  }
0x81: {  	v4 =	vld [tilespmem:s29+$0x7DF0];
	_ =	sdelay $0x3  }
0x82: {  	v5 =	vimm.f32 $0.0e+00  }
0x83: {  	v4 =	vshift.insert v4, v5, s21  }
0x84: {  	s22 =	sor.u32 $0x40, s2  }
0x85: {  	[tilespmem:s22+$0x0] =	vst.msk $0x1, v4  }
0x86: {  	[tilespmem:s29+$0x7DFF] =	vst.msk $0x1, v5  }
0x87: {  	v4 =	vld [tilespmem:s0+$0x2030];
	_ =	sdelay $0x1  }
0x88: {  	s22 =	smulhi.u32 $0xAAAAAAAB, s20;
	s0 =	simm.s32 $0x1  }
0x89: {  	s0 =	simm.s32 @!p0 $0x0  }
0x8a: {  	s22 =	sshrl.u32 s22, $0x1;
	s0 =	smul.u32 $0x7D00, s0  }
0x8b: {  	s22 =	smul.u32 $0xFFFE8900, s22;
	v4 =	vshift.insert v4, v1, s21  }
0x8c: {  	s0 =	sshrl.u32 s0, $0x2  }
0x8d: {  	s22 =	sshra.s32 s22, $0x2;
	s30 =	sadd.s32 $0x9D40, s0;
	[tilespmem:s2+$0x10] =	vst.msk $0x1, v4  }
0x8e: {  	s22 =	sadd.s32 s22, s19;
	v6 =	vld [tilespmem:s30+$0x0]  }
0x8f: {  	v7 =	vld [tilespmem:s22+$0x0];
	_ =	sdelay $0x3  }
0x90: {  	v5 =	vadd.f32 v6, v5  }
0x91: {  	vm4 =	vne.s32 v7, $0xFFFFFFFF  }
0x92: {  	(xrf2) =	vadd.seg.scan.f32 vm4, v5;
	_ =	sdelay $0x3  }
0x93: {  	s31 =	sadd.s32 $0x5EC0, s0;
	v5 =	vperm.xlane v4, v1  }
0x94: {  	v6 =	vld [tilespmem:s31+$0x0]  }
0x95: {  	vm5 =	veq.s32 v7, v3;
	vm6 =	veq.s32 v7, v5  }
0x96: {  	vm7 =	vgt.u32 v7, $0xFFFFFFFD;
	vm6 =	vmor vm6, vm5  }
0x97: {  	vm6 =	vmor vm6, vm7  }
0x98: {  	v9 =	vld [tilespmem:$0xA0];
	v7 =	vsel vm6, $0xFFFFFFFF, v7  }
0x99: {  	v10 =	vld [tilespmem:$0x90];
	v6 =	vsel vm5, $0x0, v6;
	v8, _, _ =	vpop (xrf2)  }
0x9a: {  	v6 =	vadd.f32 v8, v6  }
0x9b: {  	s0 =	sadd.s32 $0xDBC0, s0  }
0x9c: {  	vm4 =	vmand vm4, vm3;
	[tilespmem:s0+$0x0] =	vst v6;
	(ifvalue) =	ssetifvalue $0xFFFFFFFF  }
0x9d: {  	vm6 =	veq.s32 v9, $0x1;
	[hbm4b:s1+s16] =	stream.indirect_vreg.scatter [tilespmem:s0], [sflag:$0x2], $0x1, v7, vm0, $0x4038;
	v7 =	vsel vm4, $0x0, v8;
	[tilespmem:$0x11A60] =	vst v63  }
0x9e: {  	s2 =	simm.s32 $0x0;
	s22 =	sadd.s32 $0x10, s22;
	vm4 =	vmor vm6, vm5;
	v6 =	vsel vm5, v8, v10;
	v7 =	vshift.insert v7, v0, s21  }
.LBB2_7:
0x9f: {  	v8 =	vld [tilespmem:s22+$0x0];
	s30 =	sadd.s32 $0x10, s30  }
0xa0: {  	s31 =	sadd.s32 $0x10, s31;
	v9 =	vld [tilespmem:s30+$0x0]  }
0xa1: {  	s2 =	sadd.s32 $0x10, s2;
	v10 =	vld [tilespmem:s31+$0x0]  }
0xa2: {  	p2 =	slt.u32 s2, $0x1F30;
	_ =	sdelay $0x2  }
0xa3: {  	v7 =	vadd.f32 v9, v7  }
0xa4: {  	vm5 =	vne.s32 v8, $0xFFFFFFFF  }
0xa5: {  	vm6 =	vmand vm5, vm3;
	(xrf2) =	vadd.seg.scan.f32 vm5, v7;
	_ =	sdelay $0x5  }
0xa6: {  	vm7 =	veq.s32 v8, v5;
	vm5 =	veq.s32 v8, v3  }
0xa7: {  	vm8 =	vgt.u32 v8, $0xFFFFFFFD;
	vm4 =	vmor vm4, vm5;
	vm7 =	vmor vm7, vm5  }
0xa8: {  	vm7 =	vmor vm7, vm8  }
0xa9: {  	v8 =	vsel vm7, $0xFFFFFFFF, v8  }
.Ltmp5:
0xaa: {  	v7 =	vsel vm5, $0x0, v10;
	v9, _, _ =	vpop (xrf2);
	(pc) =	sbr.rel @p2 .LBB2_7-.Ltmp5, $4  }
0xab: {  	v6 =	vsel vm5, v9, v6;
	v10 =	vadd.f32 v9, v7;
	v7 =	vsel vm6, $0x0, v9  }
0xac: {  	s0 =	sadd.s32 $0x10, s0;
	v7 =	vshift.insert v7, v0, s21  }
0xad: {  	s22 =	sadd.s32 $0x10, s22;
	[tilespmem:s0+$0x0] =	vst v10;
	(ifvalue) =	ssetifvalue $0xFFFFFFFF  }
0xae: {  	[hbm4b:s1+s16] =	stream.indirect_vreg.scatter [tilespmem:s0], [sflag:$0x2], $0x1, v8, vm0, $0x4038;
	[tilespmem:$0x11A60] =	vst v63  }
0xaf: {  	v3 =	vld [tilespmem:s29+$0xFAF0];
	_ =	sdelay $0x4  }
0xb0: {  	v3 =	vshift.insert v3, v0, s21  }
0xb1: {  	s0 =	simm.s32 $0x30  }
0xb2: {  	[tilespmem:s0+$0x0] =	vst.msk $0x1, v3  }
0xb3: {  	v3 =	vsel vm4, $0x1, v1;
	[tilespmem:$0x90] =	vst v6  }
0xb4: {  	s0 =	sadd.s32 @!p1 $0xFAFF, s29;
	[tilespmem:$0xA0] =	vst v3  }
0xb5: {  	[spmem:s14] =	stream.linear.scatter @!p1 [tilespmem:s0], [sflag:$0x1], $0x1, $0x38;
	[tilespmem:$0x11A60] =	vst v63  }
0xb6: {  	s0 =	simm.s32 @!p1 $0x1  }
0xb7: {  	v3 =	vmctz.xlane @!p1 vm4;
	_ =	swait.ge @!p1 [sflag:s0], $0x1  }
0xb8: {  	(v2sf) =	vpush @!p1 v4, $0x0  }
0xb9: {  	(v2sf) =	vpush @!p1 v3, $0x0;
	_ =	sdelay $0xd  }
0xba: {  	s2 =	spop @!p1 (v2sf)  }
0xbb: {  	s22 =	spop @!p1 (v2sf)  }
0xbc: {  	p2 =	sne.s32 @!p1 s28, s2;
	p3 =	slt.s32 @!p1 s22, $0xF  }
0xbd: {  	[sflag:s0] =	ssyncset.done @!p1 $0x0;
	p2 =	por p2, p1;
	p3 =	por !p3, p1  }
0xbe: {  	[sflag:s0] =	ssyncadd.s32 @!p1 $0xFFFFFFFF;
	v3 =	vimm.s32 @!p2 $0xFFFFFFFF;
	s22 =	simm.s32 @p3 $0xF  }
0xbf: {  	[tilespmem:$0x80] =	vst @!p2 v3;
	s2 =	sadd.s32 @!p1 $0x90, s22  }
0xc0: {  	[spmem:s10] =	stream.linear.scatter @!p1 [tilespmem:s2], [sflag:$0x1], $0x1, $0x38;
	[tilespmem:$0x11A60] =	vst v63  }
0xc1: {  	_ =	swait.ge @!p1 [sflag:s0], $0x1  }
0xc2: {  	[sflag:s0] =	ssyncset.done @!p1 $0x0  }
0xc3: {  	s2 =	simm.s32 @!p1 $0x80;
	[sflag:s0] =	ssyncadd.s32 @!p1 $0xFFFFFFFF  }
0xc4: {  	[spmem:s15] =	stream.linear.scatter @!p1 [tilespmem:s2], [sflag:$0x1], $0x1, $0x38;
	[tilespmem:$0x11A60] =	vst v63  }
0xc5: {  	_ =	swait.ge @!p1 [sflag:s0], $0x1  }
0xc6: {  	[sflag:s0] =	ssyncset.done @!p1 $0x0  }
0xc7: {  	[sflag:s0] =	ssyncadd.s32 @!p1 $0xFFFFFFFF;
	(ifvalue) =	ssetifvalue $0xFFFFFFFF;
	v3 =	vld [tilespmem:s25+$0x10];
	_ =	sdelay $0x3  }
.Ltmp6:
0xc8: {  	_ = 	snop;
	(pc) =	sbr.rel .LBB2_9-.Ltmp6, $3  }
0xc9: {  	_ =	sdelay $0x1  }
0xca: {  	(ifvalue) =	ssetifvalue $0xFFFFFFFF  }
0xcb: {  	[hbm4b:s1+s16] =	stream.indirect_vreg.scatter [tilespmem:s26], [sflag:$0x9], $0x1, v3, vm0, $0x4038;
	[tilespmem:$0x11A60] =	vst v63  }
.LBB2_10:
0xcc: {  	_ =	sfence.sel $0x180000  }
0xcd: {  	s0 =	simm.s32 $0x7;
	[bflag:$0x0] =	sbarrier.arrive $0xFFFF  }
0xce: {  	s26 =	simm.s32 $0x8;
	[sflag:s0] =	ssyncpa.u1 $0x1  }
0xcf: {  	s28 =	simm.s32 $0x9;
	[sflag:s26] =	ssyncpa.u1 $0x1  }
0xd0: {  	[sflag:s28] =	ssyncpa.u1 $0x1  }
0xd1: {  	_ =	sfence.stream.spmem  }
0xd2: {  	s29 =	simm.s32 $0x3;
	[bflag:$0x0] =	sbarrier.arrive $0xFFFF  }
0xd3: {  	s30 =	simm.s32 $0x4;
	[sflag:s29] =	ssyncpa.u1 $0x1  }
0xd4: {  	s31 =	simm.s32 $0x3C;
	s2 =	stileid.u32;
	[sflag:s30] =	ssyncpa.u1 $0x1  }
0xd5: {  	p0 =	sne.s32 s2, $0x0;
	[sflag:s31] =	ssyncpa.u1 $0x1  }
0xd6: {  	s0 =	simm.s32 @p0 $0x1;
	_ =	sfence @p0  }
0xd7: {  	[sflag:s0] =	ssyncpa.u1 @p0 $0x1;
	s0 =	simm.s32 @p0 $0x2  }
0xd8: {  	[sflag:s0] =	ssyncpa.u1 @p0 $0x1  }
0xd9: {  	_ =	strace @p0 $0x90000047  }
0xda: {  	[bflag:$0x2] =	sbarrier.arrive @p0 $0xFFFF  }
0xdb: {  	_ =	shalt @p0  }
.LBB2_11:
0xdc: {  	_ =	sfence.stream.spmem;
	s0 =	simm.s32 $0x5  }
0xdd: {  	s2 =	simm.s32 $0x80;
	s3 =	simm.s32 $0xC0;
	[sflag:s0] =	ssyncpa.u1 $0x0  }
0xde: {  	[tilespmem:s3], [sflag:$0x5] =	stream.linear.gather [spmem:s2], $0x20, $0x38;
	[tilespmem:$0x11A60] =	vst v63  }
0xdf: {  	s2 =	simm.s32 $0x0;
	s3 =	simm.s32 $0xE0  }
0xe0: {  	[tilespmem:s3], [sflag:$0x5] =	stream.linear.gather [spmem:s2], $0x20, $0x38;
	[tilespmem:$0x11A60] =	vst v63  }
.Ltmp7:
0xe1: {  	_ = 	snop;
	(pc) =	sbr.rel .LBB2_12-.Ltmp7, $4  }
0xe2: {  	_ =	swait.ge [sflag:s0], $0x40  }
0xe3: {  	[sflag:s0] =	ssyncset.done $0x0  }
0xe4: {  	s31 =	simm.s32 $0x6;
	[sflag:s0] =	ssyncadd.s32 $0xFFFFFFC0  }
0xe5: {  	s4 =	simm.s32 $0x0;
	[sflag:s31] =	ssyncpa.u1 $0x0  }
.LBB2_17:
0xe6: {  	p0 =	sgt.u32 s5, $0x187FF  }
0xe7: {  	s0 =	sshrl.u32 @!p0 s5, $0x3  }
0xe8: {  	s5 =	sand.u32 @!p0 $0x7, s5;
	s6 =	simm.s32 @!p0 $0xB0;
	s0 =	sadd.s32 @!p0 s1, s0  }
0xe9: {  	[tilespmem:s6], [sflag:$0x6] =	stream.linear.gather @!p0 [hbm4b:s0+s5], $0x1, $0x38;
	[tilespmem:$0x11A60] =	vst v63  }
0xea: {  	s0 =	simm.s32 @!p0 $0x6  }
0xeb: {  	_ =	swait.ge @!p0 [sflag:s0], $0x1  }
0xec: {  	[sflag:s0] =	ssyncset.done @!p0 $0x0  }
0xed: {  	[sflag:s0] =	ssyncadd.s32 @!p0 $0xFFFFFFFF  }
0xee: {  	v2 =	vmov @!p0 s4;
	v1 =	vld.msk @!p0 [tilespmem:$0xB0], $0x1;
	_ =	sdelay $0x3  }
0xef: {  	s0 =	simm.s32 @!p0 $0xE0  }
0xf0: {  	[tilespmem:v2+s0+$0x0], v1 =	vst.idx.ret.add.f32.msk @!p0 $0x1, v1  }
0xf1: {  	[tilespmem:s2+$0xC0] =	vst.msk $0x1, v0  }
0xf2: {  	v0 =	vld.msk [tilespmem:s4+$0xE0], $0x1;
	_ =	sdelay $0x4  }
0xf3: {  	[tilespmem:s2+$0xE0] =	vst.msk $0x1, v0;
	s2 =	sadd.s32 $0x1, s2  }
.LBB2_19:
0xf4: {  	s4 =	sadd.s32 $0x1, s4  }
0xf5: {  	p0 =	sne.s32 s4, $0x20  }
.Ltmp8:
0xf6: {  	_ = 	snop;
	(pc) =	sbr.rel @!p0 .LBB2_20-.Ltmp8, $1  }
0xf7: {  	_ =	sdelay $0x3  }
.LBB2_12:
0xf8: {  	v0 =	vld.msk [tilespmem:s4+$0xC0], $0x1;
	_ =	sdelay $0x4  }
0xf9: {  	(v2sf) =	vpush v0, $0x0;
	_ =	sdelay $0xe  }
0xfa: {  	s5 =	spop (v2sf)  }
0xfb: {  	p0 =	seq.s32 s5, $0xFFFFFFFF  }
.Ltmp9:
0xfc: {  	_ = 	snop;
	(pc) =	sbr.rel @p0 .LBB2_19-.Ltmp9, $1  }
0xfd: {  	_ =	sdelay $0x3  }
0xfe: {  	p0 =	slt.s32 s2, $0x1  }
.Ltmp10:
0xff: {  	_ = 	snop;
	(pc) =	sbr.rel @p0 .LBB2_17-.Ltmp10, $1  }
0x100: {  	_ =	sdelay $0x3  }
0x101: {  	s0 =	simm.s32 $0xC0;
	p0 =	por $0x0, $0x0  }
0x102: {  	v1 =	vld.msk @!p0 [tilespmem:s0+$0x0], $0x1;
	_ =	sdelay $0x4  }
0x103: {  	(v2sf) =	vpush @!p0 v1, $0x0;
	_ =	sdelay $0xd  }
0x104: {  	p2 =	sne.s32 s2, $0x1  }
.Ltmp11:
0x105: {  	s6 =	spop @!p0 (v2sf);
	(pc) =	sbr.rel @!p2 .LBB2_16-.Ltmp11, $4  }
0x106: {  	p1 =	seq.s32 @!p0 s5, s6  }
0x107: {  	s6 =	simm.s32 $0x0;
	p1 =	por !p1, p0  }
0x108: {  	s8 =	simm.s32 $0xFFFFFFFF;
	s6 =	simm.s32 @p1 $0xFFFFFFFF  }
0x109: {  	s7 =	simm.s32 $0x1;
	s6 =	smov.u32 @p0 s8  }
.LBB2_15:
0x10a: {  	s8 =	smov.u32 s6;
	p0 =	sne.s32 s6, $0xFFFFFFFF  }
0x10b: {  	s0 =	sadd.s32 $0x1, s0;
	s6 =	smov.u32 s7;
	s7 =	sadd.s32 $0x1, s7  }
0x10c: {  	p1 =	sne.s32 s2, s7;
	v1 =	vld.msk @!p0 [tilespmem:s0+$0x0], $0x1;
	_ =	sdelay $0x4  }
0x10d: {  	(v2sf) =	vpush @!p0 v1, $0x0;
	_ =	sdelay $0xe  }
.Ltmp12:
0x10e: {  	s9 =	spop @!p0 (v2sf);
	(pc) =	sbr.rel @p1 .LBB2_15-.Ltmp12, $4  }
0x10f: {  	p2 =	seq.s32 @!p0 s5, s9  }
0x110: {  	p2 =	por !p2, p0  }
0x111: {  	s6 =	simm.s32 @p2 $0xFFFFFFFF  }
0x112: {  	s6 =	smov.u32 @p0 s8  }
.LBB2_16:
0x113: {  	p0 =	sne.s32 s6, $0xFFFFFFFF  }
.Ltmp13:
0x114: {  	_ = 	snop;
	(pc) =	sbr.rel @!p0 .LBB2_17-.Ltmp13, $1  }
0x115: {  	_ =	sdelay $0x3  }
0x116: {  	v0 =	vld.msk [tilespmem:s4+$0xE0], $0x1;
	v1 =	vmov s6  }
.Ltmp14:
0x117: {  	_ = 	snop;
	(pc) =	sbr.rel .LBB2_19-.Ltmp14, $2  }
0x118: {  	_ =	sdelay $0x2  }
0x119: {  	[tilespmem:v1+s3+$0x0], v0 =	vst.idx.ret.add.f32.msk $0x1, v0  }
.LBB2_20:
0x11a: {  	p0 =	slt.s32 s2, $0x1  }
.Ltmp15:
0x11b: {  	_ = 	snop;
	(pc) =	sbr.rel @p0 .LBB2_24-.Ltmp15, $3  }
0x11c: {  	_ =	sdelay $0x1  }
0x11d: {  	s0 =	simm.s32 $0x6  }
0x11e: {  	s3 =	simm.s32 $0x0;
	[sflag:s0] =	ssyncpa.u1 $0x1  }
0x11f: {  	s0 =	simm.s32 $0xC0  }
0x120: {  	v0 =	vld.msk [tilespmem:s0+$0x0], $0x1;
	_ =	sdelay $0x4  }
0x121: {  	(v2sf) =	vpush v0, $0x0;
	_ =	sdelay $0xe  }
0x122: {  	s2 =	sadd.s32 $0xFFFFFFFF, s2;
	s4 =	spop (v2sf)  }
0x123: {  	p1 =	sne.s32 s2, $0x0;
	p0 =	sgt.u32 s4, $0x187FF  }
.Ltmp16:
0x124: {  	s5 =	sshrl.u32 @!p0 s4, $0x3;
	(pc) =	sbr.rel @!p1 .LBB2_23-.Ltmp16, $4  }
0x125: {  	s0 =	simm.s32 $0xE0;
	s4 =	sand.u32 @!p0 $0x7, s4;
	s5 =	sadd.s32 @!p0 s1, s5  }
0x126: {  	[hbm4b:s5+s4] =	stream.linear.scatter @!p0 [tilespmem:s0], [sflag:$0x5], $0x1, $0x38;
	[tilespmem:$0x11A60] =	vst v63  }
0x127: {  	s5 =	simm.s32 $0x0  }
0x128: {  	s4 =	simm.s32 $0xC1;
	s5 =	simm.s32 @!p0 $0x4  }
.LBB2_22:
0x129: {  	v0 =	vld.msk [tilespmem:s4+$0x0], $0x1;
	s2 =	sadd.s32 $0xFFFFFFFF, s2;
	s3 =	sadd.s32 s3, s5  }
0x12a: {  	p0 =	sne.s32 s2, $0x0;
	_ =	sdelay $0x3  }
0x12b: {  	(v2sf) =	vpush v0, $0x0;
	_ =	sdelay $0xe  }
.Ltmp17:
0x12c: {  	s6 =	spop (v2sf);
	(pc) =	sbr.rel @p0 .LBB2_22-.Ltmp17, $4  }
0x12d: {  	s5 =	simm.s32 $0x0;
	p1 =	sgt.u32 s6, $0x187FF  }
0x12e: {  	s0 =	sadd.s32 $0x1, s0;
	s5 =	simm.s32 @!p1 $0x4;
	s7 =	sshrl.u32 @!p1 s6, $0x3  }
0x12f: {  	s4 =	sadd.s32 $0x1, s4;
	s6 =	sand.u32 @!p1 $0x7, s6;
	s7 =	sadd.s32 @!p1 s1, s7  }
0x130: {  	[hbm4b:s7+s6] =	stream.linear.scatter @!p1 [tilespmem:s0], [sflag:$0x5], $0x1, $0x38;
	[tilespmem:$0x11A60] =	vst v63  }
.LBB2_23:
0x131: {  	s0 =	sadd.s32 s3, s5  }
0x132: {  	s3 =	sshrl.u32 s0, $0x2  }
.LBB2_24:
0x133: {  	s0 =	simm.s32 $0x5  }
0x134: {  	_ =	swait.ge [sflag:s0], s3  }
0x135: {  	s1 =	ssub.s32 $0x0, s3;
	[sflag:s0] =	ssyncset.done $0x0  }
0x136: {  	[sflag:s0] =	ssyncadd.s32 s1  }
0x137: {  	[sflag:s0] =	ssyncpa.u1 $0x1  }
0x138: {  	s29 =	simm.s32 $0x1;
	_ =	sfence  }
0x139: {  	s30 =	simm.s32 $0x2;
	[sflag:s29] =	ssyncpa.u1 $0x1  }
0x13a: {  	[sflag:s30] =	ssyncpa.u1 $0x1  }
0x13b: {  	_ =	strace $0x90000047  }
0x13c: {  	[bflag:$0x2] =	sbarrier.arrive $0xFFFF  }
0x13d: {  	s31 =	rddreg [dreg:$0x2]  }
0x13e: {  	s0 =	sadd.s32 $0x100000, s31  }
0x13f: {  	[sflag:s0] =	ssyncadd.tile.s32 $0x1;
	_ =	shalt  }
.Lfunc_end2:
_tile_overlayer_lowered:
.L_overlay_start_2:
0x140: {  	(tag) =	ssettag $0x2  }
0x141: {  	s0 =	rddreg [dreg:$0x0];
	s2 =	stileid.u32  }
0x142: {  	s1 =	rddreg [dreg:$0x1];
	p0 =	sne.s32 s2, $0x0  }
0x143: {  	s3 =	rddreg [dreg:$0x2];
	[bflag:$0x3] =	sbarrier.arrive $0xFFFF;
	s2 =	simm.s32 @!p0 $0x1C01  }
0x144: {  	[timem:s3], [sflag:s2] =	dma.local @!p0 [hbm:s0], s1  }
0x145: {  	s0 =	simm.s32 @!p0 $0x1  }
0x146: {  	_ =	swait.ge @!p0 [sflag:s0], s1  }
0x147: {  	s1 =	ssub.s32 @!p0 $0x0, s1;
	[sflag:s0] =	ssyncset.done @!p0 $0x0  }
0x148: {  	[sflag:s0] =	ssyncadd.s32 @!p0 s1  }
0x149: {  	[bflag:$0x3] =	sbarrier.arrive $0xFFFF  }
0x14a: {  	_ =	shalt  }

</sc_bundles>
